<compile_context>
chip_gen: v7x
topology: tpu7x:2x2x1
jax: 0.10.2.dev20260603
libtpu: 0.0.44.dev20260713+nightly
codegen_flags: <defaults>
</compile_context>

<pallas_src>
import functools

import jax
import jax.numpy as jnp
import numpy as np
from jax import lax
from jax.experimental import pallas as pl
from jax.experimental.pallas import tpu as pltpu
from jax.experimental.pallas import tpu_sc as plsc

NC = 2
NS = 16
NW = NC * NS
L = 16

SLOTS = 4
SBS = 64
D1 = 128
D2 = 72


def _gather_mean_body(tok_hbm, table_hbm, out_hbm, idx_v, buf, xout_v,
                      gsem, isem0, isem1, *, hist, emb, spw):
    wid = lax.axis_index("s") * NC + lax.axis_index("c")
    nsb = spw // SBS
    ids_sb = SBS * hist
    base = wid * spw * hist
    n16 = emb // L
    scale = jnp.float32(1.0 / hist)

    def issue_idx(sb, p):
        return pltpu.async_copy(
            tok_hbm.at[pl.ds(base + sb * ids_sb, ids_sb)],
            idx_v.at[pl.ds(p * ids_sb, ids_sb)],
            isem0 if p == 0 else isem1)

    def descs(k, slot):
        off = (k & (2 * SBS - 1)) * hist
        d1 = pltpu.make_async_copy(
            table_hbm.at[idx_v.at[pl.ds(off, D1)]],
            buf.at[slot, pl.ds(0, D1)], gsem.at[slot])
        d2 = pltpu.make_async_copy(
            table_hbm.at[idx_v.at[pl.ds(off + D1, D2)]],
            buf.at[slot, pl.ds(D1, D2)], gsem.at[slot])
        return d1, d2

    def reduce_slot(slot):
        def rbody(r2, accs):
            out = list(accs)
            for u in range(4):
                row = r2 * 4 + u
                for c in range(n16):
                    out[c] = out[c] + buf[slot, row, pl.ds(c * L, L)]
            return tuple(out)
        zeros = (jnp.zeros((L,), jnp.float32),) * n16
        return lax.fori_loop(0, hist // 4, rbody, zeros)

    idx0 = issue_idx(0, 0)
    idx1 = issue_idx(1, 1)
    idx0.wait()
    idx1.wait()
    for k0 in range(SLOTS):
        d1, d2 = descs(jnp.int32(k0), k0)
        d1.start()
        d2.start()

    def run_superblock(b):
        def inner(i, _):
            for pos in range(SLOTS):
                k = b * SBS + i * SLOTS + pos
                d1, d2 = descs(k, pos)
                d1.wait()
                d2.wait()
                accs = reduce_slot(pos)
                row = k >> 1
                cb = (pos % 2) * emb
                for c in range(n16):
                    xout_v[row, pl.ds(cb + c * L, L)] = accs[c] * scale

                @pl.when(k + SLOTS < spw)
                def _():
                    n1, n2 = descs(k + SLOTS, pos)
                    n1.start()
                    n2.start()
            return 0
        lax.fori_loop(0, SBS // SLOTS, inner, 0)

    def outer(j2, _):
        @pl.when(j2 > 0)
        def _():
            pltpu.make_async_copy(
                tok_hbm.at[pl.ds(base, ids_sb)],
                idx_v.at[pl.ds(ids_sb, ids_sb)], isem1).wait()
        run_superblock(j2 * 2)

        @pl.when(j2 * 2 + 2 < nsb)
        def _():
            issue_idx(j2 * 2 + 2, 0)
            pltpu.make_async_copy(
                tok_hbm.at[pl.ds(base, ids_sb)],
                idx_v.at[pl.ds(0, ids_sb)], isem0).wait()

        run_superblock(j2 * 2 + 1)

        @pl.when(j2 * 2 + 3 < nsb)
        def _():
            issue_idx(j2 * 2 + 3, 1)
        return 0

    lax.fori_loop(0, nsb // 2, outer, 0)
    pltpu.sync_copy(xout_v, out_hbm.at[pl.ds(wid * (spw // 2), spw // 2)])


def _sc_gather_mean(tok_flat, emb_table, batch, hist):
    emb = emb_table.shape[1]
    spw = batch // NW
    mesh = plsc.VectorSubcoreMesh(core_axis_name="c", subcore_axis_name="s")
    body = functools.partial(_gather_mean_body, hist=hist, emb=emb, spw=spw)
    return pl.kernel(
        body,
        out_type=jax.ShapeDtypeStruct((batch // 2, 2 * emb), jnp.float32),
        mesh=mesh,
        scratch_types=[
            pltpu.VMEM((2 * SBS * hist,), jnp.int32),
            pltpu.VMEM((SLOTS, hist, emb), jnp.float32),
            pltpu.VMEM((spw // 2, 2 * emb), jnp.float32),
            pltpu.SemaphoreType.DMA((SLOTS,)),
            pltpu.SemaphoreType.DMA,
            pltpu.SemaphoreType.DMA,
        ],
        compiler_params=pltpu.CompilerParams(use_tc_tiling_on_sc=False),
    )(tok_flat, emb_table)


def _dense_body(x_ref, w_ref, b_ref, g_ref, be_ref, o_ref):
    x = x_ref[...]
    w = w_ref[...]
    y = lax.dot_general(x, w, (((1,), (1,)), ((), ())),
                        preferred_element_type=jnp.float32)
    y = y + b_ref[...]
    mu = jnp.mean(y, axis=1, keepdims=True)
    d = y - mu
    var = jnp.mean(d * d, axis=1, keepdims=True)
    yn = d * lax.rsqrt(var + 1e-5) * g_ref[...] + be_ref[...]
    o_ref[...] = 0.5 * yn * (1.0 + lax.erf(yn * np.float32(1.0 / np.sqrt(2.0))))


def _tc_dense(x, W, b, gamma, beta):
    batch, emb = x.shape
    blk = 1024
    grid = batch // blk
    return pl.pallas_call(
        _dense_body,
        grid=(grid,),
        in_specs=[
            pl.BlockSpec((blk, emb), lambda i: (i, 0)),
            pl.BlockSpec((emb, emb), lambda i: (0, 0)),
            pl.BlockSpec((1, emb), lambda i: (0, 0)),
            pl.BlockSpec((1, emb), lambda i: (0, 0)),
            pl.BlockSpec((1, emb), lambda i: (0, 0)),
        ],
        out_specs=pl.BlockSpec((blk, emb), lambda i: (i, 0)),
        out_shape=jax.ShapeDtypeStruct((batch, emb), jnp.float32),
    )(x, W, b.reshape(1, emb), gamma.reshape(1, emb), beta.reshape(1, emb))


def kernel(token_ids, emb_table, W, b, gamma, beta):
    batch, hist = token_ids.shape
    emb = emb_table.shape[1]
    tok_flat = token_ids.astype(jnp.int32).reshape(batch * hist)
    x2 = _sc_gather_mean(tok_flat, emb_table, batch, hist)
    x = x2.reshape(batch, emb)
    return _tc_dense(x, W, b, gamma, beta)

# --- scband reference (transcript-rebuilt; emitter-appended) ---
"""Pipeline reference for scband-geo-linguistic-encoder-34737695490163 (READ-ONLY COPY).

The authoritative reference and input builder live on the scoring server;
editing this copy changes nothing except your own understanding.
"""

import jax, jax.numpy as jnp
import numpy as np

VOCAB = 1000000
EMB = 64
BATCH = 16384
HIST = 200

def setup_inputs(seed: int = 0) -> dict:
    key = jax.random.key(seed)
    k1, k2, k3, k4 = jax.random.split(key, 4)
    token_ids = jax.random.randint(k1, (BATCH, HIST), 0, VOCAB, dtype=jnp.int64 if jax.config.jax_enable_x64 else jnp.int32)
    emb_table = jax.random.normal(k2, (VOCAB, EMB), dtype=jnp.float32) * 0.02
    W = jax.random.normal(k3, (EMB, EMB), dtype=jnp.float32) * (1.0 / np.sqrt(EMB))
    b = jnp.zeros((EMB,), dtype=jnp.float32)
    gamma = jnp.ones((EMB,), dtype=jnp.float32)
    beta = jnp.zeros((EMB,), dtype=jnp.float32)
    return {"token_ids": token_ids, "emb_table": emb_table, "W": W, "b": b, "gamma": gamma, "beta": beta}

def reference(token_ids, emb_table, W, b, gamma, beta):
    # nn.Embedding lookup -> gather
    gathered = jnp.take(emb_table, token_ids, axis=0)  # [B, L, D]
    # mean over sequence dim
    x = gathered.mean(axis=1)  # [B, D]
    # nn.Linear: y = x @ W.T + b
    y = x @ W.T + b
    # nn.LayerNorm (biased variance, eps=1e-5)
    mu = y.mean(axis=-1, keepdims=True)
    var = jnp.mean((y - mu) ** 2, axis=-1, keepdims=True)
    yn = (y - mu) / jnp.sqrt(var + 1e-5) * gamma + beta
    # exact GELU (torch default)
    return jax.nn.gelu(yn, approximate=False)

if __name__ == "__main__":
    import jax
    _d = setup_inputs()
    print(jax.jit(kernel)(*tuple(_d.values())))

</pallas_src>

<mosaic_0001>
#map = affine_map<(d0, d1) -> (0)>
#map1 = affine_map<(d0, d1) -> (0, 0)>
module attributes {stable_mosaic.version = 14 : i64} {
  func.func @_gather_mean_body(%arg0: i32, %arg1: i32, %arg2: memref<3276800xi32, #tpu.memory_space<hbm>>, %arg3: memref<1000000x64xf32, #tpu.memory_space<hbm>>, %arg4: memref<8192x128xf32, #tpu.memory_space<hbm>>, %arg5: memref<25600xi32, #tpu.memory_space<vmem>>, %arg6: memref<4x200x64xf32, #tpu.memory_space<vmem>>, %arg7: memref<256x128xf32, #tpu.memory_space<vmem>>, %arg8: memref<4x!tpu.dma_semaphore, #tpu.memory_space<semaphore_mem>>, %arg9: memref<!tpu.dma_semaphore, #tpu.memory_space<semaphore_mem>>, %arg10: memref<!tpu.dma_semaphore, #tpu.memory_space<semaphore_mem>>) attributes {dimension_semantics = [#tpu.dimension_semantics<core_parallel>, #tpu.dimension_semantics<subcore_parallel>], iteration_bounds = array<i64: 2, 16>, scalar_prefetch = 0 : i64, scratch_operands = 6 : i64, tpu.core_type = #tpu.core_type<sc_vector_subcore>, window_params = [{transform_indices = #map}, {transform_indices = #map1}, {transform_indices = #map1}]} {
    %mul3A = arith.constant 2 : i32
    %mul3A_0 = arith.muli %arg1, %mul3A : i32
    %add3A = arith.addi %mul3A_0, %arg0 : i32
    %mul3A_1 = arith.constant 512 : i32
    %mul3A_2 = arith.muli %add3A, %mul3A_1 : i32
    %mul3A_3 = arith.constant 200 : i32
    %mul3A_4 = arith.muli %mul3A_2, %mul3A_3 : i32
    %add3A_5 = arith.constant 0 : i32
    %add3A_6 = arith.addi %mul3A_4, %add3A_5 : i32
    %dma_start3A = arith.constant 0 : i32
    %dma_start3A_7 = tpu.memref_slice %arg5[%dma_start3A] : memref<25600xi32, #tpu.memory_space<vmem>> -> memref<12800xi32, #tpu.memory_space<vmem>>
    %dma_start3A_8 = tpu.memref_slice %arg2[%add3A_6] : memref<3276800xi32, #tpu.memory_space<hbm>> -> memref<12800xi32, #tpu.memory_space<hbm>>
    %dma_start3A_9 = arith.constant 0 : i32
    %dma_start3A_10 = tpu.memref_slice %arg5[%dma_start3A_9] : memref<25600xi32, #tpu.memory_space<vmem>> -> memref<12800xi32, #tpu.memory_space<vmem>>
    %dma_start3A_11 = tpu.memref_slice %arg2[%add3A_6] : memref<3276800xi32, #tpu.memory_space<hbm>> -> memref<12800xi32, #tpu.memory_space<hbm>>
    tpu.enqueue_dma source(%dma_start3A_11 : memref<12800xi32, #tpu.memory_space<hbm>>) target(%dma_start3A_10 : memref<12800xi32, #tpu.memory_space<vmem>>) target_semaphore(%arg9 : memref<!tpu.dma_semaphore, #tpu.memory_space<semaphore_mem>>)
    %add3A_12 = arith.constant 12800 : i32
    %add3A_13 = arith.addi %mul3A_4, %add3A_12 : i32
    %dma_start3A_14 = arith.constant 12800 : i32
    %dma_start3A_15 = tpu.memref_slice %arg5[%dma_start3A_14] : memref<25600xi32, #tpu.memory_space<vmem>> -> memref<12800xi32, #tpu.memory_space<vmem>>
    %dma_start3A_16 = tpu.memref_slice %arg2[%add3A_13] : memref<3276800xi32, #tpu.memory_space<hbm>> -> memref<12800xi32, #tpu.memory_space<hbm>>
    %dma_start3A_17 = arith.constant 12800 : i32
    %dma_start3A_18 = tpu.memref_slice %arg5[%dma_start3A_17] : memref<25600xi32, #tpu.memory_space<vmem>> -> memref<12800xi32, #tpu.memory_space<vmem>>
    %dma_start3A_19 = tpu.memref_slice %arg2[%add3A_13] : memref<3276800xi32, #tpu.memory_space<hbm>> -> memref<12800xi32, #tpu.memory_space<hbm>>
    tpu.enqueue_dma source(%dma_start3A_19 : memref<12800xi32, #tpu.memory_space<hbm>>) target(%dma_start3A_18 : memref<12800xi32, #tpu.memory_space<vmem>>) target_semaphore(%arg10 : memref<!tpu.dma_semaphore, #tpu.memory_space<semaphore_mem>>)
    %dma_wait3A = arith.constant 0 : i32
    %dma_wait3A_20 = tpu.memref_slice %arg5[%dma_wait3A] : memref<25600xi32, #tpu.memory_space<vmem>> -> memref<12800xi32, #tpu.memory_space<vmem>>
    %dma_wait3A_21 = tpu.memref_slice %arg2[%add3A_6] : memref<3276800xi32, #tpu.memory_space<hbm>> -> memref<12800xi32, #tpu.memory_space<hbm>>
    %dma_wait3A_22 = arith.constant 0 : i32
    %dma_wait3A_23 = tpu.memref_slice %arg5[%dma_wait3A_22] : memref<25600xi32, #tpu.memory_space<vmem>> -> memref<12800xi32, #tpu.memory_space<vmem>>
    %dma_wait3A_24 = tpu.memref_slice %arg2[%add3A_6] : memref<3276800xi32, #tpu.memory_space<hbm>> -> memref<12800xi32, #tpu.memory_space<hbm>>
    tpu.wait_dma2 semaphore(%arg9 : memref<!tpu.dma_semaphore, #tpu.memory_space<semaphore_mem>>) src(%dma_wait3A_24 : memref<12800xi32, #tpu.memory_space<hbm>>) dst(%dma_wait3A_23 : memref<12800xi32, #tpu.memory_space<vmem>>)
    %dma_wait3A_25 = arith.constant 12800 : i32
    %dma_wait3A_26 = tpu.memref_slice %arg5[%dma_wait3A_25] : memref<25600xi32, #tpu.memory_space<vmem>> -> memref<12800xi32, #tpu.memory_space<vmem>>
    %dma_wait3A_27 = tpu.memref_slice %arg2[%add3A_13] : memref<3276800xi32, #tpu.memory_space<hbm>> -> memref<12800xi32, #tpu.memory_space<hbm>>
    %dma_wait3A_28 = arith.constant 12800 : i32
    %dma_wait3A_29 = tpu.memref_slice %arg5[%dma_wait3A_28] : memref<25600xi32, #tpu.memory_space<vmem>> -> memref<12800xi32, #tpu.memory_space<vmem>>
    %dma_wait3A_30 = tpu.memref_slice %arg2[%add3A_13] : memref<3276800xi32, #tpu.memory_space<hbm>> -> memref<12800xi32, #tpu.memory_space<hbm>>
    tpu.wait_dma2 semaphore(%arg10 : memref<!tpu.dma_semaphore, #tpu.memory_space<semaphore_mem>>) src(%dma_wait3A_30 : memref<12800xi32, #tpu.memory_space<hbm>>) dst(%dma_wait3A_29 : memref<12800xi32, #tpu.memory_space<vmem>>)
    %and3A = arith.constant 0 : i32
    %and3A_31 = arith.constant 127 : i32
    %and3A_32 = arith.andi %and3A, %and3A_31 : i32
    %mul3A_33 = arith.constant 200 : i32
    %mul3A_34 = arith.muli %and3A_32, %mul3A_33 : i32
    %add3A_35 = arith.constant 128 : i32
    %add3A_36 = arith.addi %mul3A_34, %add3A_35 : i32
    %dma_start3A_37 = arith.constant 0 : i32
    %dma_start3A_38 = arith.constant 0 : i32
    %dma_start3A_39 = arith.constant 0 : i32
    %dma_start3A_40 = arith.constant 0 : i32
    %dma_start3A_41 = tpu.memref_slice %arg6[%dma_start3A_37, %dma_start3A_39, %dma_start3A_40] : memref<4x200x64xf32, #tpu.memory_space<vmem>> -> memref<1x128x64xf32, #tpu.memory_space<vmem>>
    %dma_start3A_42 = tpu.memref_squeeze %dma_start3A_41 : memref<1x128x64xf32, #tpu.memory_space<vmem>> -> memref<128x64xf32, #tpu.memory_space<vmem>>
    %dma_start3A_43 = tpu.memref_slice %arg5[%mul3A_34] : memref<25600xi32, #tpu.memory_space<vmem>> -> memref<128xi32, #tpu.memory_space<vmem>>
    %dma_start3A_44 = arith.constant 0 : i32
    %dma_start3A_45 = arith.constant 0 : i32
    %dma_start3A_46 = tpu.memref_slice %arg3[%dma_start3A_44, %dma_start3A_45] : memref<1000000x64xf32, #tpu.memory_space<hbm>> -> memref<1000000x64xf32, #tpu.memory_space<hbm>>
    %dma_start3A_47 = tpu.memref_slice %arg8[%dma_start3A_38] : memref<4x!tpu.dma_semaphore, #tpu.memory_space<semaphore_mem>> -> memref<1x!tpu.dma_semaphore, #tpu.memory_space<semaphore_mem>>
    %dma_start3A_48 = tpu.memref_squeeze %dma_start3A_47 : memref<1x!tpu.dma_semaphore, #tpu.memory_space<semaphore_mem>> -> memref<!tpu.dma_semaphore, #tpu.memory_space<semaphore_mem>>
    tpu.enqueue_indirect_dma source(%dma_start3A_46 : memref<1000000x64xf32, #tpu.memory_space<hbm>>) target(%dma_start3A_42 : memref<128x64xf32, #tpu.memory_space<vmem>>) offsets(%dma_start3A_43 : memref<128xi32, #tpu.memory_space<vmem>>) semaphore(%dma_start3A_48 : memref<!tpu.dma_semaphore, #tpu.memory_space<semaphore_mem>>)
    %dma_start3A_49 = arith.constant 0 : i32
    %dma_start3A_50 = arith.constant 0 : i32
    %dma_start3A_51 = arith.constant 128 : i32
    %dma_start3A_52 = arith.constant 0 : i32
    %dma_start3A_53 = tpu.memref_slice %arg6[%dma_start3A_49, %dma_start3A_51, %dma_start3A_52] : memref<4x200x64xf32, #tpu.memory_space<vmem>> -> memref<1x72x64xf32, #tpu.memory_space<vmem>>
    %dma_start3A_54 = tpu.memref_squeeze %dma_start3A_53 : memref<1x72x64xf32, #tpu.memory_space<vmem>> -> memref<72x64xf32, #tpu.memory_space<vmem>>
    %dma_start3A_55 = tpu.memref_slice %arg5[%add3A_36] : memref<25600xi32, #tpu.memory_space<vmem>> -> memref<72xi32, #tpu.memory_space<vmem>>
    %dma_start3A_56 = arith.constant 0 : i32
    %dma_start3A_57 = arith.constant 0 : i32
    %dma_start3A_58 = tpu.memref_slice %arg3[%dma_start3A_56, %dma_start3A_57] : memref<1000000x64xf32, #tpu.memory_space<hbm>> -> memref<1000000x64xf32, #tpu.memory_space<hbm>>
    %dma_start3A_59 = tpu.memref_slice %arg8[%dma_start3A_50] : memref<4x!tpu.dma_semaphore, #tpu.memory_space<semaphore_mem>> -> memref<1x!tpu.dma_semaphore, #tpu.memory_space<semaphore_mem>>
    %dma_start3A_60 = tpu.memref_squeeze %dma_start3A_59 : memref<1x!tpu.dma_semaphore, #tpu.memory_space<semaphore_mem>> -> memref<!tpu.dma_semaphore, #tpu.memory_space<semaphore_mem>>
    tpu.enqueue_indirect_dma source(%dma_start3A_58 : memref<1000000x64xf32, #tpu.memory_space<hbm>>) target(%dma_start3A_54 : memref<72x64xf32, #tpu.memory_space<vmem>>) offsets(%dma_start3A_55 : memref<72xi32, #tpu.memory_space<vmem>>) semaphore(%dma_start3A_60 : memref<!tpu.dma_semaphore, #tpu.memory_space<semaphore_mem>>)
    %and3A_61 = arith.constant 1 : i32
    %and3A_62 = arith.constant 127 : i32
    %and3A_63 = arith.andi %and3A_61, %and3A_62 : i32
    %mul3A_64 = arith.constant 200 : i32
    %mul3A_65 = arith.muli %and3A_63, %mul3A_64 : i32
    %add3A_66 = arith.constant 128 : i32
    %add3A_67 = arith.addi %mul3A_65, %add3A_66 : i32
    %dma_start3A_68 = arith.constant 1 : i32
    %dma_start3A_69 = arith.constant 1 : i32
    %dma_start3A_70 = arith.constant 0 : i32
    %dma_start3A_71 = arith.constant 0 : i32
    %dma_start3A_72 = tpu.memref_slice %arg6[%dma_start3A_68, %dma_start3A_70, %dma_start3A_71] : memref<4x200x64xf32, #tpu.memory_space<vmem>> -> memref<1x128x64xf32, #tpu.memory_space<vmem>>
    %dma_start3A_73 = tpu.memref_squeeze %dma_start3A_72 : memref<1x128x64xf32, #tpu.memory_space<vmem>> -> memref<128x64xf32, #tpu.memory_space<vmem>>
    %dma_start3A_74 = tpu.memref_slice %arg5[%mul3A_65] : memref<25600xi32, #tpu.memory_space<vmem>> -> memref<128xi32, #tpu.memory_space<vmem>>
    %dma_start3A_75 = arith.constant 0 : i32
    %dma_start3A_76 = arith.constant 0 : i32
    %dma_start3A_77 = tpu.memref_slice %arg3[%dma_start3A_75, %dma_start3A_76] : memref<1000000x64xf32, #tpu.memory_space<hbm>> -> memref<1000000x64xf32, #tpu.memory_space<hbm>>
    %dma_start3A_78 = tpu.memref_slice %arg8[%dma_start3A_69] : memref<4x!tpu.dma_semaphore, #tpu.memory_space<semaphore_mem>> -> memref<1x!tpu.dma_semaphore, #tpu.memory_space<semaphore_mem>>
    %dma_start3A_79 = tpu.memref_squeeze %dma_start3A_78 : memref<1x!tpu.dma_semaphore, #tpu.memory_space<semaphore_mem>> -> memref<!tpu.dma_semaphore, #tpu.memory_space<semaphore_mem>>
    tpu.enqueue_indirect_dma source(%dma_start3A_77 : memref<1000000x64xf32, #tpu.memory_space<hbm>>) target(%dma_start3A_73 : memref<128x64xf32, #tpu.memory_space<vmem>>) offsets(%dma_start3A_74 : memref<128xi32, #tpu.memory_space<vmem>>) semaphore(%dma_start3A_79 : memref<!tpu.dma_semaphore, #tpu.memory_space<semaphore_mem>>)
    %dma_start3A_80 = arith.constant 1 : i32
    %dma_start3A_81 = arith.constant 1 : i32
    %dma_start3A_82 = arith.constant 128 : i32
    %dma_start3A_83 = arith.constant 0 : i32
    %dma_start3A_84 = tpu.memref_slice %arg6[%dma_start3A_80, %dma_start3A_82, %dma_start3A_83] : memref<4x200x64xf32, #tpu.memory_space<vmem>> -> memref<1x72x64xf32, #tpu.memory_space<vmem>>
    %dma_start3A_85 = tpu.memref_squeeze %dma_start3A_84 : memref<1x72x64xf32, #tpu.memory_space<vmem>> -> memref<72x64xf32, #tpu.memory_space<vmem>>
    %dma_start3A_86 = tpu.memref_slice %arg5[%add3A_67] : memref<25600xi32, #tpu.memory_space<vmem>> -> memref<72xi32, #tpu.memory_space<vmem>>
    %dma_start3A_87 = arith.constant 0 : i32
    %dma_start3A_88 = arith.constant 0 : i32
    %dma_start3A_89 = tpu.memref_slice %arg3[%dma_start3A_87, %dma_start3A_88] : memref<1000000x64xf32, #tpu.memory_space<hbm>> -> memref<1000000x64xf32, #tpu.memory_space<hbm>>
    %dma_start3A_90 = tpu.memref_slice %arg8[%dma_start3A_81] : memref<4x!tpu.dma_semaphore, #tpu.memory_space<semaphore_mem>> -> memref<1x!tpu.dma_semaphore, #tpu.memory_space<semaphore_mem>>
    %dma_start3A_91 = tpu.memref_squeeze %dma_start3A_90 : memref<1x!tpu.dma_semaphore, #tpu.memory_space<semaphore_mem>> -> memref<!tpu.dma_semaphore, #tpu.memory_space<semaphore_mem>>
    tpu.enqueue_indirect_dma source(%dma_start3A_89 : memref<1000000x64xf32, #tpu.memory_space<hbm>>) target(%dma_start3A_85 : memref<72x64xf32, #tpu.memory_space<vmem>>) offsets(%dma_start3A_86 : memref<72xi32, #tpu.memory_space<vmem>>) semaphore(%dma_start3A_91 : memref<!tpu.dma_semaphore, #tpu.memory_space<semaphore_mem>>)
    %and3A_92 = arith.constant 2 : i32
    %and3A_93 = arith.constant 127 : i32
    %and3A_94 = arith.andi %and3A_92, %and3A_93 : i32
    %mul3A_95 = arith.constant 200 : i32
    %mul3A_96 = arith.muli %and3A_94, %mul3A_95 : i32
    %add3A_97 = arith.constant 128 : i32
    %add3A_98 = arith.addi %mul3A_96, %add3A_97 : i32
    %dma_start3A_99 = arith.constant 2 : i32
    %dma_start3A_100 = arith.constant 2 : i32
    %dma_start3A_101 = arith.constant 0 : i32
    %dma_start3A_102 = arith.constant 0 : i32
    %dma_start3A_103 = tpu.memref_slice %arg6[%dma_start3A_99, %dma_start3A_101, %dma_start3A_102] : memref<4x200x64xf32, #tpu.memory_space<vmem>> -> memref<1x128x64xf32, #tpu.memory_space<vmem>>
    %dma_start3A_104 = tpu.memref_squeeze %dma_start3A_103 : memref<1x128x64xf32, #tpu.memory_space<vmem>> -> memref<128x64xf32, #tpu.memory_space<vmem>>
    %dma_start3A_105 = tpu.memref_slice %arg5[%mul3A_96] : memref<25600xi32, #tpu.memory_space<vmem>> -> memref<128xi32, #tpu.memory_space<vmem>>
    %dma_start3A_106 = arith.constant 0 : i32
    %dma_start3A_107 = arith.constant 0 : i32
    %dma_start3A_108 = tpu.memref_slice %arg3[%dma_start3A_106, %dma_start3A_107] : memref<1000000x64xf32, #tpu.memory_space<hbm>> -> memref<1000000x64xf32, #tpu.memory_space<hbm>>
    %dma_start3A_109 = tpu.memref_slice %arg8[%dma_start3A_100] : memref<4x!tpu.dma_semaphore, #tpu.memory_space<semaphore_mem>> -> memref<1x!tpu.dma_semaphore, #tpu.memory_space<semaphore_mem>>
    %dma_start3A_110 = tpu.memref_squeeze %dma_start3A_109 : memref<1x!tpu.dma_semaphore, #tpu.memory_space<semaphore_mem>> -> memref<!tpu.dma_semaphore, #tpu.memory_space<semaphore_mem>>
    tpu.enqueue_indirect_dma source(%dma_start3A_108 : memref<1000000x64xf32, #tpu.memory_space<hbm>>) target(%dma_start3A_104 : memref<128x64xf32, #tpu.memory_space<vmem>>) offsets(%dma_start3A_105 : memref<128xi32, #tpu.memory_space<vmem>>) semaphore(%dma_start3A_110 : memref<!tpu.dma_semaphore, #tpu.memory_space<semaphore_mem>>)
    %dma_start3A_111 = arith.constant 2 : i32
    %dma_start3A_112 = arith.constant 2 : i32
    %dma_start3A_113 = arith.constant 128 : i32
    %dma_start3A_114 = arith.constant 0 : i32
    %dma_start3A_115 = tpu.memref_slice %arg6[%dma_start3A_111, %dma_start3A_113, %dma_start3A_114] : memref<4x200x64xf32, #tpu.memory_space<vmem>> -> memref<1x72x64xf32, #tpu.memory_space<vmem>>
    %dma_start3A_116 = tpu.memref_squeeze %dma_start3A_115 : memref<1x72x64xf32, #tpu.memory_space<vmem>> -> memref<72x64xf32, #tpu.memory_space<vmem>>
    %dma_start3A_117 = tpu.memref_slice %arg5[%add3A_98] : memref<25600xi32, #tpu.memory_space<vmem>> -> memref<72xi32, #tpu.memory_space<vmem>>
    %dma_start3A_118 = arith.constant 0 : i32
    %dma_start3A_119 = arith.constant 0 : i32
    %dma_start3A_120 = tpu.memref_slice %arg3[%dma_start3A_118, %dma_start3A_119] : memref<1000000x64xf32, #tpu.memory_space<hbm>> -> memref<1000000x64xf32, #tpu.memory_space<hbm>>
    %dma_start3A_121 = tpu.memref_slice %arg8[%dma_start3A_112] : memref<4x!tpu.dma_semaphore, #tpu.memory_space<semaphore_mem>> -> memref<1x!tpu.dma_semaphore, #tpu.memory_space<semaphore_mem>>
    %dma_start3A_122 = tpu.memref_squeeze %dma_start3A_121 : memref<1x!tpu.dma_semaphore, #tpu.memory_space<semaphore_mem>> -> memref<!tpu.dma_semaphore, #tpu.memory_space<semaphore_mem>>
    tpu.enqueue_indirect_dma source(%dma_start3A_120 : memref<1000000x64xf32, #tpu.memory_space<hbm>>) target(%dma_start3A_116 : memref<72x64xf32, #tpu.memory_space<vmem>>) offsets(%dma_start3A_117 : memref<72xi32, #tpu.memory_space<vmem>>) semaphore(%dma_start3A_122 : memref<!tpu.dma_semaphore, #tpu.memory_space<semaphore_mem>>)
    %and3A_123 = arith.constant 3 : i32
    %and3A_124 = arith.constant 127 : i32
    %and3A_125 = arith.andi %and3A_123, %and3A_124 : i32
    %mul3A_126 = arith.constant 200 : i32
    %mul3A_127 = arith.muli %and3A_125, %mul3A_126 : i32
    %add3A_128 = arith.constant 128 : i32
    %add3A_129 = arith.addi %mul3A_127, %add3A_128 : i32
    %dma_start3A_130 = arith.constant 3 : i32
    %dma_start3A_131 = arith.constant 3 : i32
    %dma_start3A_132 = arith.constant 0 : i32
    %dma_start3A_133 = arith.constant 0 : i32
    %dma_start3A_134 = tpu.memref_slice %arg6[%dma_start3A_130, %dma_start3A_132, %dma_start3A_133] : memref<4x200x64xf32, #tpu.memory_space<vmem>> -> memref<1x128x64xf32, #tpu.memory_space<vmem>>
    %dma_start3A_135 = tpu.memref_squeeze %dma_start3A_134 : memref<1x128x64xf32, #tpu.memory_space<vmem>> -> memref<128x64xf32, #tpu.memory_space<vmem>>
    %dma_start3A_136 = tpu.memref_slice %arg5[%mul3A_127] : memref<25600xi32, #tpu.memory_space<vmem>> -> memref<128xi32, #tpu.memory_space<vmem>>
    %dma_start3A_137 = arith.constant 0 : i32
    %dma_start3A_138 = arith.constant 0 : i32
    %dma_start3A_139 = tpu.memref_slice %arg3[%dma_start3A_137, %dma_start3A_138] : memref<1000000x64xf32, #tpu.memory_space<hbm>> -> memref<1000000x64xf32, #tpu.memory_space<hbm>>
    %dma_start3A_140 = tpu.memref_slice %arg8[%dma_start3A_131] : memref<4x!tpu.dma_semaphore, #tpu.memory_space<semaphore_mem>> -> memref<1x!tpu.dma_semaphore, #tpu.memory_space<semaphore_mem>>
    %dma_start3A_141 = tpu.memref_squeeze %dma_start3A_140 : memref<1x!tpu.dma_semaphore, #tpu.memory_space<semaphore_mem>> -> memref<!tpu.dma_semaphore, #tpu.memory_space<semaphore_mem>>
    tpu.enqueue_indirect_dma source(%dma_start3A_139 : memref<1000000x64xf32, #tpu.memory_space<hbm>>) target(%dma_start3A_135 : memref<128x64xf32, #tpu.memory_space<vmem>>) offsets(%dma_start3A_136 : memref<128xi32, #tpu.memory_space<vmem>>) semaphore(%dma_start3A_141 : memref<!tpu.dma_semaphore, #tpu.memory_space<semaphore_mem>>)
    %dma_start3A_142 = arith.constant 3 : i32
    %dma_start3A_143 = arith.constant 3 : i32
    %dma_start3A_144 = arith.constant 128 : i32
    %dma_start3A_145 = arith.constant 0 : i32
    %dma_start3A_146 = tpu.memref_slice %arg6[%dma_start3A_142, %dma_start3A_144, %dma_start3A_145] : memref<4x200x64xf32, #tpu.memory_space<vmem>> -> memref<1x72x64xf32, #tpu.memory_space<vmem>>
    %dma_start3A_147 = tpu.memref_squeeze %dma_start3A_146 : memref<1x72x64xf32, #tpu.memory_space<vmem>> -> memref<72x64xf32, #tpu.memory_space<vmem>>
    %dma_start3A_148 = tpu.memref_slice %arg5[%add3A_129] : memref<25600xi32, #tpu.memory_space<vmem>> -> memref<72xi32, #tpu.memory_space<vmem>>
    %dma_start3A_149 = arith.constant 0 : i32
    %dma_start3A_150 = arith.constant 0 : i32
    %dma_start3A_151 = tpu.memref_slice %arg3[%dma_start3A_149, %dma_start3A_150] : memref<1000000x64xf32, #tpu.memory_space<hbm>> -> memref<1000000x64xf32, #tpu.memory_space<hbm>>
    %dma_start3A_152 = tpu.memref_slice %arg8[%dma_start3A_143] : memref<4x!tpu.dma_semaphore, #tpu.memory_space<semaphore_mem>> -> memref<1x!tpu.dma_semaphore, #tpu.memory_space<semaphore_mem>>
    %dma_start3A_153 = tpu.memref_squeeze %dma_start3A_152 : memref<1x!tpu.dma_semaphore, #tpu.memory_space<semaphore_mem>> -> memref<!tpu.dma_semaphore, #tpu.memory_space<semaphore_mem>>
    tpu.enqueue_indirect_dma source(%dma_start3A_151 : memref<1000000x64xf32, #tpu.memory_space<hbm>>) target(%dma_start3A_147 : memref<72x64xf32, #tpu.memory_space<vmem>>) offsets(%dma_start3A_148 : memref<72xi32, #tpu.memory_space<vmem>>) semaphore(%dma_start3A_153 : memref<!tpu.dma_semaphore, #tpu.memory_space<semaphore_mem>>)
    %scan3A = arith.constant 5.000000e-03 : f32
    %scan3A_154 = arith.constant 0 : i32
    %scan3A_155 = arith.constant 0 : i32
    %scan3A_156 = arith.constant 4 : i32
    %scan3A_157 = arith.addi %scan3A_155, %scan3A_156 : i32
    %scan3A_158 = arith.constant 1 : i32
    %scan3A_159 = scf.for %scan3A_163 = %scan3A_155 to %scan3A_157 step %scan3A_158 iter_args(%scan3A_164 = %scan3A_154) -> (i32)  : i32 {
      %gt3A = arith.constant 0 : i32
      %gt3A_165 = arith.cmpi sgt, %scan3A_163, %gt3A : i32
      %convert_element_type3A = arith.extui %gt3A_165 : i1 to i32
      %cond3A = arith.constant 0 : i32
      %cond3A_166 = arith.cmpi ne, %convert_element_type3A, %cond3A : i32
      scf.if %cond3A_166 {
        %dma_wait3A_205 = arith.constant 12800 : i32
        %dma_wait3A_206 = tpu.memref_slice %arg5[%dma_wait3A_205] : memref<25600xi32, #tpu.memory_space<vmem>> -> memref<12800xi32, #tpu.memory_space<vmem>>
        %dma_wait3A_207 = tpu.memref_slice %arg2[%mul3A_4] : memref<3276800xi32, #tpu.memory_space<hbm>> -> memref<12800xi32, #tpu.memory_space<hbm>>
        %dma_wait3A_208 = arith.constant 12800 : i32
        %dma_wait3A_209 = tpu.memref_slice %arg5[%dma_wait3A_208] : memref<25600xi32, #tpu.memory_space<vmem>> -> memref<12800xi32, #tpu.memory_space<vmem>>
        %dma_wait3A_210 = tpu.memref_slice %arg2[%mul3A_4] : memref<3276800xi32, #tpu.memory_space<hbm>> -> memref<12800xi32, #tpu.memory_space<hbm>>
        tpu.wait_dma2 semaphore(%arg10 : memref<!tpu.dma_semaphore, #tpu.memory_space<semaphore_mem>>) src(%dma_wait3A_210 : memref<12800xi32, #tpu.memory_space<hbm>>) dst(%dma_wait3A_209 : memref<12800xi32, #tpu.memory_space<vmem>>)
      } else {
      }
      %mul3A_167 = arith.constant 2 : i32
      %mul3A_168 = arith.muli %scan3A_163, %mul3A_167 : i32
      %scan3A_169 = arith.constant 0 : i32
      %scan3A_170 = arith.constant 0 : i32
      %scan3A_171 = arith.constant 16 : i32
      %scan3A_172 = arith.addi %scan3A_170, %scan3A_171 : i32
      %scan3A_173 = arith.constant 1 : i32
      %scan3A_174 = scf.for %scan3A_205 = %scan3A_170 to %scan3A_172 step %scan3A_173 iter_args(%scan3A_206 = %scan3A_169) -> (i32)  : i32 {
        %mul3A_207 = arith.constant 64 : i32
        %mul3A_208 = arith.muli %mul3A_168, %mul3A_207 : i32
        %mul3A_209 = arith.constant 4 : i32
        %mul3A_210 = arith.muli %scan3A_205, %mul3A_209 : i32
        %add3A_211 = arith.addi %mul3A_208, %mul3A_210 : i32
        %add3A_212 = arith.constant 0 : i32
        %add3A_213 = arith.addi %add3A_211, %add3A_212 : i32
        %and3A_214 = arith.constant 127 : i32
        %and3A_215 = arith.andi %add3A_213, %and3A_214 : i32
        %mul3A_216 = arith.constant 200 : i32
        %mul3A_217 = arith.muli %and3A_215, %mul3A_216 : i32
        %add3A_218 = arith.constant 128 : i32
        %add3A_219 = arith.addi %mul3A_217, %add3A_218 : i32
        %dma_wait3A_220 = arith.constant 0 : i32
        %dma_wait3A_221 = arith.constant 0 : i32
        %dma_wait3A_222 = arith.constant 0 : i32
        %dma_wait3A_223 = arith.constant 0 : i32
        %dma_wait3A_224 = tpu.memref_slice %arg6[%dma_wait3A_220, %dma_wait3A_222, %dma_wait3A_223] : memref<4x200x64xf32, #tpu.memory_space<vmem>> -> memref<1x128x64xf32, #tpu.memory_space<vmem>>
        %dma_wait3A_225 = tpu.memref_squeeze %dma_wait3A_224 : memref<1x128x64xf32, #tpu.memory_space<vmem>> -> memref<128x64xf32, #tpu.memory_space<vmem>>
        %dma_wait3A_226 = tpu.memref_slice %arg5[%mul3A_217] : memref<25600xi32, #tpu.memory_space<vmem>> -> memref<128xi32, #tpu.memory_space<vmem>>
        %dma_wait3A_227 = arith.constant 0 : i32
        %dma_wait3A_228 = arith.constant 0 : i32
        %dma_wait3A_229 = tpu.memref_slice %arg3[%dma_wait3A_227, %dma_wait3A_228] : memref<1000000x64xf32, #tpu.memory_space<hbm>> -> memref<1000000x64xf32, #tpu.memory_space<hbm>>
        %dma_wait3A_230 = tpu.memref_slice %arg8[%dma_wait3A_221] : memref<4x!tpu.dma_semaphore, #tpu.memory_space<semaphore_mem>> -> memref<1x!tpu.dma_semaphore, #tpu.memory_space<semaphore_mem>>
        %dma_wait3A_231 = tpu.memref_squeeze %dma_wait3A_230 : memref<1x!tpu.dma_semaphore, #tpu.memory_space<semaphore_mem>> -> memref<!tpu.dma_semaphore, #tpu.memory_space<semaphore_mem>>
        tpu.wait_indirect_dma semaphore(%dma_wait3A_231 : memref<!tpu.dma_semaphore, #tpu.memory_space<semaphore_mem>>) src(%dma_wait3A_229 : memref<1000000x64xf32, #tpu.memory_space<hbm>>) dst(%dma_wait3A_225 : memref<128x64xf32, #tpu.memory_space<vmem>>)
        %dma_wait3A_232 = arith.constant 0 : i32
        %dma_wait3A_233 = arith.constant 0 : i32
        %dma_wait3A_234 = arith.constant 128 : i32
        %dma_wait3A_235 = arith.constant 0 : i32
        %dma_wait3A_236 = tpu.memref_slice %arg6[%dma_wait3A_232, %dma_wait3A_234, %dma_wait3A_235] : memref<4x200x64xf32, #tpu.memory_space<vmem>> -> memref<1x72x64xf32, #tpu.memory_space<vmem>>
        %dma_wait3A_237 = tpu.memref_squeeze %dma_wait3A_236 : memref<1x72x64xf32, #tpu.memory_space<vmem>> -> memref<72x64xf32, #tpu.memory_space<vmem>>
        %dma_wait3A_238 = tpu.memref_slice %arg5[%add3A_219] : memref<25600xi32, #tpu.memory_space<vmem>> -> memref<72xi32, #tpu.memory_space<vmem>>
        %dma_wait3A_239 = arith.constant 0 : i32
        %dma_wait3A_240 = arith.constant 0 : i32
        %dma_wait3A_241 = tpu.memref_slice %arg3[%dma_wait3A_239, %dma_wait3A_240] : memref<1000000x64xf32, #tpu.memory_space<hbm>> -> memref<1000000x64xf32, #tpu.memory_space<hbm>>
        %dma_wait3A_242 = tpu.memref_slice %arg8[%dma_wait3A_233] : memref<4x!tpu.dma_semaphore, #tpu.memory_space<semaphore_mem>> -> memref<1x!tpu.dma_semaphore, #tpu.memory_space<semaphore_mem>>
        %dma_wait3A_243 = tpu.memref_squeeze %dma_wait3A_242 : memref<1x!tpu.dma_semaphore, #tpu.memory_space<semaphore_mem>> -> memref<!tpu.dma_semaphore, #tpu.memory_space<semaphore_mem>>
        tpu.wait_indirect_dma semaphore(%dma_wait3A_243 : memref<!tpu.dma_semaphore, #tpu.memory_space<semaphore_mem>>) src(%dma_wait3A_241 : memref<1000000x64xf32, #tpu.memory_space<hbm>>) dst(%dma_wait3A_237 : memref<72x64xf32, #tpu.memory_space<vmem>>)
        %broadcast_in_dim3A = arith.constant 0.000000e+00 : f32
        %broadcast_in_dim3A_244 = vector.broadcast %broadcast_in_dim3A : f32 to vector<16xf32>
        %scan3A_245 = arith.constant 0 : i32
        %scan3A_246 = arith.constant 50 : i32
        %scan3A_247 = arith.addi %scan3A_245, %scan3A_246 : i32
        %scan3A_248 = arith.constant 1 : i32
        %scan3A_249:4 = scf.for %scan3A_533 = %scan3A_245 to %scan3A_247 step %scan3A_248 iter_args(%scan3A_534 = %broadcast_in_dim3A_244, %scan3A_535 = %broadcast_in_dim3A_244, %scan3A_536 = %broadcast_in_dim3A_244, %scan3A_537 = %broadcast_in_dim3A_244) -> (vector<16xf32>, vector<16xf32>, vector<16xf32>, vector<16xf32>)  : i32 {
          %mul3A_538 = arith.constant 4 : i32
          %mul3A_539 = arith.muli %scan3A_533, %mul3A_538 : i32
          %add3A_540 = arith.constant 0 : i32
          %add3A_541 = arith.addi %mul3A_539, %add3A_540 : i32
          %get3A = arith.constant 0 : i32
          %get3A_542 = arith.index_cast %get3A : i32 to index
          %get3A_543 = arith.index_cast %add3A_541 : i32 to index
          %get3A_544 = arith.constant 0 : index
          %get3A_545 = tpu.vector_load %arg6[%get3A_542, %get3A_543, %get3A_544] {strides = array<i32>} : memref<4x200x64xf32, #tpu.memory_space<vmem>>, vector<1x1x16xf32>,
          %get3A_546 = vector.shape_cast %get3A_545 : vector<1x1x16xf32> to vector<16xf32>
          %add3A_547 = arith.addf %scan3A_534, %get3A_546 : vector<16xf32>
          %get3A_548 = arith.constant 0 : i32
          %get3A_549 = arith.index_cast %get3A_548 : i32 to index
          %get3A_550 = arith.index_cast %add3A_541 : i32 to index
          %get3A_551 = arith.constant 16 : index
          %get3A_552 = tpu.vector_load %arg6[%get3A_549, %get3A_550, %get3A_551] {strides = array<i32>} : memref<4x200x64xf32, #tpu.memory_space<vmem>>, vector<1x1x16xf32>,
          %get3A_553 = vector.shape_cast %get3A_552 : vector<1x1x16xf32> to vector<16xf32>
          %add3A_554 = arith.addf %scan3A_535, %get3A_553 : vector<16xf32>
          %get3A_555 = arith.constant 0 : i32
          %get3A_556 = arith.index_cast %get3A_555 : i32 to index
          %get3A_557 = arith.index_cast %add3A_541 : i32 to index
          %get3A_558 = arith.constant 32 : index
          %get3A_559 = tpu.vector_load %arg6[%get3A_556, %get3A_557, %get3A_558] {strides = array<i32>} : memref<4x200x64xf32, #tpu.memory_space<vmem>>, vector<1x1x16xf32>,
          %get3A_560 = vector.shape_cast %get3A_559 : vector<1x1x16xf32> to vector<16xf32>
          %add3A_561 = arith.addf %scan3A_536, %get3A_560 : vector<16xf32>
          %get3A_562 = arith.constant 0 : i32
          %get3A_563 = arith.index_cast %get3A_562 : i32 to index
          %get3A_564 = arith.index_cast %add3A_541 : i32 to index
          %get3A_565 = arith.constant 48 : index
          %get3A_566 = tpu.vector_load %arg6[%get3A_563, %get3A_564, %get3A_565] {strides = array<i32>} : memref<4x200x64xf32, #tpu.memory_space<vmem>>, vector<1x1x16xf32>,
          %get3A_567 = vector.shape_cast %get3A_566 : vector<1x1x16xf32> to vector<16xf32>
          %add3A_568 = arith.addf %scan3A_537, %get3A_567 : vector<16xf32>
          %mul3A_569 = arith.constant 4 : i32
          %mul3A_570 = arith.muli %scan3A_533, %mul3A_569 : i32
          %add3A_571 = arith.constant 1 : i32
          %add3A_572 = arith.addi %mul3A_570, %add3A_571 : i32
          %get3A_573 = arith.constant 0 : i32
          %get3A_574 = arith.index_cast %get3A_573 : i32 to index
          %get3A_575 = arith.index_cast %add3A_572 : i32 to index
          %get3A_576 = arith.constant 0 : index
          %get3A_577 = tpu.vector_load %arg6[%get3A_574, %get3A_575, %get3A_576] {strides = array<i32>} : memref<4x200x64xf32, #tpu.memory_space<vmem>>, vector<1x1x16xf32>,
          %get3A_578 = vector.shape_cast %get3A_577 : vector<1x1x16xf32> to vector<16xf32>
          %add3A_579 = arith.addf %add3A_547, %get3A_578 : vector<16xf32>
          %get3A_580 = arith.constant 0 : i32
          %get3A_581 = arith.index_cast %get3A_580 : i32 to index
          %get3A_582 = arith.index_cast %add3A_572 : i32 to index
          %get3A_583 = arith.constant 16 : index
          %get3A_584 = tpu.vector_load %arg6[%get3A_581, %get3A_582, %get3A_583] {strides = array<i32>} : memref<4x200x64xf32, #tpu.memory_space<vmem>>, vector<1x1x16xf32>,
          %get3A_585 = vector.shape_cast %get3A_584 : vector<1x1x16xf32> to vector<16xf32>
          %add3A_586 = arith.addf %add3A_554, %get3A_585 : vector<16xf32>
          %get3A_587 = arith.constant 0 : i32
          %get3A_588 = arith.index_cast %get3A_587 : i32 to index
          %get3A_589 = arith.index_cast %add3A_572 : i32 to index
          %get3A_590 = arith.constant 32 : index
          %get3A_591 = tpu.vector_load %arg6[%get3A_588, %get3A_589, %get3A_590] {strides = array<i32>} : memref<4x200x64xf32, #tpu.memory_space<vmem>>, vector<1x1x16xf32>,
          %get3A_592 = vector.shape_cast %get3A_591 : vector<1x1x16xf32> to vector<16xf32>
          %add3A_593 = arith.addf %add3A_561, %get3A_592 : vector<16xf32>
          %get3A_594 = arith.constant 0 : i32
          %get3A_595 = arith.index_cast %get3A_594 : i32 to index
          %get3A_596 = arith.index_cast %add3A_572 : i32 to index
          %get3A_597 = arith.constant 48 : index
          %get3A_598 = tpu.vector_load %arg6[%get3A_595, %get3A_596, %get3A_597] {strides = array<i32>} : memref<4x200x64xf32, #tpu.memory_space<vmem>>, vector<1x1x16xf32>,
          %get3A_599 = vector.shape_cast %get3A_598 : vector<1x1x16xf32> to vector<16xf32>
          %add3A_600 = arith.addf %add3A_568, %get3A_599 : vector<16xf32>
          %mul3A_601 = arith.constant 4 : i32
          %mul3A_602 = arith.muli %scan3A_533, %mul3A_601 : i32
          %add3A_603 = arith.constant 2 : i32
          %add3A_604 = arith.addi %mul3A_602, %add3A_603 : i32
          %get3A_605 = arith.constant 0 : i32
          %get3A_606 = arith.index_cast %get3A_605 : i32 to index
          %get3A_607 = arith.index_cast %add3A_604 : i32 to index
          %get3A_608 = arith.constant 0 : index
          %get3A_609 = tpu.vector_load %arg6[%get3A_606, %get3A_607, %get3A_608] {strides = array<i32>} : memref<4x200x64xf32, #tpu.memory_space<vmem>>, vector<1x1x16xf32>,
          %get3A_610 = vector.shape_cast %get3A_609 : vector<1x1x16xf32> to vector<16xf32>
          %add3A_611 = arith.addf %add3A_579, %get3A_610 : vector<16xf32>
          %get3A_612 = arith.constant 0 : i32
          %get3A_613 = arith.index_cast %get3A_612 : i32 to index
          %get3A_614 = arith.index_cast %add3A_604 : i32 to index
          %get3A_615 = arith.constant 16 : index
          %get3A_616 = tpu.vector_load %arg6[%get3A_613, %get3A_614, %get3A_615] {strides = array<i32>} : memref<4x200x64xf32, #tpu.memory_space<vmem>>, vector<1x1x16xf32>,
          %get3A_617 = vector.shape_cast %get3A_616 : vector<1x1x16xf32> to vector<16xf32>
          %add3A_618 = arith.addf %add3A_586, %get3A_617 : vector<16xf32>
          %get3A_619 = arith.constant 0 : i32
          %get3A_620 = arith.index_cast %get3A_619 : i32 to index
          %get3A_621 = arith.index_cast %add3A_604 : i32 to index
          %get3A_622 = arith.constant 32 : index
          %get3A_623 = tpu.vector_load %arg6[%get3A_620, %get3A_621, %get3A_622] {strides = array<i32>} : memref<4x200x64xf32, #tpu.memory_space<vmem>>, vector<1x1x16xf32>,
          %get3A_624 = vector.shape_cast %get3A_623 : vector<1x1x16xf32> to vector<16xf32>
          %add3A_625 = arith.addf %add3A_593, %get3A_624 : vector<16xf32>
          %get3A_626 = arith.constant 0 : i32
          %get3A_627 = arith.index_cast %get3A_626 : i32 to index
          %get3A_628 = arith.index_cast %add3A_604 : i32 to index
          %get3A_629 = arith.constant 48 : index
          %get3A_630 = tpu.vector_load %arg6[%get3A_627, %get3A_628, %get3A_629] {strides = array<i32>} : memref<4x200x64xf32, #tpu.memory_space<vmem>>, vector<1x1x16xf32>,
          %get3A_631 = vector.shape_cast %get3A_630 : vector<1x1x16xf32> to vector<16xf32>
          %add3A_632 = arith.addf %add3A_600, %get3A_631 : vector<16xf32>
          %mul3A_633 = arith.constant 4 : i32
          %mul3A_634 = arith.muli %scan3A_533, %mul3A_633 : i32
          %add3A_635 = arith.constant 3 : i32
          %add3A_636 = arith.addi %mul3A_634, %add3A_635 : i32
          %get3A_637 = arith.constant 0 : i32
          %get3A_638 = arith.index_cast %get3A_637 : i32 to index
          %get3A_639 = arith.index_cast %add3A_636 : i32 to index
          %get3A_640 = arith.constant 0 : index
          %get3A_641 = tpu.vector_load %arg6[%get3A_638, %get3A_639, %get3A_640] {strides = array<i32>} : memref<4x200x64xf32, #tpu.memory_space<vmem>>, vector<1x1x16xf32>,
          %get3A_642 = vector.shape_cast %get3A_641 : vector<1x1x16xf32> to vector<16xf32>
          %add3A_643 = arith.addf %add3A_611, %get3A_642 : vector<16xf32>
          %get3A_644 = arith.constant 0 : i32
          %get3A_645 = arith.index_cast %get3A_644 : i32 to index
          %get3A_646 = arith.index_cast %add3A_636 : i32 to index
          %get3A_647 = arith.constant 16 : index
          %get3A_648 = tpu.vector_load %arg6[%get3A_645, %get3A_646, %get3A_647] {strides = array<i32>} : memref<4x200x64xf32, #tpu.memory_space<vmem>>, vector<1x1x16xf32>,
          %get3A_649 = vector.shape_cast %get3A_648 : vector<1x1x16xf32> to vector<16xf32>
          %add3A_650 = arith.addf %add3A_618, %get3A_649 : vector<16xf32>
          %get3A_651 = arith.constant 0 : i32
          %get3A_652 = arith.index_cast %get3A_651 : i32 to index
          %get3A_653 = arith.index_cast %add3A_636 : i32 to index
          %get3A_654 = arith.constant 32 : index
          %get3A_655 = tpu.vector_load %arg6[%get3A_652, %get3A_653, %get3A_654] {strides = array<i32>} : memref<4x200x64xf32, #tpu.memory_space<vmem>>, vector<1x1x16xf32>,
          %get3A_656 = vector.shape_cast %get3A_655 : vector<1x1x16xf32> to vector<16xf32>
          %add3A_657 = arith.addf %add3A_625, %get3A_656 : vector<16xf32>
          %get3A_658 = arith.constant 0 : i32
          %get3A_659 = arith.index_cast %get3A_658 : i32 to index
          %get3A_660 = arith.index_cast %add3A_636 : i32 to index
          %get3A_661 = arith.constant 48 : index
          %get3A_662 = tpu.vector_load %arg6[%get3A_659, %get3A_660, %get3A_661] {strides = array<i32>} : memref<4x200x64xf32, #tpu.memory_space<vmem>>, vector<1x1x16xf32>,
          %get3A_663 = vector.shape_cast %get3A_662 : vector<1x1x16xf32> to vector<16xf32>
          %add3A_664 = arith.addf %add3A_632, %get3A_663 : vector<16xf32>
          scf.yield %add3A_643, %add3A_650, %add3A_657, %add3A_664 : vector<16xf32>, vector<16xf32>, vector<16xf32>, vector<16xf32>
        }
        %scan3A_250 = arith.constant 50 : i32
        %shift_right_arithmetic3A = arith.constant 1 : i32
        %shift_right_arithmetic3A_251 = arith.shrsi %add3A_213, %shift_right_arithmetic3A : i32
        %mul3A_252 = vector.broadcast %scan3A : f32 to vector<16xf32>
        %mul3A_253 = arith.mulf %scan3A_249#0, %mul3A_252 : vector<16xf32>
        %swap3A = arith.index_cast %shift_right_arithmetic3A_251 : i32 to index
        %swap3A_254 = arith.constant 0 : index
        %swap3A_255 = tpu.vector_load %arg7[%swap3A, %swap3A_254] {strides = array<i32>} : memref<256x128xf32, #tpu.memory_space<vmem>>, vector<1x16xf32>,
        %swap3A_256 = vector.shape_cast %swap3A_255 : vector<1x16xf32> to vector<16xf32>
        %swap3A_257 = vector.shape_cast %mul3A_253 : vector<16xf32> to vector<1x16xf32>
        tpu.vector_store %arg7[%swap3A, %swap3A_254], %swap3A_257 {strides = array<i32>} : memref<256x128xf32, #tpu.memory_space<vmem>>, vector<1x16xf32>,
        %mul3A_258 = vector.broadcast %scan3A : f32 to vector<16xf32>
        %mul3A_259 = arith.mulf %scan3A_249#1, %mul3A_258 : vector<16xf32>
        %swap3A_260 = arith.index_cast %shift_right_arithmetic3A_251 : i32 to index
        %swap3A_261 = arith.constant 16 : index
        %swap3A_262 = tpu.vector_load %arg7[%swap3A_260, %swap3A_261] {strides = array<i32>} : memref<256x128xf32, #tpu.memory_space<vmem>>, vector<1x16xf32>,
        %swap3A_263 = vector.shape_cast %swap3A_262 : vector<1x16xf32> to vector<16xf32>
        %swap3A_264 = vector.shape_cast %mul3A_259 : vector<16xf32> to vector<1x16xf32>
        tpu.vector_store %arg7[%swap3A_260, %swap3A_261], %swap3A_264 {strides = array<i32>} : memref<256x128xf32, #tpu.memory_space<vmem>>, vector<1x16xf32>,
        %mul3A_265 = vector.broadcast %scan3A : f32 to vector<16xf32>
        %mul3A_266 = arith.mulf %scan3A_249#2, %mul3A_265 : vector<16xf32>
        %swap3A_267 = arith.index_cast %shift_right_arithmetic3A_251 : i32 to index
        %swap3A_268 = arith.constant 32 : index
        %swap3A_269 = tpu.vector_load %arg7[%swap3A_267, %swap3A_268] {strides = array<i32>} : memref<256x128xf32, #tpu.memory_space<vmem>>, vector<1x16xf32>,
        %swap3A_270 = vector.shape_cast %swap3A_269 : vector<1x16xf32> to vector<16xf32>
        %swap3A_271 = vector.shape_cast %mul3A_266 : vector<16xf32> to vector<1x16xf32>
        tpu.vector_store %arg7[%swap3A_267, %swap3A_268], %swap3A_271 {strides = array<i32>} : memref<256x128xf32, #tpu.memory_space<vmem>>, vector<1x16xf32>,
        %mul3A_272 = vector.broadcast %scan3A : f32 to vector<16xf32>
        %mul3A_273 = arith.mulf %scan3A_249#3, %mul3A_272 : vector<16xf32>
        %swap3A_274 = arith.index_cast %shift_right_arithmetic3A_251 : i32 to index
        %swap3A_275 = arith.constant 48 : index
        %swap3A_276 = tpu.vector_load %arg7[%swap3A_274, %swap3A_275] {strides = array<i32>} : memref<256x128xf32, #tpu.memory_space<vmem>>, vector<1x16xf32>,
        %swap3A_277 = vector.shape_cast %swap3A_276 : vector<1x16xf32> to vector<16xf32>
        %swap3A_278 = vector.shape_cast %mul3A_273 : vector<16xf32> to vector<1x16xf32>
        tpu.vector_store %arg7[%swap3A_274, %swap3A_275], %swap3A_278 {strides = array<i32>} : memref<256x128xf32, #tpu.memory_space<vmem>>, vector<1x16xf32>,
        %add3A_279 = arith.constant 4 : i32
        %add3A_280 = arith.addi %add3A_213, %add3A_279 : i32
        %lt3A_281 = arith.constant 512 : i32
        %lt3A_282 = arith.cmpi slt, %add3A_280, %lt3A_281 : i32
        %convert_element_type3A_283 = arith.extui %lt3A_282 : i1 to i32
        %cond3A_284 = arith.constant 0 : i32
        %cond3A_285 = arith.cmpi ne, %convert_element_type3A_283, %cond3A_284 : i32
        scf.if %cond3A_285 {
          %add3A_533 = arith.constant 4 : i32
          %add3A_534 = arith.addi %add3A_213, %add3A_533 : i32
          %and3A_535 = arith.constant 127 : i32
          %and3A_536 = arith.andi %add3A_534, %and3A_535 : i32
          %mul3A_537 = arith.constant 200 : i32
          %mul3A_538 = arith.muli %and3A_536, %mul3A_537 : i32
          %add3A_539 = arith.constant 128 : i32
          %add3A_540 = arith.addi %mul3A_538, %add3A_539 : i32
          %dma_start3A_541 = arith.constant 0 : i32
          %dma_start3A_542 = arith.constant 0 : i32
          %dma_start3A_543 = arith.constant 0 : i32
          %dma_start3A_544 = arith.constant 0 : i32
          %dma_start3A_545 = tpu.memref_slice %arg6[%dma_start3A_541, %dma_start3A_543, %dma_start3A_544] : memref<4x200x64xf32, #tpu.memory_space<vmem>> -> memref<1x128x64xf32, #tpu.memory_space<vmem>>
          %dma_start3A_546 = tpu.memref_squeeze %dma_start3A_545 : memref<1x128x64xf32, #tpu.memory_space<vmem>> -> memref<128x64xf32, #tpu.memory_space<vmem>>
          %dma_start3A_547 = tpu.memref_slice %arg5[%mul3A_538] : memref<25600xi32, #tpu.memory_space<vmem>> -> memref<128xi32, #tpu.memory_space<vmem>>
          %dma_start3A_548 = arith.constant 0 : i32
          %dma_start3A_549 = arith.constant 0 : i32
          %dma_start3A_550 = tpu.memref_slice %arg3[%dma_start3A_548, %dma_start3A_549] : memref<1000000x64xf32, #tpu.memory_space<hbm>> -> memref<1000000x64xf32, #tpu.memory_space<hbm>>
          %dma_start3A_551 = tpu.memref_slice %arg8[%dma_start3A_542] : memref<4x!tpu.dma_semaphore, #tpu.memory_space<semaphore_mem>> -> memref<1x!tpu.dma_semaphore, #tpu.memory_space<semaphore_mem>>
          %dma_start3A_552 = tpu.memref_squeeze %dma_start3A_551 : memref<1x!tpu.dma_semaphore, #tpu.memory_space<semaphore_mem>> -> memref<!tpu.dma_semaphore, #tpu.memory_space<semaphore_mem>>
          tpu.enqueue_indirect_dma source(%dma_start3A_550 : memref<1000000x64xf32, #tpu.memory_space<hbm>>) target(%dma_start3A_546 : memref<128x64xf32, #tpu.memory_space<vmem>>) offsets(%dma_start3A_547 : memref<128xi32, #tpu.memory_space<vmem>>) semaphore(%dma_start3A_552 : memref<!tpu.dma_semaphore, #tpu.memory_space<semaphore_mem>>)
          %dma_start3A_553 = arith.constant 0 : i32
          %dma_start3A_554 = arith.constant 0 : i32
          %dma_start3A_555 = arith.constant 128 : i32
          %dma_start3A_556 = arith.constant 0 : i32
          %dma_start3A_557 = tpu.memref_slice %arg6[%dma_start3A_553, %dma_start3A_555, %dma_start3A_556] : memref<4x200x64xf32, #tpu.memory_space<vmem>> -> memref<1x72x64xf32, #tpu.memory_space<vmem>>
          %dma_start3A_558 = tpu.memref_squeeze %dma_start3A_557 : memref<1x72x64xf32, #tpu.memory_space<vmem>> -> memref<72x64xf32, #tpu.memory_space<vmem>>
          %dma_start3A_559 = tpu.memref_slice %arg5[%add3A_540] : memref<25600xi32, #tpu.memory_space<vmem>> -> memref<72xi32, #tpu.memory_space<vmem>>
          %dma_start3A_560 = arith.constant 0 : i32
          %dma_start3A_561 = arith.constant 0 : i32
          %dma_start3A_562 = tpu.memref_slice %arg3[%dma_start3A_560, %dma_start3A_561] : memref<1000000x64xf32, #tpu.memory_space<hbm>> -> memref<1000000x64xf32, #tpu.memory_space<hbm>>
          %dma_start3A_563 = tpu.memref_slice %arg8[%dma_start3A_554] : memref<4x!tpu.dma_semaphore, #tpu.memory_space<semaphore_mem>> -> memref<1x!tpu.dma_semaphore, #tpu.memory_space<semaphore_mem>>
          %dma_start3A_564 = tpu.memref_squeeze %dma_start3A_563 : memref<1x!tpu.dma_semaphore, #tpu.memory_space<semaphore_mem>> -> memref<!tpu.dma_semaphore, #tpu.memory_space<semaphore_mem>>
          tpu.enqueue_indirect_dma source(%dma_start3A_562 : memref<1000000x64xf32, #tpu.memory_space<hbm>>) target(%dma_start3A_558 : memref<72x64xf32, #tpu.memory_space<vmem>>) offsets(%dma_start3A_559 : memref<72xi32, #tpu.memory_space<vmem>>) semaphore(%dma_start3A_564 : memref<!tpu.dma_semaphore, #tpu.memory_space<semaphore_mem>>)
        } else {
        }
        %mul3A_286 = arith.constant 64 : i32
        %mul3A_287 = arith.muli %mul3A_168, %mul3A_286 : i32
        %mul3A_288 = arith.constant 4 : i32
        %mul3A_289 = arith.muli %scan3A_205, %mul3A_288 : i32
        %add3A_290 = arith.addi %mul3A_287, %mul3A_289 : i32
        %add3A_291 = arith.constant 1 : i32
        %add3A_292 = arith.addi %add3A_290, %add3A_291 : i32
        %and3A_293 = arith.constant 127 : i32
        %and3A_294 = arith.andi %add3A_292, %and3A_293 : i32
        %mul3A_295 = arith.constant 200 : i32
        %mul3A_296 = arith.muli %and3A_294, %mul3A_295 : i32
        %add3A_297 = arith.constant 128 : i32
        %add3A_298 = arith.addi %mul3A_296, %add3A_297 : i32
        %dma_wait3A_299 = arith.constant 1 : i32
        %dma_wait3A_300 = arith.constant 1 : i32
        %dma_wait3A_301 = arith.constant 0 : i32
        %dma_wait3A_302 = arith.constant 0 : i32
        %dma_wait3A_303 = tpu.memref_slice %arg6[%dma_wait3A_299, %dma_wait3A_301, %dma_wait3A_302] : memref<4x200x64xf32, #tpu.memory_space<vmem>> -> memref<1x128x64xf32, #tpu.memory_space<vmem>>
        %dma_wait3A_304 = tpu.memref_squeeze %dma_wait3A_303 : memref<1x128x64xf32, #tpu.memory_space<vmem>> -> memref<128x64xf32, #tpu.memory_space<vmem>>
        %dma_wait3A_305 = tpu.memref_slice %arg5[%mul3A_296] : memref<25600xi32, #tpu.memory_space<vmem>> -> memref<128xi32, #tpu.memory_space<vmem>>
        %dma_wait3A_306 = arith.constant 0 : i32
        %dma_wait3A_307 = arith.constant 0 : i32
        %dma_wait3A_308 = tpu.memref_slice %arg3[%dma_wait3A_306, %dma_wait3A_307] : memref<1000000x64xf32, #tpu.memory_space<hbm>> -> memref<1000000x64xf32, #tpu.memory_space<hbm>>
        %dma_wait3A_309 = tpu.memref_slice %arg8[%dma_wait3A_300] : memref<4x!tpu.dma_semaphore, #tpu.memory_space<semaphore_mem>> -> memref<1x!tpu.dma_semaphore, #tpu.memory_space<semaphore_mem>>
        %dma_wait3A_310 = tpu.memref_squeeze %dma_wait3A_309 : memref<1x!tpu.dma_semaphore, #tpu.memory_space<semaphore_mem>> -> memref<!tpu.dma_semaphore, #tpu.memory_space<semaphore_mem>>
        tpu.wait_indirect_dma semaphore(%dma_wait3A_310 : memref<!tpu.dma_semaphore, #tpu.memory_space<semaphore_mem>>) src(%dma_wait3A_308 : memref<1000000x64xf32, #tpu.memory_space<hbm>>) dst(%dma_wait3A_304 : memref<128x64xf32, #tpu.memory_space<vmem>>)
        %dma_wait3A_311 = arith.constant 1 : i32
        %dma_wait3A_312 = arith.constant 1 : i32
        %dma_wait3A_313 = arith.constant 128 : i32
        %dma_wait3A_314 = arith.constant 0 : i32
        %dma_wait3A_315 = tpu.memref_slice %arg6[%dma_wait3A_311, %dma_wait3A_313, %dma_wait3A_314] : memref<4x200x64xf32, #tpu.memory_space<vmem>> -> memref<1x72x64xf32, #tpu.memory_space<vmem>>
        %dma_wait3A_316 = tpu.memref_squeeze %dma_wait3A_315 : memref<1x72x64xf32, #tpu.memory_space<vmem>> -> memref<72x64xf32, #tpu.memory_space<vmem>>
        %dma_wait3A_317 = tpu.memref_slice %arg5[%add3A_298] : memref<25600xi32, #tpu.memory_space<vmem>> -> memref<72xi32, #tpu.memory_space<vmem>>
        %dma_wait3A_318 = arith.constant 0 : i32
        %dma_wait3A_319 = arith.constant 0 : i32
        %dma_wait3A_320 = tpu.memref_slice %arg3[%dma_wait3A_318, %dma_wait3A_319] : memref<1000000x64xf32, #tpu.memory_space<hbm>> -> memref<1000000x64xf32, #tpu.memory_space<hbm>>
        %dma_wait3A_321 = tpu.memref_slice %arg8[%dma_wait3A_312] : memref<4x!tpu.dma_semaphore, #tpu.memory_space<semaphore_mem>> -> memref<1x!tpu.dma_semaphore, #tpu.memory_space<semaphore_mem>>
        %dma_wait3A_322 = tpu.memref_squeeze %dma_wait3A_321 : memref<1x!tpu.dma_semaphore, #tpu.memory_space<semaphore_mem>> -> memref<!tpu.dma_semaphore, #tpu.memory_space<semaphore_mem>>
        tpu.wait_indirect_dma semaphore(%dma_wait3A_322 : memref<!tpu.dma_semaphore, #tpu.memory_space<semaphore_mem>>) src(%dma_wait3A_320 : memref<1000000x64xf32, #tpu.memory_space<hbm>>) dst(%dma_wait3A_316 : memref<72x64xf32, #tpu.memory_space<vmem>>)
        %broadcast_in_dim3A_323 = arith.constant 0.000000e+00 : f32
        %broadcast_in_dim3A_324 = vector.broadcast %broadcast_in_dim3A_323 : f32 to vector<16xf32>
        %scan3A_325 = arith.constant 0 : i32
        %scan3A_326 = arith.constant 50 : i32
        %scan3A_327 = arith.addi %scan3A_325, %scan3A_326 : i32
        %scan3A_328 = arith.constant 1 : i32
        %scan3A_329:4 = scf.for %scan3A_533 = %scan3A_325 to %scan3A_327 step %scan3A_328 iter_args(%scan3A_534 = %broadcast_in_dim3A_324, %scan3A_535 = %broadcast_in_dim3A_324, %scan3A_536 = %broadcast_in_dim3A_324, %scan3A_537 = %broadcast_in_dim3A_324) -> (vector<16xf32>, vector<16xf32>, vector<16xf32>, vector<16xf32>)  : i32 {
          %mul3A_538 = arith.constant 4 : i32
          %mul3A_539 = arith.muli %scan3A_533, %mul3A_538 : i32
          %add3A_540 = arith.constant 0 : i32
          %add3A_541 = arith.addi %mul3A_539, %add3A_540 : i32
          %get3A = arith.constant 1 : i32
          %get3A_542 = arith.index_cast %get3A : i32 to index
          %get3A_543 = arith.index_cast %add3A_541 : i32 to index
          %get3A_544 = arith.constant 0 : index
          %get3A_545 = tpu.vector_load %arg6[%get3A_542, %get3A_543, %get3A_544] {strides = array<i32>} : memref<4x200x64xf32, #tpu.memory_space<vmem>>, vector<1x1x16xf32>,
          %get3A_546 = vector.shape_cast %get3A_545 : vector<1x1x16xf32> to vector<16xf32>
          %add3A_547 = arith.addf %scan3A_534, %get3A_546 : vector<16xf32>
          %get3A_548 = arith.constant 1 : i32
          %get3A_549 = arith.index_cast %get3A_548 : i32 to index
          %get3A_550 = arith.index_cast %add3A_541 : i32 to index
          %get3A_551 = arith.constant 16 : index
          %get3A_552 = tpu.vector_load %arg6[%get3A_549, %get3A_550, %get3A_551] {strides = array<i32>} : memref<4x200x64xf32, #tpu.memory_space<vmem>>, vector<1x1x16xf32>,
          %get3A_553 = vector.shape_cast %get3A_552 : vector<1x1x16xf32> to vector<16xf32>
          %add3A_554 = arith.addf %scan3A_535, %get3A_553 : vector<16xf32>
          %get3A_555 = arith.constant 1 : i32
          %get3A_556 = arith.index_cast %get3A_555 : i32 to index
          %get3A_557 = arith.index_cast %add3A_541 : i32 to index
          %get3A_558 = arith.constant 32 : index
          %get3A_559 = tpu.vector_load %arg6[%get3A_556, %get3A_557, %get3A_558] {strides = array<i32>} : memref<4x200x64xf32, #tpu.memory_space<vmem>>, vector<1x1x16xf32>,
          %get3A_560 = vector.shape_cast %get3A_559 : vector<1x1x16xf32> to vector<16xf32>
          %add3A_561 = arith.addf %scan3A_536, %get3A_560 : vector<16xf32>
          %get3A_562 = arith.constant 1 : i32
          %get3A_563 = arith.index_cast %get3A_562 : i32 to index
          %get3A_564 = arith.index_cast %add3A_541 : i32 to index
          %get3A_565 = arith.constant 48 : index
          %get3A_566 = tpu.vector_load %arg6[%get3A_563, %get3A_564, %get3A_565] {strides = array<i32>} : memref<4x200x64xf32, #tpu.memory_space<vmem>>, vector<1x1x16xf32>,
          %get3A_567 = vector.shape_cast %get3A_566 : vector<1x1x16xf32> to vector<16xf32>
          %add3A_568 = arith.addf %scan3A_537, %get3A_567 : vector<16xf32>
          %mul3A_569 = arith.constant 4 : i32
          %mul3A_570 = arith.muli %scan3A_533, %mul3A_569 : i32
          %add3A_571 = arith.constant 1 : i32
          %add3A_572 = arith.addi %mul3A_570, %add3A_571 : i32
          %get3A_573 = arith.constant 1 : i32
          %get3A_574 = arith.index_cast %get3A_573 : i32 to index
          %get3A_575 = arith.index_cast %add3A_572 : i32 to index
          %get3A_576 = arith.constant 0 : index
          %get3A_577 = tpu.vector_load %arg6[%get3A_574, %get3A_575, %get3A_576] {strides = array<i32>} : memref<4x200x64xf32, #tpu.memory_space<vmem>>, vector<1x1x16xf32>,
          %get3A_578 = vector.shape_cast %get3A_577 : vector<1x1x16xf32> to vector<16xf32>
          %add3A_579 = arith.addf %add3A_547, %get3A_578 : vector<16xf32>
          %get3A_580 = arith.constant 1 : i32
          %get3A_581 = arith.index_cast %get3A_580 : i32 to index
          %get3A_582 = arith.index_cast %add3A_572 : i32 to index
          %get3A_583 = arith.constant 16 : index
          %get3A_584 = tpu.vector_load %arg6[%get3A_581, %get3A_582, %get3A_583] {strides = array<i32>} : memref<4x200x64xf32, #tpu.memory_space<vmem>>, vector<1x1x16xf32>,
          %get3A_585 = vector.shape_cast %get3A_584 : vector<1x1x16xf32> to vector<16xf32>
          %add3A_586 = arith.addf %add3A_554, %get3A_585 : vector<16xf32>
          %get3A_587 = arith.constant 1 : i32
          %get3A_588 = arith.index_cast %get3A_587 : i32 to index
          %get3A_589 = arith.index_cast %add3A_572 : i32 to index
          %get3A_590 = arith.constant 32 : index
          %get3A_591 = tpu.vector_load %arg6[%get3A_588, %get3A_589, %get3A_590] {strides = array<i32>} : memref<4x200x64xf32, #tpu.memory_space<vmem>>, vector<1x1x16xf32>,
          %get3A_592 = vector.shape_cast %get3A_591 : vector<1x1x16xf32> to vector<16xf32>
          %add3A_593 = arith.addf %add3A_561, %get3A_592 : vector<16xf32>
          %get3A_594 = arith.constant 1 : i32
          %get3A_595 = arith.index_cast %get3A_594 : i32 to index
          %get3A_596 = arith.index_cast %add3A_572 : i32 to index
          %get3A_597 = arith.constant 48 : index
          %get3A_598 = tpu.vector_load %arg6[%get3A_595, %get3A_596, %get3A_597] {strides = array<i32>} : memref<4x200x64xf32, #tpu.memory_space<vmem>>, vector<1x1x16xf32>,
          %get3A_599 = vector.shape_cast %get3A_598 : vector<1x1x16xf32> to vector<16xf32>
          %add3A_600 = arith.addf %add3A_568, %get3A_599 : vector<16xf32>
          %mul3A_601 = arith.constant 4 : i32
          %mul3A_602 = arith.muli %scan3A_533, %mul3A_601 : i32
          %add3A_603 = arith.constant 2 : i32
          %add3A_604 = arith.addi %mul3A_602, %add3A_603 : i32
          %get3A_605 = arith.constant 1 : i32
          %get3A_606 = arith.index_cast %get3A_605 : i32 to index
          %get3A_607 = arith.index_cast %add3A_604 : i32 to index
          %get3A_608 = arith.constant 0 : index
          %get3A_609 = tpu.vector_load %arg6[%get3A_606, %get3A_607, %get3A_608] {strides = array<i32>} : memref<4x200x64xf32, #tpu.memory_space<vmem>>, vector<1x1x16xf32>,
          %get3A_610 = vector.shape_cast %get3A_609 : vector<1x1x16xf32> to vector<16xf32>
          %add3A_611 = arith.addf %add3A_579, %get3A_610 : vector<16xf32>
          %get3A_612 = arith.constant 1 : i32
          %get3A_613 = arith.index_cast %get3A_612 : i32 to index
          %get3A_614 = arith.index_cast %add3A_604 : i32 to index
          %get3A_615 = arith.constant 16 : index
          %get3A_616 = tpu.vector_load %arg6[%get3A_613, %get3A_614, %get3A_615] {strides = array<i32>} : memref<4x200x64xf32, #tpu.memory_space<vmem>>, vector<1x1x16xf32>,
          %get3A_617 = vector.shape_cast %get3A_616 : vector<1x1x16xf32> to vector<16xf32>
          %add3A_618 = arith.addf %add3A_586, %get3A_617 : vector<16xf32>
          %get3A_619 = arith.constant 1 : i32
          %get3A_620 = arith.index_cast %get3A_619 : i32 to index
          %get3A_621 = arith.index_cast %add3A_604 : i32 to index
          %get3A_622 = arith.constant 32 : index
          %get3A_623 = tpu.vector_load %arg6[%get3A_620, %get3A_621, %get3A_622] {strides = array<i32>} : memref<4x200x64xf32, #tpu.memory_space<vmem>>, vector<1x1x16xf32>,
          %get3A_624 = vector.shape_cast %get3A_623 : vector<1x1x16xf32> to vector<16xf32>
          %add3A_625 = arith.addf %add3A_593, %get3A_624 : vector<16xf32>
          %get3A_626 = arith.constant 1 : i32
          %get3A_627 = arith.index_cast %get3A_626 : i32 to index
          %get3A_628 = arith.index_cast %add3A_604 : i32 to index
          %get3A_629 = arith.constant 48 : index
          %get3A_630 = tpu.vector_load %arg6[%get3A_627, %get3A_628, %get3A_629] {strides = array<i32>} : memref<4x200x64xf32, #tpu.memory_space<vmem>>, vector<1x1x16xf32>,
          %get3A_631 = vector.shape_cast %get3A_630 : vector<1x1x16xf32> to vector<16xf32>
          %add3A_632 = arith.addf %add3A_600, %get3A_631 : vector<16xf32>
          %mul3A_633 = arith.constant 4 : i32
          %mul3A_634 = arith.muli %scan3A_533, %mul3A_633 : i32
          %add3A_635 = arith.constant 3 : i32
          %add3A_636 = arith.addi %mul3A_634, %add3A_635 : i32
          %get3A_637 = arith.constant 1 : i32
          %get3A_638 = arith.index_cast %get3A_637 : i32 to index
          %get3A_639 = arith.index_cast %add3A_636 : i32 to index
          %get3A_640 = arith.constant 0 : index
          %get3A_641 = tpu.vector_load %arg6[%get3A_638, %get3A_639, %get3A_640] {strides = array<i32>} : memref<4x200x64xf32, #tpu.memory_space<vmem>>, vector<1x1x16xf32>,
          %get3A_642 = vector.shape_cast %get3A_641 : vector<1x1x16xf32> to vector<16xf32>
          %add3A_643 = arith.addf %add3A_611, %get3A_642 : vector<16xf32>
          %get3A_644 = arith.constant 1 : i32
          %get3A_645 = arith.index_cast %get3A_644 : i32 to index
          %get3A_646 = arith.index_cast %add3A_636 : i32 to index
          %get3A_647 = arith.constant 16 : index
          %get3A_648 = tpu.vector_load %arg6[%get3A_645, %get3A_646, %get3A_647] {strides = array<i32>} : memref<4x200x64xf32, #tpu.memory_space<vmem>>, vector<1x1x16xf32>,
          %get3A_649 = vector.shape_cast %get3A_648 : vector<1x1x16xf32> to vector<16xf32>
          %add3A_650 = arith.addf %add3A_618, %get3A_649 : vector<16xf32>
          %get3A_651 = arith.constant 1 : i32
          %get3A_652 = arith.index_cast %get3A_651 : i32 to index
          %get3A_653 = arith.index_cast %add3A_636 : i32 to index
          %get3A_654 = arith.constant 32 : index
          %get3A_655 = tpu.vector_load %arg6[%get3A_652, %get3A_653, %get3A_654] {strides = array<i32>} : memref<4x200x64xf32, #tpu.memory_space<vmem>>, vector<1x1x16xf32>,
          %get3A_656 = vector.shape_cast %get3A_655 : vector<1x1x16xf32> to vector<16xf32>
          %add3A_657 = arith.addf %add3A_625, %get3A_656 : vector<16xf32>
          %get3A_658 = arith.constant 1 : i32
          %get3A_659 = arith.index_cast %get3A_658 : i32 to index
          %get3A_660 = arith.index_cast %add3A_636 : i32 to index
          %get3A_661 = arith.constant 48 : index
          %get3A_662 = tpu.vector_load %arg6[%get3A_659, %get3A_660, %get3A_661] {strides = array<i32>} : memref<4x200x64xf32, #tpu.memory_space<vmem>>, vector<1x1x16xf32>,
          %get3A_663 = vector.shape_cast %get3A_662 : vector<1x1x16xf32> to vector<16xf32>
          %add3A_664 = arith.addf %add3A_632, %get3A_663 : vector<16xf32>
          scf.yield %add3A_643, %add3A_650, %add3A_657, %add3A_664 : vector<16xf32>, vector<16xf32>, vector<16xf32>, vector<16xf32>
        }
        %scan3A_330 = arith.constant 50 : i32
        %shift_right_arithmetic3A_331 = arith.constant 1 : i32
        %shift_right_arithmetic3A_332 = arith.shrsi %add3A_292, %shift_right_arithmetic3A_331 : i32
        %mul3A_333 = vector.broadcast %scan3A : f32 to vector<16xf32>
        %mul3A_334 = arith.mulf %scan3A_329#0, %mul3A_333 : vector<16xf32>
        %swap3A_335 = arith.index_cast %shift_right_arithmetic3A_332 : i32 to index
        %swap3A_336 = arith.constant 64 : index
        %swap3A_337 = tpu.vector_load %arg7[%swap3A_335, %swap3A_336] {strides = array<i32>} : memref<256x128xf32, #tpu.memory_space<vmem>>, vector<1x16xf32>,
        %swap3A_338 = vector.shape_cast %swap3A_337 : vector<1x16xf32> to vector<16xf32>
        %swap3A_339 = vector.shape_cast %mul3A_334 : vector<16xf32> to vector<1x16xf32>
        tpu.vector_store %arg7[%swap3A_335, %swap3A_336], %swap3A_339 {strides = array<i32>} : memref<256x128xf32, #tpu.memory_space<vmem>>, vector<1x16xf32>,
        %mul3A_340 = vector.broadcast %scan3A : f32 to vector<16xf32>
        %mul3A_341 = arith.mulf %scan3A_329#1, %mul3A_340 : vector<16xf32>
        %swap3A_342 = arith.index_cast %shift_right_arithmetic3A_332 : i32 to index
        %swap3A_343 = arith.constant 80 : index
        %swap3A_344 = tpu.vector_load %arg7[%swap3A_342, %swap3A_343] {strides = array<i32>} : memref<256x128xf32, #tpu.memory_space<vmem>>, vector<1x16xf32>,
        %swap3A_345 = vector.shape_cast %swap3A_344 : vector<1x16xf32> to vector<16xf32>
        %swap3A_346 = vector.shape_cast %mul3A_341 : vector<16xf32> to vector<1x16xf32>
        tpu.vector_store %arg7[%swap3A_342, %swap3A_343], %swap3A_346 {strides = array<i32>} : memref<256x128xf32, #tpu.memory_space<vmem>>, vector<1x16xf32>,
        %mul3A_347 = vector.broadcast %scan3A : f32 to vector<16xf32>
        %mul3A_348 = arith.mulf %scan3A_329#2, %mul3A_347 : vector<16xf32>
        %swap3A_349 = arith.index_cast %shift_right_arithmetic3A_332 : i32 to index
        %swap3A_350 = arith.constant 96 : index
        %swap3A_351 = tpu.vector_load %arg7[%swap3A_349, %swap3A_350] {strides = array<i32>} : memref<256x128xf32, #tpu.memory_space<vmem>>, vector<1x16xf32>,
        %swap3A_352 = vector.shape_cast %swap3A_351 : vector<1x16xf32> to vector<16xf32>
        %swap3A_353 = vector.shape_cast %mul3A_348 : vector<16xf32> to vector<1x16xf32>
        tpu.vector_store %arg7[%swap3A_349, %swap3A_350], %swap3A_353 {strides = array<i32>} : memref<256x128xf32, #tpu.memory_space<vmem>>, vector<1x16xf32>,
        %mul3A_354 = vector.broadcast %scan3A : f32 to vector<16xf32>
        %mul3A_355 = arith.mulf %scan3A_329#3, %mul3A_354 : vector<16xf32>
        %swap3A_356 = arith.index_cast %shift_right_arithmetic3A_332 : i32 to index
        %swap3A_357 = arith.constant 112 : index
        %swap3A_358 = tpu.vector_load %arg7[%swap3A_356, %swap3A_357] {strides = array<i32>} : memref<256x128xf32, #tpu.memory_space<vmem>>, vector<1x16xf32>,
        %swap3A_359 = vector.shape_cast %swap3A_358 : vector<1x16xf32> to vector<16xf32>
        %swap3A_360 = vector.shape_cast %mul3A_355 : vector<16xf32> to vector<1x16xf32>
        tpu.vector_store %arg7[%swap3A_356, %swap3A_357], %swap3A_360 {strides = array<i32>} : memref<256x128xf32, #tpu.memory_space<vmem>>, vector<1x16xf32>,
        %add3A_361 = arith.constant 4 : i32
        %add3A_362 = arith.addi %add3A_292, %add3A_361 : i32
        %lt3A_363 = arith.constant 512 : i32
        %lt3A_364 = arith.cmpi slt, %add3A_362, %lt3A_363 : i32
        %convert_element_type3A_365 = arith.extui %lt3A_364 : i1 to i32
        %cond3A_366 = arith.constant 0 : i32
        %cond3A_367 = arith.cmpi ne, %convert_element_type3A_365, %cond3A_366 : i32
        scf.if %cond3A_367 {
          %add3A_533 = arith.constant 4 : i32
          %add3A_534 = arith.addi %add3A_292, %add3A_533 : i32
          %and3A_535 = arith.constant 127 : i32
          %and3A_536 = arith.andi %add3A_534, %and3A_535 : i32
          %mul3A_537 = arith.constant 200 : i32
          %mul3A_538 = arith.muli %and3A_536, %mul3A_537 : i32
          %add3A_539 = arith.constant 128 : i32
          %add3A_540 = arith.addi %mul3A_538, %add3A_539 : i32
          %dma_start3A_541 = arith.constant 1 : i32
          %dma_start3A_542 = arith.constant 1 : i32
          %dma_start3A_543 = arith.constant 0 : i32
          %dma_start3A_544 = arith.constant 0 : i32
          %dma_start3A_545 = tpu.memref_slice %arg6[%dma_start3A_541, %dma_start3A_543, %dma_start3A_544] : memref<4x200x64xf32, #tpu.memory_space<vmem>> -> memref<1x128x64xf32, #tpu.memory_space<vmem>>
          %dma_start3A_546 = tpu.memref_squeeze %dma_start3A_545 : memref<1x128x64xf32, #tpu.memory_space<vmem>> -> memref<128x64xf32, #tpu.memory_space<vmem>>
          %dma_start3A_547 = tpu.memref_slice %arg5[%mul3A_538] : memref<25600xi32, #tpu.memory_space<vmem>> -> memref<128xi32, #tpu.memory_space<vmem>>
          %dma_start3A_548 = arith.constant 0 : i32
          %dma_start3A_549 = arith.constant 0 : i32
          %dma_start3A_550 = tpu.memref_slice %arg3[%dma_start3A_548, %dma_start3A_549] : memref<1000000x64xf32, #tpu.memory_space<hbm>> -> memref<1000000x64xf32, #tpu.memory_space<hbm>>
          %dma_start3A_551 = tpu.memref_slice %arg8[%dma_start3A_542] : memref<4x!tpu.dma_semaphore, #tpu.memory_space<semaphore_mem>> -> memref<1x!tpu.dma_semaphore, #tpu.memory_space<semaphore_mem>>
          %dma_start3A_552 = tpu.memref_squeeze %dma_start3A_551 : memref<1x!tpu.dma_semaphore, #tpu.memory_space<semaphore_mem>> -> memref<!tpu.dma_semaphore, #tpu.memory_space<semaphore_mem>>
          tpu.enqueue_indirect_dma source(%dma_start3A_550 : memref<1000000x64xf32, #tpu.memory_space<hbm>>) target(%dma_start3A_546 : memref<128x64xf32, #tpu.memory_space<vmem>>) offsets(%dma_start3A_547 : memref<128xi32, #tpu.memory_space<vmem>>) semaphore(%dma_start3A_552 : memref<!tpu.dma_semaphore, #tpu.memory_space<semaphore_mem>>)
          %dma_start3A_553 = arith.constant 1 : i32
          %dma_start3A_554 = arith.constant 1 : i32
          %dma_start3A_555 = arith.constant 128 : i32
          %dma_start3A_556 = arith.constant 0 : i32
          %dma_start3A_557 = tpu.memref_slice %arg6[%dma_start3A_553, %dma_start3A_555, %dma_start3A_556] : memref<4x200x64xf32, #tpu.memory_space<vmem>> -> memref<1x72x64xf32, #tpu.memory_space<vmem>>
          %dma_start3A_558 = tpu.memref_squeeze %dma_start3A_557 : memref<1x72x64xf32, #tpu.memory_space<vmem>> -> memref<72x64xf32, #tpu.memory_space<vmem>>
          %dma_start3A_559 = tpu.memref_slice %arg5[%add3A_540] : memref<25600xi32, #tpu.memory_space<vmem>> -> memref<72xi32, #tpu.memory_space<vmem>>
          %dma_start3A_560 = arith.constant 0 : i32
          %dma_start3A_561 = arith.constant 0 : i32
          %dma_start3A_562 = tpu.memref_slice %arg3[%dma_start3A_560, %dma_start3A_561] : memref<1000000x64xf32, #tpu.memory_space<hbm>> -> memref<1000000x64xf32, #tpu.memory_space<hbm>>
          %dma_start3A_563 = tpu.memref_slice %arg8[%dma_start3A_554] : memref<4x!tpu.dma_semaphore, #tpu.memory_space<semaphore_mem>> -> memref<1x!tpu.dma_semaphore, #tpu.memory_space<semaphore_mem>>
          %dma_start3A_564 = tpu.memref_squeeze %dma_start3A_563 : memref<1x!tpu.dma_semaphore, #tpu.memory_space<semaphore_mem>> -> memref<!tpu.dma_semaphore, #tpu.memory_space<semaphore_mem>>
          tpu.enqueue_indirect_dma source(%dma_start3A_562 : memref<1000000x64xf32, #tpu.memory_space<hbm>>) target(%dma_start3A_558 : memref<72x64xf32, #tpu.memory_space<vmem>>) offsets(%dma_start3A_559 : memref<72xi32, #tpu.memory_space<vmem>>) semaphore(%dma_start3A_564 : memref<!tpu.dma_semaphore, #tpu.memory_space<semaphore_mem>>)
        } else {
        }
        %mul3A_368 = arith.constant 64 : i32
        %mul3A_369 = arith.muli %mul3A_168, %mul3A_368 : i32
        %mul3A_370 = arith.constant 4 : i32
        %mul3A_371 = arith.muli %scan3A_205, %mul3A_370 : i32
        %add3A_372 = arith.addi %mul3A_369, %mul3A_371 : i32
        %add3A_373 = arith.constant 2 : i32
        %add3A_374 = arith.addi %add3A_372, %add3A_373 : i32
        %and3A_375 = arith.constant 127 : i32
        %and3A_376 = arith.andi %add3A_374, %and3A_375 : i32
        %mul3A_377 = arith.constant 200 : i32
        %mul3A_378 = arith.muli %and3A_376, %mul3A_377 : i32
        %add3A_379 = arith.constant 128 : i32
        %add3A_380 = arith.addi %mul3A_378, %add3A_379 : i32
        %dma_wait3A_381 = arith.constant 2 : i32
        %dma_wait3A_382 = arith.constant 2 : i32
        %dma_wait3A_383 = arith.constant 0 : i32
        %dma_wait3A_384 = arith.constant 0 : i32
        %dma_wait3A_385 = tpu.memref_slice %arg6[%dma_wait3A_381, %dma_wait3A_383, %dma_wait3A_384] : memref<4x200x64xf32, #tpu.memory_space<vmem>> -> memref<1x128x64xf32, #tpu.memory_space<vmem>>
        %dma_wait3A_386 = tpu.memref_squeeze %dma_wait3A_385 : memref<1x128x64xf32, #tpu.memory_space<vmem>> -> memref<128x64xf32, #tpu.memory_space<vmem>>
        %dma_wait3A_387 = tpu.memref_slice %arg5[%mul3A_378] : memref<25600xi32, #tpu.memory_space<vmem>> -> memref<128xi32, #tpu.memory_space<vmem>>
        %dma_wait3A_388 = arith.constant 0 : i32
        %dma_wait3A_389 = arith.constant 0 : i32
        %dma_wait3A_390 = tpu.memref_slice %arg3[%dma_wait3A_388, %dma_wait3A_389] : memref<1000000x64xf32, #tpu.memory_space<hbm>> -> memref<1000000x64xf32, #tpu.memory_space<hbm>>
        %dma_wait3A_391 = tpu.memref_slice %arg8[%dma_wait3A_382] : memref<4x!tpu.dma_semaphore, #tpu.memory_space<semaphore_mem>> -> memref<1x!tpu.dma_semaphore, #tpu.memory_space<semaphore_mem>>
        %dma_wait3A_392 = tpu.memref_squeeze %dma_wait3A_391 : memref<1x!tpu.dma_semaphore, #tpu.memory_space<semaphore_mem>> -> memref<!tpu.dma_semaphore, #tpu.memory_space<semaphore_mem>>
        tpu.wait_indirect_dma semaphore(%dma_wait3A_392 : memref<!tpu.dma_semaphore, #tpu.memory_space<semaphore_mem>>) src(%dma_wait3A_390 : memref<1000000x64xf32, #tpu.memory_space<hbm>>) dst(%dma_wait3A_386 : memref<128x64xf32, #tpu.memory_space<vmem>>)
        %dma_wait3A_393 = arith.constant 2 : i32
        %dma_wait3A_394 = arith.constant 2 : i32
        %dma_wait3A_395 = arith.constant 128 : i32
        %dma_wait3A_396 = arith.constant 0 : i32
        %dma_wait3A_397 = tpu.memref_slice %arg6[%dma_wait3A_393, %dma_wait3A_395, %dma_wait3A_396] : memref<4x200x64xf32, #tpu.memory_space<vmem>> -> memref<1x72x64xf32, #tpu.memory_space<vmem>>
        %dma_wait3A_398 = tpu.memref_squeeze %dma_wait3A_397 : memref<1x72x64xf32, #tpu.memory_space<vmem>> -> memref<72x64xf32, #tpu.memory_space<vmem>>
        %dma_wait3A_399 = tpu.memref_slice %arg5[%add3A_380] : memref<25600xi32, #tpu.memory_space<vmem>> -> memref<72xi32, #tpu.memory_space<vmem>>
        %dma_wait3A_400 = arith.constant 0 : i32
        %dma_wait3A_401 = arith.constant 0 : i32
        %dma_wait3A_402 = tpu.memref_slice %arg3[%dma_wait3A_400, %dma_wait3A_401] : memref<1000000x64xf32, #tpu.memory_space<hbm>> -> memref<1000000x64xf32, #tpu.memory_space<hbm>>
        %dma_wait3A_403 = tpu.memref_slice %arg8[%dma_wait3A_394] : memref<4x!tpu.dma_semaphore, #tpu.memory_space<semaphore_mem>> -> memref<1x!tpu.dma_semaphore, #tpu.memory_space<semaphore_mem>>
        %dma_wait3A_404 = tpu.memref_squeeze %dma_wait3A_403 : memref<1x!tpu.dma_semaphore, #tpu.memory_space<semaphore_mem>> -> memref<!tpu.dma_semaphore, #tpu.memory_space<semaphore_mem>>
        tpu.wait_indirect_dma semaphore(%dma_wait3A_404 : memref<!tpu.dma_semaphore, #tpu.memory_space<semaphore_mem>>) src(%dma_wait3A_402 : memref<1000000x64xf32, #tpu.memory_space<hbm>>) dst(%dma_wait3A_398 : memref<72x64xf32, #tpu.memory_space<vmem>>)
        %broadcast_in_dim3A_405 = arith.constant 0.000000e+00 : f32
        %broadcast_in_dim3A_406 = vector.broadcast %broadcast_in_dim3A_405 : f32 to vector<16xf32>
        %scan3A_407 = arith.constant 0 : i32
        %scan3A_408 = arith.constant 50 : i32
        %scan3A_409 = arith.addi %scan3A_407, %scan3A_408 : i32
        %scan3A_410 = arith.constant 1 : i32
        %scan3A_411:4 = scf.for %scan3A_533 = %scan3A_407 to %scan3A_409 step %scan3A_410 iter_args(%scan3A_534 = %broadcast_in_dim3A_406, %scan3A_535 = %broadcast_in_dim3A_406, %scan3A_536 = %broadcast_in_dim3A_406, %scan3A_537 = %broadcast_in_dim3A_406) -> (vector<16xf32>, vector<16xf32>, vector<16xf32>, vector<16xf32>)  : i32 {
          %mul3A_538 = arith.constant 4 : i32
          %mul3A_539 = arith.muli %scan3A_533, %mul3A_538 : i32
          %add3A_540 = arith.constant 0 : i32
          %add3A_541 = arith.addi %mul3A_539, %add3A_540 : i32
          %get3A = arith.constant 2 : i32
          %get3A_542 = arith.index_cast %get3A : i32 to index
          %get3A_543 = arith.index_cast %add3A_541 : i32 to index
          %get3A_544 = arith.constant 0 : index
          %get3A_545 = tpu.vector_load %arg6[%get3A_542, %get3A_543, %get3A_544] {strides = array<i32>} : memref<4x200x64xf32, #tpu.memory_space<vmem>>, vector<1x1x16xf32>,
          %get3A_546 = vector.shape_cast %get3A_545 : vector<1x1x16xf32> to vector<16xf32>
          %add3A_547 = arith.addf %scan3A_534, %get3A_546 : vector<16xf32>
          %get3A_548 = arith.constant 2 : i32
          %get3A_549 = arith.index_cast %get3A_548 : i32 to index
          %get3A_550 = arith.index_cast %add3A_541 : i32 to index
          %get3A_551 = arith.constant 16 : index
          %get3A_552 = tpu.vector_load %arg6[%get3A_549, %get3A_550, %get3A_551] {strides = array<i32>} : memref<4x200x64xf32, #tpu.memory_space<vmem>>, vector<1x1x16xf32>,
          %get3A_553 = vector.shape_cast %get3A_552 : vector<1x1x16xf32> to vector<16xf32>
          %add3A_554 = arith.addf %scan3A_535, %get3A_553 : vector<16xf32>
          %get3A_555 = arith.constant 2 : i32
          %get3A_556 = arith.index_cast %get3A_555 : i32 to index
          %get3A_557 = arith.index_cast %add3A_541 : i32 to index
          %get3A_558 = arith.constant 32 : index
          %get3A_559 = tpu.vector_load %arg6[%get3A_556, %get3A_557, %get3A_558] {strides = array<i32>} : memref<4x200x64xf32, #tpu.memory_space<vmem>>, vector<1x1x16xf32>,
          %get3A_560 = vector.shape_cast %get3A_559 : vector<1x1x16xf32> to vector<16xf32>
          %add3A_561 = arith.addf %scan3A_536, %get3A_560 : vector<16xf32>
          %get3A_562 = arith.constant 2 : i32
          %get3A_563 = arith.index_cast %get3A_562 : i32 to index
          %get3A_564 = arith.index_cast %add3A_541 : i32 to index
          %get3A_565 = arith.constant 48 : index
          %get3A_566 = tpu.vector_load %arg6[%get3A_563, %get3A_564, %get3A_565] {strides = array<i32>} : memref<4x200x64xf32, #tpu.memory_space<vmem>>, vector<1x1x16xf32>,
          %get3A_567 = vector.shape_cast %get3A_566 : vector<1x1x16xf32> to vector<16xf32>
          %add3A_568 = arith.addf %scan3A_537, %get3A_567 : vector<16xf32>
          %mul3A_569 = arith.constant 4 : i32
          %mul3A_570 = arith.muli %scan3A_533, %mul3A_569 : i32
          %add3A_571 = arith.constant 1 : i32
          %add3A_572 = arith.addi %mul3A_570, %add3A_571 : i32
          %get3A_573 = arith.constant 2 : i32
          %get3A_574 = arith.index_cast %get3A_573 : i32 to index
          %get3A_575 = arith.index_cast %add3A_572 : i32 to index
          %get3A_576 = arith.constant 0 : index
          %get3A_577 = tpu.vector_load %arg6[%get3A_574, %get3A_575, %get3A_576] {strides = array<i32>} : memref<4x200x64xf32, #tpu.memory_space<vmem>>, vector<1x1x16xf32>,
          %get3A_578 = vector.shape_cast %get3A_577 : vector<1x1x16xf32> to vector<16xf32>
          %add3A_579 = arith.addf %add3A_547, %get3A_578 : vector<16xf32>
          %get3A_580 = arith.constant 2 : i32
          %get3A_581 = arith.index_cast %get3A_580 : i32 to index
          %get3A_582 = arith.index_cast %add3A_572 : i32 to index
          %get3A_583 = arith.constant 16 : index
          %get3A_584 = tpu.vector_load %arg6[%get3A_581, %get3A_582, %get3A_583] {strides = array<i32>} : memref<4x200x64xf32, #tpu.memory_space<vmem>>, vector<1x1x16xf32>,
          %get3A_585 = vector.shape_cast %get3A_584 : vector<1x1x16xf32> to vector<16xf32>
          %add3A_586 = arith.addf %add3A_554, %get3A_585 : vector<16xf32>
          %get3A_587 = arith.constant 2 : i32
          %get3A_588 = arith.index_cast %get3A_587 : i32 to index
          %get3A_589 = arith.index_cast %add3A_572 : i32 to index
          %get3A_590 = arith.constant 32 : index
          %get3A_591 = tpu.vector_load %arg6[%get3A_588, %get3A_589, %get3A_590] {strides = array<i32>} : memref<4x200x64xf32, #tpu.memory_space<vmem>>, vector<1x1x16xf32>,
          %get3A_592 = vector.shape_cast %get3A_591 : vector<1x1x16xf32> to vector<16xf32>
          %add3A_593 = arith.addf %add3A_561, %get3A_592 : vector<16xf32>
          %get3A_594 = arith.constant 2 : i32
          %get3A_595 = arith.index_cast %get3A_594 : i32 to index
          %get3A_596 = arith.index_cast %add3A_572 : i32 to index
          %get3A_597 = arith.constant 48 : index
          %get3A_598 = tpu.vector_load %arg6[%get3A_595, %get3A_596, %get3A_597] {strides = array<i32>} : memref<4x200x64xf32, #tpu.memory_space<vmem>>, vector<1x1x16xf32>,
          %get3A_599 = vector.shape_cast %get3A_598 : vector<1x1x16xf32> to vector<16xf32>
          %add3A_600 = arith.addf %add3A_568, %get3A_599 : vector<16xf32>
          %mul3A_601 = arith.constant 4 : i32
          %mul3A_602 = arith.muli %scan3A_533, %mul3A_601 : i32
          %add3A_603 = arith.constant 2 : i32
          %add3A_604 = arith.addi %mul3A_602, %add3A_603 : i32
          %get3A_605 = arith.constant 2 : i32
          %get3A_606 = arith.index_cast %get3A_605 : i32 to index
          %get3A_607 = arith.index_cast %add3A_604 : i32 to index
          %get3A_608 = arith.constant 0 : index
          %get3A_609 = tpu.vector_load %arg6[%get3A_606, %get3A_607, %get3A_608] {strides = array<i32>} : memref<4x200x64xf32, #tpu.memory_space<vmem>>, vector<1x1x16xf32>,
          %get3A_610 = vector.shape_cast %get3A_609 : vector<1x1x16xf32> to vector<16xf32>
          %add3A_611 = arith.addf %add3A_579, %get3A_610 : vector<16xf32>
          %get3A_612 = arith.constant 2 : i32
          %get3A_613 = arith.index_cast %get3A_612 : i32 to index
          %get3A_614 = arith.index_cast %add3A_604 : i32 to index
          %get3A_615 = arith.constant 16 : index
          %get3A_616 = tpu.vector_load %arg6[%get3A_613, %get3A_614, %get3A_615] {strides = array<i32>} : memref<4x200x64xf32, #tpu.memory_space<vmem>>, vector<1x1x16xf32>,
          %get3A_617 = vector.shape_cast %get3A_616 : vector<1x1x16xf32> to vector<16xf32>
          %add3A_618 = arith.addf %add3A_586, %get3A_617 : vector<16xf32>
          %get3A_619 = arith.constant 2 : i32
          %get3A_620 = arith.index_cast %get3A_619 : i32 to index
          %get3A_621 = arith.index_cast %add3A_604 : i32 to index
          %get3A_622 = arith.constant 32 : index
          %get3A_623 = tpu.vector_load %arg6[%get3A_620, %get3A_621, %get3A_622] {strides = array<i32>} : memref<4x200x64xf32, #tpu.memory_space<vmem>>, vector<1x1x16xf32>,
          %get3A_624 = vector.shape_cast %get3A_623 : vector<1x1x16xf32> to vector<16xf32>
          %add3A_625 = arith.addf %add3A_593, %get3A_624 : vector<16xf32>
          %get3A_626 = arith.constant 2 : i32
          %get3A_627 = arith.index_cast %get3A_626 : i32 to index
          %get3A_628 = arith.index_cast %add3A_604 : i32 to index
          %get3A_629 = arith.constant 48 : index
          %get3A_630 = tpu.vector_load %arg6[%get3A_627, %get3A_628, %get3A_629] {strides = array<i32>} : memref<4x200x64xf32, #tpu.memory_space<vmem>>, vector<1x1x16xf32>,
          %get3A_631 = vector.shape_cast %get3A_630 : vector<1x1x16xf32> to vector<16xf32>
          %add3A_632 = arith.addf %add3A_600, %get3A_631 : vector<16xf32>
          %mul3A_633 = arith.constant 4 : i32
          %mul3A_634 = arith.muli %scan3A_533, %mul3A_633 : i32
          %add3A_635 = arith.constant 3 : i32
          %add3A_636 = arith.addi %mul3A_634, %add3A_635 : i32
          %get3A_637 = arith.constant 2 : i32
          %get3A_638 = arith.index_cast %get3A_637 : i32 to index
          %get3A_639 = arith.index_cast %add3A_636 : i32 to index
          %get3A_640 = arith.constant 0 : index
          %get3A_641 = tpu.vector_load %arg6[%get3A_638, %get3A_639, %get3A_640] {strides = array<i32>} : memref<4x200x64xf32, #tpu.memory_space<vmem>>, vector<1x1x16xf32>,
          %get3A_642 = vector.shape_cast %get3A_641 : vector<1x1x16xf32> to vector<16xf32>
          %add3A_643 = arith.addf %add3A_611, %get3A_642 : vector<16xf32>
          %get3A_644 = arith.constant 2 : i32
          %get3A_645 = arith.index_cast %get3A_644 : i32 to index
          %get3A_646 = arith.index_cast %add3A_636 : i32 to index
          %get3A_647 = arith.constant 16 : index
          %get3A_648 = tpu.vector_load %arg6[%get3A_645, %get3A_646, %get3A_647] {strides = array<i32>} : memref<4x200x64xf32, #tpu.memory_space<vmem>>, vector<1x1x16xf32>,
          %get3A_649 = vector.shape_cast %get3A_648 : vector<1x1x16xf32> to vector<16xf32>
          %add3A_650 = arith.addf %add3A_618, %get3A_649 : vector<16xf32>
          %get3A_651 = arith.constant 2 : i32
          %get3A_652 = arith.index_cast %get3A_651 : i32 to index
          %get3A_653 = arith.index_cast %add3A_636 : i32 to index
          %get3A_654 = arith.constant 32 : index
          %get3A_655 = tpu.vector_load %arg6[%get3A_652, %get3A_653, %get3A_654] {strides = array<i32>} : memref<4x200x64xf32, #tpu.memory_space<vmem>>, vector<1x1x16xf32>,
          %get3A_656 = vector.shape_cast %get3A_655 : vector<1x1x16xf32> to vector<16xf32>
          %add3A_657 = arith.addf %add3A_625, %get3A_656 : vector<16xf32>
          %get3A_658 = arith.constant 2 : i32
          %get3A_659 = arith.index_cast %get3A_658 : i32 to index
          %get3A_660 = arith.index_cast %add3A_636 : i32 to index
          %get3A_661 = arith.constant 48 : index
          %get3A_662 = tpu.vector_load %arg6[%get3A_659, %get3A_660, %get3A_661] {strides = array<i32>} : memref<4x200x64xf32, #tpu.memory_space<vmem>>, vector<1x1x16xf32>,
          %get3A_663 = vector.shape_cast %get3A_662 : vector<1x1x16xf32> to vector<16xf32>
          %add3A_664 = arith.addf %add3A_632, %get3A_663 : vector<16xf32>
          scf.yield %add3A_643, %add3A_650, %add3A_657, %add3A_664 : vector<16xf32>, vector<16xf32>, vector<16xf32>, vector<16xf32>
        }
        %scan3A_412 = arith.constant 50 : i32
        %shift_right_arithmetic3A_413 = arith.constant 1 : i32
        %shift_right_arithmetic3A_414 = arith.shrsi %add3A_374, %shift_right_arithmetic3A_413 : i32
        %mul3A_415 = vector.broadcast %scan3A : f32 to vector<16xf32>
        %mul3A_416 = arith.mulf %scan3A_411#0, %mul3A_415 : vector<16xf32>
        %swap3A_417 = arith.index_cast %shift_right_arithmetic3A_414 : i32 to index
        %swap3A_418 = arith.constant 0 : index
        %swap3A_419 = tpu.vector_load %arg7[%swap3A_417, %swap3A_418] {strides = array<i32>} : memref<256x128xf32, #tpu.memory_space<vmem>>, vector<1x16xf32>,
        %swap3A_420 = vector.shape_cast %swap3A_419 : vector<1x16xf32> to vector<16xf32>
        %swap3A_421 = vector.shape_cast %mul3A_416 : vector<16xf32> to vector<1x16xf32>
        tpu.vector_store %arg7[%swap3A_417, %swap3A_418], %swap3A_421 {strides = array<i32>} : memref<256x128xf32, #tpu.memory_space<vmem>>, vector<1x16xf32>,
        %mul3A_422 = vector.broadcast %scan3A : f32 to vector<16xf32>
        %mul3A_423 = arith.mulf %scan3A_411#1, %mul3A_422 : vector<16xf32>
        %swap3A_424 = arith.index_cast %shift_right_arithmetic3A_414 : i32 to index
        %swap3A_425 = arith.constant 16 : index
        %swap3A_426 = tpu.vector_load %arg7[%swap3A_424, %swap3A_425] {strides = array<i32>} : memref<256x128xf32, #tpu.memory_space<vmem>>, vector<1x16xf32>,
        %swap3A_427 = vector.shape_cast %swap3A_426 : vector<1x16xf32> to vector<16xf32>
        %swap3A_428 = vector.shape_cast %mul3A_423 : vector<16xf32> to vector<1x16xf32>
        tpu.vector_store %arg7[%swap3A_424, %swap3A_425], %swap3A_428 {strides = array<i32>} : memref<256x128xf32, #tpu.memory_space<vmem>>, vector<1x16xf32>,
        %mul3A_429 = vector.broadcast %scan3A : f32 to vector<16xf32>
        %mul3A_430 = arith.mulf %scan3A_411#2, %mul3A_429 : vector<16xf32>
        %swap3A_431 = arith.index_cast %shift_right_arithmetic3A_414 : i32 to index
        %swap3A_432 = arith.constant 32 : index
        %swap3A_433 = tpu.vector_load %arg7[%swap3A_431, %swap3A_432] {strides = array<i32>} : memref<256x128xf32, #tpu.memory_space<vmem>>, vector<1x16xf32>,
        %swap3A_434 = vector.shape_cast %swap3A_433 : vector<1x16xf32> to vector<16xf32>
        %swap3A_435 = vector.shape_cast %mul3A_430 : vector<16xf32> to vector<1x16xf32>
        tpu.vector_store %arg7[%swap3A_431, %swap3A_432], %swap3A_435 {strides = array<i32>} : memref<256x128xf32, #tpu.memory_space<vmem>>, vector<1x16xf32>,
        %mul3A_436 = vector.broadcast %scan3A : f32 to vector<16xf32>
        %mul3A_437 = arith.mulf %scan3A_411#3, %mul3A_436 : vector<16xf32>
        %swap3A_438 = arith.index_cast %shift_right_arithmetic3A_414 : i32 to index
        %swap3A_439 = arith.constant 48 : index
        %swap3A_440 = tpu.vector_load %arg7[%swap3A_438, %swap3A_439] {strides = array<i32>} : memref<256x128xf32, #tpu.memory_space<vmem>>, vector<1x16xf32>,
        %swap3A_441 = vector.shape_cast %swap3A_440 : vector<1x16xf32> to vector<16xf32>
        %swap3A_442 = vector.shape_cast %mul3A_437 : vector<16xf32> to vector<1x16xf32>
        tpu.vector_store %arg7[%swap3A_438, %swap3A_439], %swap3A_442 {strides = array<i32>} : memref<256x128xf32, #tpu.memory_space<vmem>>, vector<1x16xf32>,
        %add3A_443 = arith.constant 4 : i32
        %add3A_444 = arith.addi %add3A_374, %add3A_443 : i32
        %lt3A_445 = arith.constant 512 : i32
        %lt3A_446 = arith.cmpi slt, %add3A_444, %lt3A_445 : i32
        %convert_element_type3A_447 = arith.extui %lt3A_446 : i1 to i32
        %cond3A_448 = arith.constant 0 : i32
        %cond3A_449 = arith.cmpi ne, %convert_element_type3A_447, %cond3A_448 : i32
        scf.if %cond3A_449 {
          %add3A_533 = arith.constant 4 : i32
          %add3A_534 = arith.addi %add3A_374, %add3A_533 : i32
          %and3A_535 = arith.constant 127 : i32
          %and3A_536 = arith.andi %add3A_534, %and3A_535 : i32
          %mul3A_537 = arith.constant 200 : i32
          %mul3A_538 = arith.muli %and3A_536, %mul3A_537 : i32
          %add3A_539 = arith.constant 128 : i32
          %add3A_540 = arith.addi %mul3A_538, %add3A_539 : i32
          %dma_start3A_541 = arith.constant 2 : i32
          %dma_start3A_542 = arith.constant 2 : i32
          %dma_start3A_543 = arith.constant 0 : i32
          %dma_start3A_544 = arith.constant 0 : i32
          %dma_start3A_545 = tpu.memref_slice %arg6[%dma_start3A_541, %dma_start3A_543, %dma_start3A_544] : memref<4x200x64xf32, #tpu.memory_space<vmem>> -> memref<1x128x64xf32, #tpu.memory_space<vmem>>
          %dma_start3A_546 = tpu.memref_squeeze %dma_start3A_545 : memref<1x128x64xf32, #tpu.memory_space<vmem>> -> memref<128x64xf32, #tpu.memory_space<vmem>>
          %dma_start3A_547 = tpu.memref_slice %arg5[%mul3A_538] : memref<25600xi32, #tpu.memory_space<vmem>> -> memref<128xi32, #tpu.memory_space<vmem>>
          %dma_start3A_548 = arith.constant 0 : i32
          %dma_start3A_549 = arith.constant 0 : i32
          %dma_start3A_550 = tpu.memref_slice %arg3[%dma_start3A_548, %dma_start3A_549] : memref<1000000x64xf32, #tpu.memory_space<hbm>> -> memref<1000000x64xf32, #tpu.memory_space<hbm>>
          %dma_start3A_551 = tpu.memref_slice %arg8[%dma_start3A_542] : memref<4x!tpu.dma_semaphore, #tpu.memory_space<semaphore_mem>> -> memref<1x!tpu.dma_semaphore, #tpu.memory_space<semaphore_mem>>
          %dma_start3A_552 = tpu.memref_squeeze %dma_start3A_551 : memref<1x!tpu.dma_semaphore, #tpu.memory_space<semaphore_mem>> -> memref<!tpu.dma_semaphore, #tpu.memory_space<semaphore_mem>>
          tpu.enqueue_indirect_dma source(%dma_start3A_550 : memref<1000000x64xf32, #tpu.memory_space<hbm>>) target(%dma_start3A_546 : memref<128x64xf32, #tpu.memory_space<vmem>>) offsets(%dma_start3A_547 : memref<128xi32, #tpu.memory_space<vmem>>) semaphore(%dma_start3A_552 : memref<!tpu.dma_semaphore, #tpu.memory_space<semaphore_mem>>)
          %dma_start3A_553 = arith.constant 2 : i32
          %dma_start3A_554 = arith.constant 2 : i32
          %dma_start3A_555 = arith.constant 128 : i32
          %dma_start3A_556 = arith.constant 0 : i32
          %dma_start3A_557 = tpu.memref_slice %arg6[%dma_start3A_553, %dma_start3A_555, %dma_start3A_556] : memref<4x200x64xf32, #tpu.memory_space<vmem>> -> memref<1x72x64xf32, #tpu.memory_space<vmem>>
          %dma_start3A_558 = tpu.memref_squeeze %dma_start3A_557 : memref<1x72x64xf32, #tpu.memory_space<vmem>> -> memref<72x64xf32, #tpu.memory_space<vmem>>
          %dma_start3A_559 = tpu.memref_slice %arg5[%add3A_540] : memref<25600xi32, #tpu.memory_space<vmem>> -> memref<72xi32, #tpu.memory_space<vmem>>
          %dma_start3A_560 = arith.constant 0 : i32
          %dma_start3A_561 = arith.constant 0 : i32
          %dma_start3A_562 = tpu.memref_slice %arg3[%dma_start3A_560, %dma_start3A_561] : memref<1000000x64xf32, #tpu.memory_space<hbm>> -> memref<1000000x64xf32, #tpu.memory_space<hbm>>
          %dma_start3A_563 = tpu.memref_slice %arg8[%dma_start3A_554] : memref<4x!tpu.dma_semaphore, #tpu.memory_space<semaphore_mem>> -> memref<1x!tpu.dma_semaphore, #tpu.memory_space<semaphore_mem>>
          %dma_start3A_564 = tpu.memref_squeeze %dma_start3A_563 : memref<1x!tpu.dma_semaphore, #tpu.memory_space<semaphore_mem>> -> memref<!tpu.dma_semaphore, #tpu.memory_space<semaphore_mem>>
          tpu.enqueue_indirect_dma source(%dma_start3A_562 : memref<1000000x64xf32, #tpu.memory_space<hbm>>) target(%dma_start3A_558 : memref<72x64xf32, #tpu.memory_space<vmem>>) offsets(%dma_start3A_559 : memref<72xi32, #tpu.memory_space<vmem>>) semaphore(%dma_start3A_564 : memref<!tpu.dma_semaphore, #tpu.memory_space<semaphore_mem>>)
        } else {
        }
        %mul3A_450 = arith.constant 64 : i32
        %mul3A_451 = arith.muli %mul3A_168, %mul3A_450 : i32
        %mul3A_452 = arith.constant 4 : i32
        %mul3A_453 = arith.muli %scan3A_205, %mul3A_452 : i32
        %add3A_454 = arith.addi %mul3A_451, %mul3A_453 : i32
        %add3A_455 = arith.constant 3 : i32
        %add3A_456 = arith.addi %add3A_454, %add3A_455 : i32
        %and3A_457 = arith.constant 127 : i32
        %and3A_458 = arith.andi %add3A_456, %and3A_457 : i32
        %mul3A_459 = arith.constant 200 : i32
        %mul3A_460 = arith.muli %and3A_458, %mul3A_459 : i32
        %add3A_461 = arith.constant 128 : i32
        %add3A_462 = arith.addi %mul3A_460, %add3A_461 : i32
        %dma_wait3A_463 = arith.constant 3 : i32
        %dma_wait3A_464 = arith.constant 3 : i32
        %dma_wait3A_465 = arith.constant 0 : i32
        %dma_wait3A_466 = arith.constant 0 : i32
        %dma_wait3A_467 = tpu.memref_slice %arg6[%dma_wait3A_463, %dma_wait3A_465, %dma_wait3A_466] : memref<4x200x64xf32, #tpu.memory_space<vmem>> -> memref<1x128x64xf32, #tpu.memory_space<vmem>>
        %dma_wait3A_468 = tpu.memref_squeeze %dma_wait3A_467 : memref<1x128x64xf32, #tpu.memory_space<vmem>> -> memref<128x64xf32, #tpu.memory_space<vmem>>
        %dma_wait3A_469 = tpu.memref_slice %arg5[%mul3A_460] : memref<25600xi32, #tpu.memory_space<vmem>> -> memref<128xi32, #tpu.memory_space<vmem>>
        %dma_wait3A_470 = arith.constant 0 : i32
        %dma_wait3A_471 = arith.constant 0 : i32
        %dma_wait3A_472 = tpu.memref_slice %arg3[%dma_wait3A_470, %dma_wait3A_471] : memref<1000000x64xf32, #tpu.memory_space<hbm>> -> memref<1000000x64xf32, #tpu.memory_space<hbm>>
        %dma_wait3A_473 = tpu.memref_slice %arg8[%dma_wait3A_464] : memref<4x!tpu.dma_semaphore, #tpu.memory_space<semaphore_mem>> -> memref<1x!tpu.dma_semaphore, #tpu.memory_space<semaphore_mem>>
        %dma_wait3A_474 = tpu.memref_squeeze %dma_wait3A_473 : memref<1x!tpu.dma_semaphore, #tpu.memory_space<semaphore_mem>> -> memref<!tpu.dma_semaphore, #tpu.memory_space<semaphore_mem>>
        tpu.wait_indirect_dma semaphore(%dma_wait3A_474 : memref<!tpu.dma_semaphore, #tpu.memory_space<semaphore_mem>>) src(%dma_wait3A_472 : memref<1000000x64xf32, #tpu.memory_space<hbm>>) dst(%dma_wait3A_468 : memref<128x64xf32, #tpu.memory_space<vmem>>)
        %dma_wait3A_475 = arith.constant 3 : i32
        %dma_wait3A_476 = arith.constant 3 : i32
        %dma_wait3A_477 = arith.constant 128 : i32
        %dma_wait3A_478 = arith.constant 0 : i32
        %dma_wait3A_479 = tpu.memref_slice %arg6[%dma_wait3A_475, %dma_wait3A_477, %dma_wait3A_478] : memref<4x200x64xf32, #tpu.memory_space<vmem>> -> memref<1x72x64xf32, #tpu.memory_space<vmem>>
        %dma_wait3A_480 = tpu.memref_squeeze %dma_wait3A_479 : memref<1x72x64xf32, #tpu.memory_space<vmem>> -> memref<72x64xf32, #tpu.memory_space<vmem>>
        %dma_wait3A_481 = tpu.memref_slice %arg5[%add3A_462] : memref<25600xi32, #tpu.memory_space<vmem>> -> memref<72xi32, #tpu.memory_space<vmem>>
        %dma_wait3A_482 = arith.constant 0 : i32
        %dma_wait3A_483 = arith.constant 0 : i32
        %dma_wait3A_484 = tpu.memref_slice %arg3[%dma_wait3A_482, %dma_wait3A_483] : memref<1000000x64xf32, #tpu.memory_space<hbm>> -> memref<1000000x64xf32, #tpu.memory_space<hbm>>
        %dma_wait3A_485 = tpu.memref_slice %arg8[%dma_wait3A_476] : memref<4x!tpu.dma_semaphore, #tpu.memory_space<semaphore_mem>> -> memref<1x!tpu.dma_semaphore, #tpu.memory_space<semaphore_mem>>
        %dma_wait3A_486 = tpu.memref_squeeze %dma_wait3A_485 : memref<1x!tpu.dma_semaphore, #tpu.memory_space<semaphore_mem>> -> memref<!tpu.dma_semaphore, #tpu.memory_space<semaphore_mem>>
        tpu.wait_indirect_dma semaphore(%dma_wait3A_486 : memref<!tpu.dma_semaphore, #tpu.memory_space<semaphore_mem>>) src(%dma_wait3A_484 : memref<1000000x64xf32, #tpu.memory_space<hbm>>) dst(%dma_wait3A_480 : memref<72x64xf32, #tpu.memory_space<vmem>>)
        %broadcast_in_dim3A_487 = arith.constant 0.000000e+00 : f32
        %broadcast_in_dim3A_488 = vector.broadcast %broadcast_in_dim3A_487 : f32 to vector<16xf32>
        %scan3A_489 = arith.constant 0 : i32
        %scan3A_490 = arith.constant 50 : i32
        %scan3A_491 = arith.addi %scan3A_489, %scan3A_490 : i32
        %scan3A_492 = arith.constant 1 : i32
        %scan3A_493:4 = scf.for %scan3A_533 = %scan3A_489 to %scan3A_491 step %scan3A_492 iter_args(%scan3A_534 = %broadcast_in_dim3A_488, %scan3A_535 = %broadcast_in_dim3A_488, %scan3A_536 = %broadcast_in_dim3A_488, %scan3A_537 = %broadcast_in_dim3A_488) -> (vector<16xf32>, vector<16xf32>, vector<16xf32>, vector<16xf32>)  : i32 {
          %mul3A_538 = arith.constant 4 : i32
          %mul3A_539 = arith.muli %scan3A_533, %mul3A_538 : i32
          %add3A_540 = arith.constant 0 : i32
          %add3A_541 = arith.addi %mul3A_539, %add3A_540 : i32
          %get3A = arith.constant 3 : i32
          %get3A_542 = arith.index_cast %get3A : i32 to index
          %get3A_543 = arith.index_cast %add3A_541 : i32 to index
          %get3A_544 = arith.constant 0 : index
          %get3A_545 = tpu.vector_load %arg6[%get3A_542, %get3A_543, %get3A_544] {strides = array<i32>} : memref<4x200x64xf32, #tpu.memory_space<vmem>>, vector<1x1x16xf32>,
          %get3A_546 = vector.shape_cast %get3A_545 : vector<1x1x16xf32> to vector<16xf32>
          %add3A_547 = arith.addf %scan3A_534, %get3A_546 : vector<16xf32>
          %get3A_548 = arith.constant 3 : i32
          %get3A_549 = arith.index_cast %get3A_548 : i32 to index
          %get3A_550 = arith.index_cast %add3A_541 : i32 to index
          %get3A_551 = arith.constant 16 : index
          %get3A_552 = tpu.vector_load %arg6[%get3A_549, %get3A_550, %get3A_551] {strides = array<i32>} : memref<4x200x64xf32, #tpu.memory_space<vmem>>, vector<1x1x16xf32>,
          %get3A_553 = vector.shape_cast %get3A_552 : vector<1x1x16xf32> to vector<16xf32>
          %add3A_554 = arith.addf %scan3A_535, %get3A_553 : vector<16xf32>
          %get3A_555 = arith.constant 3 : i32
          %get3A_556 = arith.index_cast %get3A_555 : i32 to index
          %get3A_557 = arith.index_cast %add3A_541 : i32 to index
          %get3A_558 = arith.constant 32 : index
          %get3A_559 = tpu.vector_load %arg6[%get3A_556, %get3A_557, %get3A_558] {strides = array<i32>} : memref<4x200x64xf32, #tpu.memory_space<vmem>>, vector<1x1x16xf32>,
          %get3A_560 = vector.shape_cast %get3A_559 : vector<1x1x16xf32> to vector<16xf32>
          %add3A_561 = arith.addf %scan3A_536, %get3A_560 : vector<16xf32>
          %get3A_562 = arith.constant 3 : i32
          %get3A_563 = arith.index_cast %get3A_562 : i32 to index
          %get3A_564 = arith.index_cast %add3A_541 : i32 to index
          %get3A_565 = arith.constant 48 : index
          %get3A_566 = tpu.vector_load %arg6[%get3A_563, %get3A_564, %get3A_565] {strides = array<i32>} : memref<4x200x64xf32, #tpu.memory_space<vmem>>, vector<1x1x16xf32>,
          %get3A_567 = vector.shape_cast %get3A_566 : vector<1x1x16xf32> to vector<16xf32>
          %add3A_568 = arith.addf %scan3A_537, %get3A_567 : vector<16xf32>
          %mul3A_569 = arith.constant 4 : i32
          %mul3A_570 = arith.muli %scan3A_533, %mul3A_569 : i32
          %add3A_571 = arith.constant 1 : i32
          %add3A_572 = arith.addi %mul3A_570, %add3A_571 : i32
          %get3A_573 = arith.constant 3 : i32
          %get3A_574 = arith.index_cast %get3A_573 : i32 to index
          %get3A_575 = arith.index_cast %add3A_572 : i32 to index
          %get3A_576 = arith.constant 0 : index
          %get3A_577 = tpu.vector_load %arg6[%get3A_574, %get3A_575, %get3A_576] {strides = array<i32>} : memref<4x200x64xf32, #tpu.memory_space<vmem>>, vector<1x1x16xf32>,
          %get3A_578 = vector.shape_cast %get3A_577 : vector<1x1x16xf32> to vector<16xf32>
          %add3A_579 = arith.addf %add3A_547, %get3A_578 : vector<16xf32>
          %get3A_580 = arith.constant 3 : i32
          %get3A_581 = arith.index_cast %get3A_580 : i32 to index
          %get3A_582 = arith.index_cast %add3A_572 : i32 to index
          %get3A_583 = arith.constant 16 : index
          %get3A_584 = tpu.vector_load %arg6[%get3A_581, %get3A_582, %get3A_583] {strides = array<i32>} : memref<4x200x64xf32, #tpu.memory_space<vmem>>, vector<1x1x16xf32>,
          %get3A_585 = vector.shape_cast %get3A_584 : vector<1x1x16xf32> to vector<16xf32>
          %add3A_586 = arith.addf %add3A_554, %get3A_585 : vector<16xf32>
          %get3A_587 = arith.constant 3 : i32
          %get3A_588 = arith.index_cast %get3A_587 : i32 to index
          %get3A_589 = arith.index_cast %add3A_572 : i32 to index
          %get3A_590 = arith.constant 32 : index
          %get3A_591 = tpu.vector_load %arg6[%get3A_588, %get3A_589, %get3A_590] {strides = array<i32>} : memref<4x200x64xf32, #tpu.memory_space<vmem>>, vector<1x1x16xf32>,
          %get3A_592 = vector.shape_cast %get3A_591 : vector<1x1x16xf32> to vector<16xf32>
          %add3A_593 = arith.addf %add3A_561, %get3A_592 : vector<16xf32>
          %get3A_594 = arith.constant 3 : i32
          %get3A_595 = arith.index_cast %get3A_594 : i32 to index
          %get3A_596 = arith.index_cast %add3A_572 : i32 to index
          %get3A_597 = arith.constant 48 : index
          %get3A_598 = tpu.vector_load %arg6[%get3A_595, %get3A_596, %get3A_597] {strides = array<i32>} : memref<4x200x64xf32, #tpu.memory_space<vmem>>, vector<1x1x16xf32>,
          %get3A_599 = vector.shape_cast %get3A_598 : vector<1x1x16xf32> to vector<16xf32>
          %add3A_600 = arith.addf %add3A_568, %get3A_599 : vector<16xf32>
          %mul3A_601 = arith.constant 4 : i32
          %mul3A_602 = arith.muli %scan3A_533, %mul3A_601 : i32
          %add3A_603 = arith.constant 2 : i32
          %add3A_604 = arith.addi %mul3A_602, %add3A_603 : i32
          %get3A_605 = arith.constant 3 : i32
          %get3A_606 = arith.index_cast %get3A_605 : i32 to index
          %get3A_607 = arith.index_cast %add3A_604 : i32 to index
          %get3A_608 = arith.constant 0 : index
          %get3A_609 = tpu.vector_load %arg6[%get3A_606, %get3A_607, %get3A_608] {strides = array<i32>} : memref<4x200x64xf32, #tpu.memory_space<vmem>>, vector<1x1x16xf32>,
          %get3A_610 = vector.shape_cast %get3A_609 : vector<1x1x16xf32> to vector<16xf32>
          %add3A_611 = arith.addf %add3A_579, %get3A_610 : vector<16xf32>
          %get3A_612 = arith.constant 3 : i32
          %get3A_613 = arith.index_cast %get3A_612 : i32 to index
          %get3A_614 = arith.index_cast %add3A_604 : i32 to index
          %get3A_615 = arith.constant 16 : index
          %get3A_616 = tpu.vector_load %arg6[%get3A_613, %get3A_614, %get3A_615] {strides = array<i32>} : memref<4x200x64xf32, #tpu.memory_space<vmem>>, vector<1x1x16xf32>,
          %get3A_617 = vector.shape_cast %get3A_616 : vector<1x1x16xf32> to vector<16xf32>
          %add3A_618 = arith.addf %add3A_586, %get3A_617 : vector<16xf32>
          %get3A_619 = arith.constant 3 : i32
          %get3A_620 = arith.index_cast %get3A_619 : i32 to index
          %get3A_621 = arith.index_cast %add3A_604 : i32 to index
          %get3A_622 = arith.constant 32 : index
          %get3A_623 = tpu.vector_load %arg6[%get3A_620, %get3A_621, %get3A_622] {strides = array<i32>} : memref<4x200x64xf32, #tpu.memory_space<vmem>>, vector<1x1x16xf32>,
          %get3A_624 = vector.shape_cast %get3A_623 : vector<1x1x16xf32> to vector<16xf32>
          %add3A_625 = arith.addf %add3A_593, %get3A_624 : vector<16xf32>
          %get3A_626 = arith.constant 3 : i32
          %get3A_627 = arith.index_cast %get3A_626 : i32 to index
          %get3A_628 = arith.index_cast %add3A_604 : i32 to index
          %get3A_629 = arith.constant 48 : index
          %get3A_630 = tpu.vector_load %arg6[%get3A_627, %get3A_628, %get3A_629] {strides = array<i32>} : memref<4x200x64xf32, #tpu.memory_space<vmem>>, vector<1x1x16xf32>,
          %get3A_631 = vector.shape_cast %get3A_630 : vector<1x1x16xf32> to vector<16xf32>
          %add3A_632 = arith.addf %add3A_600, %get3A_631 : vector<16xf32>
          %mul3A_633 = arith.constant 4 : i32
          %mul3A_634 = arith.muli %scan3A_533, %mul3A_633 : i32
          %add3A_635 = arith.constant 3 : i32
          %add3A_636 = arith.addi %mul3A_634, %add3A_635 : i32
          %get3A_637 = arith.constant 3 : i32
          %get3A_638 = arith.index_cast %get3A_637 : i32 to index
          %get3A_639 = arith.index_cast %add3A_636 : i32 to index
          %get3A_640 = arith.constant 0 : index
          %get3A_641 = tpu.vector_load %arg6[%get3A_638, %get3A_639, %get3A_640] {strides = array<i32>} : memref<4x200x64xf32, #tpu.memory_space<vmem>>, vector<1x1x16xf32>,
          %get3A_642 = vector.shape_cast %get3A_641 : vector<1x1x16xf32> to vector<16xf32>
          %add3A_643 = arith.addf %add3A_611, %get3A_642 : vector<16xf32>
          %get3A_644 = arith.constant 3 : i32
          %get3A_645 = arith.index_cast %get3A_644 : i32 to index
          %get3A_646 = arith.index_cast %add3A_636 : i32 to index
          %get3A_647 = arith.constant 16 : index
          %get3A_648 = tpu.vector_load %arg6[%get3A_645, %get3A_646, %get3A_647] {strides = array<i32>} : memref<4x200x64xf32, #tpu.memory_space<vmem>>, vector<1x1x16xf32>,
          %get3A_649 = vector.shape_cast %get3A_648 : vector<1x1x16xf32> to vector<16xf32>
          %add3A_650 = arith.addf %add3A_618, %get3A_649 : vector<16xf32>
          %get3A_651 = arith.constant 3 : i32
          %get3A_652 = arith.index_cast %get3A_651 : i32 to index
          %get3A_653 = arith.index_cast %add3A_636 : i32 to index
          %get3A_654 = arith.constant 32 : index
          %get3A_655 = tpu.vector_load %arg6[%get3A_652, %get3A_653, %get3A_654] {strides = array<i32>} : memref<4x200x64xf32, #tpu.memory_space<vmem>>, vector<1x1x16xf32>,
          %get3A_656 = vector.shape_cast %get3A_655 : vector<1x1x16xf32> to vector<16xf32>
          %add3A_657 = arith.addf %add3A_625, %get3A_656 : vector<16xf32>
          %get3A_658 = arith.constant 3 : i32
          %get3A_659 = arith.index_cast %get3A_658 : i32 to index
          %get3A_660 = arith.index_cast %add3A_636 : i32 to index
          %get3A_661 = arith.constant 48 : index
          %get3A_662 = tpu.vector_load %arg6[%get3A_659, %get3A_660, %get3A_661] {strides = array<i32>} : memref<4x200x64xf32, #tpu.memory_space<vmem>>, vector<1x1x16xf32>,
          %get3A_663 = vector.shape_cast %get3A_662 : vector<1x1x16xf32> to vector<16xf32>
          %add3A_664 = arith.addf %add3A_632, %get3A_663 : vector<16xf32>
          scf.yield %add3A_643, %add3A_650, %add3A_657, %add3A_664 : vector<16xf32>, vector<16xf32>, vector<16xf32>, vector<16xf32>
        }
        %scan3A_494 = arith.constant 50 : i32
        %shift_right_arithmetic3A_495 = arith.constant 1 : i32
        %shift_right_arithmetic3A_496 = arith.shrsi %add3A_456, %shift_right_arithmetic3A_495 : i32
        %mul3A_497 = vector.broadcast %scan3A : f32 to vector<16xf32>
        %mul3A_498 = arith.mulf %scan3A_493#0, %mul3A_497 : vector<16xf32>
        %swap3A_499 = arith.index_cast %shift_right_arithmetic3A_496 : i32 to index
        %swap3A_500 = arith.constant 64 : index
        %swap3A_501 = tpu.vector_load %arg7[%swap3A_499, %swap3A_500] {strides = array<i32>} : memref<256x128xf32, #tpu.memory_space<vmem>>, vector<1x16xf32>,
        %swap3A_502 = vector.shape_cast %swap3A_501 : vector<1x16xf32> to vector<16xf32>
        %swap3A_503 = vector.shape_cast %mul3A_498 : vector<16xf32> to vector<1x16xf32>
        tpu.vector_store %arg7[%swap3A_499, %swap3A_500], %swap3A_503 {strides = array<i32>} : memref<256x128xf32, #tpu.memory_space<vmem>>, vector<1x16xf32>,
        %mul3A_504 = vector.broadcast %scan3A : f32 to vector<16xf32>
        %mul3A_505 = arith.mulf %scan3A_493#1, %mul3A_504 : vector<16xf32>
        %swap3A_506 = arith.index_cast %shift_right_arithmetic3A_496 : i32 to index
        %swap3A_507 = arith.constant 80 : index
        %swap3A_508 = tpu.vector_load %arg7[%swap3A_506, %swap3A_507] {strides = array<i32>} : memref<256x128xf32, #tpu.memory_space<vmem>>, vector<1x16xf32>,
        %swap3A_509 = vector.shape_cast %swap3A_508 : vector<1x16xf32> to vector<16xf32>
        %swap3A_510 = vector.shape_cast %mul3A_505 : vector<16xf32> to vector<1x16xf32>
        tpu.vector_store %arg7[%swap3A_506, %swap3A_507], %swap3A_510 {strides = array<i32>} : memref<256x128xf32, #tpu.memory_space<vmem>>, vector<1x16xf32>,
        %mul3A_511 = vector.broadcast %scan3A : f32 to vector<16xf32>
        %mul3A_512 = arith.mulf %scan3A_493#2, %mul3A_511 : vector<16xf32>
        %swap3A_513 = arith.index_cast %shift_right_arithmetic3A_496 : i32 to index
        %swap3A_514 = arith.constant 96 : index
        %swap3A_515 = tpu.vector_load %arg7[%swap3A_513, %swap3A_514] {strides = array<i32>} : memref<256x128xf32, #tpu.memory_space<vmem>>, vector<1x16xf32>,
        %swap3A_516 = vector.shape_cast %swap3A_515 : vector<1x16xf32> to vector<16xf32>
        %swap3A_517 = vector.shape_cast %mul3A_512 : vector<16xf32> to vector<1x16xf32>
        tpu.vector_store %arg7[%swap3A_513, %swap3A_514], %swap3A_517 {strides = array<i32>} : memref<256x128xf32, #tpu.memory_space<vmem>>, vector<1x16xf32>,
        %mul3A_518 = vector.broadcast %scan3A : f32 to vector<16xf32>
        %mul3A_519 = arith.mulf %scan3A_493#3, %mul3A_518 : vector<16xf32>
        %swap3A_520 = arith.index_cast %shift_right_arithmetic3A_496 : i32 to index
        %swap3A_521 = arith.constant 112 : index
        %swap3A_522 = tpu.vector_load %arg7[%swap3A_520, %swap3A_521] {strides = array<i32>} : memref<256x128xf32, #tpu.memory_space<vmem>>, vector<1x16xf32>,
        %swap3A_523 = vector.shape_cast %swap3A_522 : vector<1x16xf32> to vector<16xf32>
        %swap3A_524 = vector.shape_cast %mul3A_519 : vector<16xf32> to vector<1x16xf32>
        tpu.vector_store %arg7[%swap3A_520, %swap3A_521], %swap3A_524 {strides = array<i32>} : memref<256x128xf32, #tpu.memory_space<vmem>>, vector<1x16xf32>,
        %add3A_525 = arith.constant 4 : i32
        %add3A_526 = arith.addi %add3A_456, %add3A_525 : i32
        %lt3A_527 = arith.constant 512 : i32
        %lt3A_528 = arith.cmpi slt, %add3A_526, %lt3A_527 : i32
        %convert_element_type3A_529 = arith.extui %lt3A_528 : i1 to i32
        %cond3A_530 = arith.constant 0 : i32
        %cond3A_531 = arith.cmpi ne, %convert_element_type3A_529, %cond3A_530 : i32
        scf.if %cond3A_531 {
          %add3A_533 = arith.constant 4 : i32
          %add3A_534 = arith.addi %add3A_456, %add3A_533 : i32
          %and3A_535 = arith.constant 127 : i32
          %and3A_536 = arith.andi %add3A_534, %and3A_535 : i32
          %mul3A_537 = arith.constant 200 : i32
          %mul3A_538 = arith.muli %and3A_536, %mul3A_537 : i32
          %add3A_539 = arith.constant 128 : i32
          %add3A_540 = arith.addi %mul3A_538, %add3A_539 : i32
          %dma_start3A_541 = arith.constant 3 : i32
          %dma_start3A_542 = arith.constant 3 : i32
          %dma_start3A_543 = arith.constant 0 : i32
          %dma_start3A_544 = arith.constant 0 : i32
          %dma_start3A_545 = tpu.memref_slice %arg6[%dma_start3A_541, %dma_start3A_543, %dma_start3A_544] : memref<4x200x64xf32, #tpu.memory_space<vmem>> -> memref<1x128x64xf32, #tpu.memory_space<vmem>>
          %dma_start3A_546 = tpu.memref_squeeze %dma_start3A_545 : memref<1x128x64xf32, #tpu.memory_space<vmem>> -> memref<128x64xf32, #tpu.memory_space<vmem>>
          %dma_start3A_547 = tpu.memref_slice %arg5[%mul3A_538] : memref<25600xi32, #tpu.memory_space<vmem>> -> memref<128xi32, #tpu.memory_space<vmem>>
          %dma_start3A_548 = arith.constant 0 : i32
          %dma_start3A_549 = arith.constant 0 : i32
          %dma_start3A_550 = tpu.memref_slice %arg3[%dma_start3A_548, %dma_start3A_549] : memref<1000000x64xf32, #tpu.memory_space<hbm>> -> memref<1000000x64xf32, #tpu.memory_space<hbm>>
          %dma_start3A_551 = tpu.memref_slice %arg8[%dma_start3A_542] : memref<4x!tpu.dma_semaphore, #tpu.memory_space<semaphore_mem>> -> memref<1x!tpu.dma_semaphore, #tpu.memory_space<semaphore_mem>>
          %dma_start3A_552 = tpu.memref_squeeze %dma_start3A_551 : memref<1x!tpu.dma_semaphore, #tpu.memory_space<semaphore_mem>> -> memref<!tpu.dma_semaphore, #tpu.memory_space<semaphore_mem>>
          tpu.enqueue_indirect_dma source(%dma_start3A_550 : memref<1000000x64xf32, #tpu.memory_space<hbm>>) target(%dma_start3A_546 : memref<128x64xf32, #tpu.memory_space<vmem>>) offsets(%dma_start3A_547 : memref<128xi32, #tpu.memory_space<vmem>>) semaphore(%dma_start3A_552 : memref<!tpu.dma_semaphore, #tpu.memory_space<semaphore_mem>>)
          %dma_start3A_553 = arith.constant 3 : i32
          %dma_start3A_554 = arith.constant 3 : i32
          %dma_start3A_555 = arith.constant 128 : i32
          %dma_start3A_556 = arith.constant 0 : i32
          %dma_start3A_557 = tpu.memref_slice %arg6[%dma_start3A_553, %dma_start3A_555, %dma_start3A_556] : memref<4x200x64xf32, #tpu.memory_space<vmem>> -> memref<1x72x64xf32, #tpu.memory_space<vmem>>
          %dma_start3A_558 = tpu.memref_squeeze %dma_start3A_557 : memref<1x72x64xf32, #tpu.memory_space<vmem>> -> memref<72x64xf32, #tpu.memory_space<vmem>>
          %dma_start3A_559 = tpu.memref_slice %arg5[%add3A_540] : memref<25600xi32, #tpu.memory_space<vmem>> -> memref<72xi32, #tpu.memory_space<vmem>>
          %dma_start3A_560 = arith.constant 0 : i32
          %dma_start3A_561 = arith.constant 0 : i32
          %dma_start3A_562 = tpu.memref_slice %arg3[%dma_start3A_560, %dma_start3A_561] : memref<1000000x64xf32, #tpu.memory_space<hbm>> -> memref<1000000x64xf32, #tpu.memory_space<hbm>>
          %dma_start3A_563 = tpu.memref_slice %arg8[%dma_start3A_554] : memref<4x!tpu.dma_semaphore, #tpu.memory_space<semaphore_mem>> -> memref<1x!tpu.dma_semaphore, #tpu.memory_space<semaphore_mem>>
          %dma_start3A_564 = tpu.memref_squeeze %dma_start3A_563 : memref<1x!tpu.dma_semaphore, #tpu.memory_space<semaphore_mem>> -> memref<!tpu.dma_semaphore, #tpu.memory_space<semaphore_mem>>
          tpu.enqueue_indirect_dma source(%dma_start3A_562 : memref<1000000x64xf32, #tpu.memory_space<hbm>>) target(%dma_start3A_558 : memref<72x64xf32, #tpu.memory_space<vmem>>) offsets(%dma_start3A_559 : memref<72xi32, #tpu.memory_space<vmem>>) semaphore(%dma_start3A_564 : memref<!tpu.dma_semaphore, #tpu.memory_space<semaphore_mem>>)
        } else {
        }
        %scan3A_532 = arith.constant 0 : i32
        scf.yield %scan3A_532 : i32
      }
      %scan3A_175 = arith.constant 16 : i32
      %mul3A_176 = arith.constant 2 : i32
      %mul3A_177 = arith.muli %scan3A_163, %mul3A_176 : i32
      %add3A_178 = arith.constant 2 : i32
      %add3A_179 = arith.addi %mul3A_177, %add3A_178 : i32
      %lt3A = arith.constant 8 : i32
      %lt3A_180 = arith.cmpi slt, %add3A_179, %lt3A : i32
      %convert_element_type3A_181 = arith.extui %lt3A_180 : i1 to i32
      %cond3A_182 = arith.constant 0 : i32
      %cond3A_183 = arith.cmpi ne, %convert_element_type3A_181, %cond3A_182 : i32
      scf.if %cond3A_183 {
        %mul3A_205 = arith.constant 2 : i32
        %mul3A_206 = arith.muli %scan3A_163, %mul3A_205 : i32
        %add3A_207 = arith.constant 2 : i32
        %add3A_208 = arith.addi %mul3A_206, %add3A_207 : i32
        %mul3A_209 = arith.constant 12800 : i32
        %mul3A_210 = arith.muli %add3A_208, %mul3A_209 : i32
        %add3A_211 = arith.addi %mul3A_4, %mul3A_210 : i32
        %dma_start3A_212 = arith.constant 0 : i32
        %dma_start3A_213 = tpu.memref_slice %arg5[%dma_start3A_212] : memref<25600xi32, #tpu.memory_space<vmem>> -> memref<12800xi32, #tpu.memory_space<vmem>>
        %dma_start3A_214 = tpu.memref_slice %arg2[%add3A_211] : memref<3276800xi32, #tpu.memory_space<hbm>> -> memref<12800xi32, #tpu.memory_space<hbm>>
        %dma_start3A_215 = arith.constant 0 : i32
        %dma_start3A_216 = tpu.memref_slice %arg5[%dma_start3A_215] : memref<25600xi32, #tpu.memory_space<vmem>> -> memref<12800xi32, #tpu.memory_space<vmem>>
        %dma_start3A_217 = tpu.memref_slice %arg2[%add3A_211] : memref<3276800xi32, #tpu.memory_space<hbm>> -> memref<12800xi32, #tpu.memory_space<hbm>>
        tpu.enqueue_dma source(%dma_start3A_217 : memref<12800xi32, #tpu.memory_space<hbm>>) target(%dma_start3A_216 : memref<12800xi32, #tpu.memory_space<vmem>>) target_semaphore(%arg9 : memref<!tpu.dma_semaphore, #tpu.memory_space<semaphore_mem>>)
        %dma_wait3A_218 = arith.constant 0 : i32
        %dma_wait3A_219 = tpu.memref_slice %arg5[%dma_wait3A_218] : memref<25600xi32, #tpu.memory_space<vmem>> -> memref<12800xi32, #tpu.memory_space<vmem>>
        %dma_wait3A_220 = tpu.memref_slice %arg2[%mul3A_4] : memref<3276800xi32, #tpu.memory_space<hbm>> -> memref<12800xi32, #tpu.memory_space<hbm>>
        %dma_wait3A_221 = arith.constant 0 : i32
        %dma_wait3A_222 = tpu.memref_slice %arg5[%dma_wait3A_221] : memref<25600xi32, #tpu.memory_space<vmem>> -> memref<12800xi32, #tpu.memory_space<vmem>>
        %dma_wait3A_223 = tpu.memref_slice %arg2[%mul3A_4] : memref<3276800xi32, #tpu.memory_space<hbm>> -> memref<12800xi32, #tpu.memory_space<hbm>>
        tpu.wait_dma2 semaphore(%arg9 : memref<!tpu.dma_semaphore, #tpu.memory_space<semaphore_mem>>) src(%dma_wait3A_223 : memref<12800xi32, #tpu.memory_space<hbm>>) dst(%dma_wait3A_222 : memref<12800xi32, #tpu.memory_space<vmem>>)
      } else {
      }
      %mul3A_184 = arith.constant 2 : i32
      %mul3A_185 = arith.muli %scan3A_163, %mul3A_184 : i32
      %add3A_186 = arith.constant 1 : i32
      %add3A_187 = arith.addi %mul3A_185, %add3A_186 : i32
      %scan3A_188 = arith.constant 0 : i32
      %scan3A_189 = arith.constant 0 : i32
      %scan3A_190 = arith.constant 16 : i32
      %scan3A_191 = arith.addi %scan3A_189, %scan3A_190 : i32
      %scan3A_192 = arith.constant 1 : i32
      %scan3A_193 = scf.for %scan3A_205 = %scan3A_189 to %scan3A_191 step %scan3A_192 iter_args(%scan3A_206 = %scan3A_188) -> (i32)  : i32 {
        %mul3A_207 = arith.constant 64 : i32
        %mul3A_208 = arith.muli %add3A_187, %mul3A_207 : i32
        %mul3A_209 = arith.constant 4 : i32
        %mul3A_210 = arith.muli %scan3A_205, %mul3A_209 : i32
        %add3A_211 = arith.addi %mul3A_208, %mul3A_210 : i32
        %add3A_212 = arith.constant 0 : i32
        %add3A_213 = arith.addi %add3A_211, %add3A_212 : i32
        %and3A_214 = arith.constant 127 : i32
        %and3A_215 = arith.andi %add3A_213, %and3A_214 : i32
        %mul3A_216 = arith.constant 200 : i32
        %mul3A_217 = arith.muli %and3A_215, %mul3A_216 : i32
        %add3A_218 = arith.constant 128 : i32
        %add3A_219 = arith.addi %mul3A_217, %add3A_218 : i32
        %dma_wait3A_220 = arith.constant 0 : i32
        %dma_wait3A_221 = arith.constant 0 : i32
        %dma_wait3A_222 = arith.constant 0 : i32
        %dma_wait3A_223 = arith.constant 0 : i32
        %dma_wait3A_224 = tpu.memref_slice %arg6[%dma_wait3A_220, %dma_wait3A_222, %dma_wait3A_223] : memref<4x200x64xf32, #tpu.memory_space<vmem>> -> memref<1x128x64xf32, #tpu.memory_space<vmem>>
        %dma_wait3A_225 = tpu.memref_squeeze %dma_wait3A_224 : memref<1x128x64xf32, #tpu.memory_space<vmem>> -> memref<128x64xf32, #tpu.memory_space<vmem>>
        %dma_wait3A_226 = tpu.memref_slice %arg5[%mul3A_217] : memref<25600xi32, #tpu.memory_space<vmem>> -> memref<128xi32, #tpu.memory_space<vmem>>
        %dma_wait3A_227 = arith.constant 0 : i32
        %dma_wait3A_228 = arith.constant 0 : i32
        %dma_wait3A_229 = tpu.memref_slice %arg3[%dma_wait3A_227, %dma_wait3A_228] : memref<1000000x64xf32, #tpu.memory_space<hbm>> -> memref<1000000x64xf32, #tpu.memory_space<hbm>>
        %dma_wait3A_230 = tpu.memref_slice %arg8[%dma_wait3A_221] : memref<4x!tpu.dma_semaphore, #tpu.memory_space<semaphore_mem>> -> memref<1x!tpu.dma_semaphore, #tpu.memory_space<semaphore_mem>>
        %dma_wait3A_231 = tpu.memref_squeeze %dma_wait3A_230 : memref<1x!tpu.dma_semaphore, #tpu.memory_space<semaphore_mem>> -> memref<!tpu.dma_semaphore, #tpu.memory_space<semaphore_mem>>
        tpu.wait_indirect_dma semaphore(%dma_wait3A_231 : memref<!tpu.dma_semaphore, #tpu.memory_space<semaphore_mem>>) src(%dma_wait3A_229 : memref<1000000x64xf32, #tpu.memory_space<hbm>>) dst(%dma_wait3A_225 : memref<128x64xf32, #tpu.memory_space<vmem>>)
        %dma_wait3A_232 = arith.constant 0 : i32
        %dma_wait3A_233 = arith.constant 0 : i32
        %dma_wait3A_234 = arith.constant 128 : i32
        %dma_wait3A_235 = arith.constant 0 : i32
        %dma_wait3A_236 = tpu.memref_slice %arg6[%dma_wait3A_232, %dma_wait3A_234, %dma_wait3A_235] : memref<4x200x64xf32, #tpu.memory_space<vmem>> -> memref<1x72x64xf32, #tpu.memory_space<vmem>>
        %dma_wait3A_237 = tpu.memref_squeeze %dma_wait3A_236 : memref<1x72x64xf32, #tpu.memory_space<vmem>> -> memref<72x64xf32, #tpu.memory_space<vmem>>
        %dma_wait3A_238 = tpu.memref_slice %arg5[%add3A_219] : memref<25600xi32, #tpu.memory_space<vmem>> -> memref<72xi32, #tpu.memory_space<vmem>>
        %dma_wait3A_239 = arith.constant 0 : i32
        %dma_wait3A_240 = arith.constant 0 : i32
        %dma_wait3A_241 = tpu.memref_slice %arg3[%dma_wait3A_239, %dma_wait3A_240] : memref<1000000x64xf32, #tpu.memory_space<hbm>> -> memref<1000000x64xf32, #tpu.memory_space<hbm>>
        %dma_wait3A_242 = tpu.memref_slice %arg8[%dma_wait3A_233] : memref<4x!tpu.dma_semaphore, #tpu.memory_space<semaphore_mem>> -> memref<1x!tpu.dma_semaphore, #tpu.memory_space<semaphore_mem>>
        %dma_wait3A_243 = tpu.memref_squeeze %dma_wait3A_242 : memref<1x!tpu.dma_semaphore, #tpu.memory_space<semaphore_mem>> -> memref<!tpu.dma_semaphore, #tpu.memory_space<semaphore_mem>>
        tpu.wait_indirect_dma semaphore(%dma_wait3A_243 : memref<!tpu.dma_semaphore, #tpu.memory_space<semaphore_mem>>) src(%dma_wait3A_241 : memref<1000000x64xf32, #tpu.memory_space<hbm>>) dst(%dma_wait3A_237 : memref<72x64xf32, #tpu.memory_space<vmem>>)
        %broadcast_in_dim3A = arith.constant 0.000000e+00 : f32
        %broadcast_in_dim3A_244 = vector.broadcast %broadcast_in_dim3A : f32 to vector<16xf32>
        %scan3A_245 = arith.constant 0 : i32
        %scan3A_246 = arith.constant 50 : i32
        %scan3A_247 = arith.addi %scan3A_245, %scan3A_246 : i32
        %scan3A_248 = arith.constant 1 : i32
        %scan3A_249:4 = scf.for %scan3A_533 = %scan3A_245 to %scan3A_247 step %scan3A_248 iter_args(%scan3A_534 = %broadcast_in_dim3A_244, %scan3A_535 = %broadcast_in_dim3A_244, %scan3A_536 = %broadcast_in_dim3A_244, %scan3A_537 = %broadcast_in_dim3A_244) -> (vector<16xf32>, vector<16xf32>, vector<16xf32>, vector<16xf32>)  : i32 {
          %mul3A_538 = arith.constant 4 : i32
          %mul3A_539 = arith.muli %scan3A_533, %mul3A_538 : i32
          %add3A_540 = arith.constant 0 : i32
          %add3A_541 = arith.addi %mul3A_539, %add3A_540 : i32
          %get3A = arith.constant 0 : i32
          %get3A_542 = arith.index_cast %get3A : i32 to index
          %get3A_543 = arith.index_cast %add3A_541 : i32 to index
          %get3A_544 = arith.constant 0 : index
          %get3A_545 = tpu.vector_load %arg6[%get3A_542, %get3A_543, %get3A_544] {strides = array<i32>} : memref<4x200x64xf32, #tpu.memory_space<vmem>>, vector<1x1x16xf32>,
          %get3A_546 = vector.shape_cast %get3A_545 : vector<1x1x16xf32> to vector<16xf32>
          %add3A_547 = arith.addf %scan3A_534, %get3A_546 : vector<16xf32>
          %get3A_548 = arith.constant 0 : i32
          %get3A_549 = arith.index_cast %get3A_548 : i32 to index
          %get3A_550 = arith.index_cast %add3A_541 : i32 to index
          %get3A_551 = arith.constant 16 : index
          %get3A_552 = tpu.vector_load %arg6[%get3A_549, %get3A_550, %get3A_551] {strides = array<i32>} : memref<4x200x64xf32, #tpu.memory_space<vmem>>, vector<1x1x16xf32>,
          %get3A_553 = vector.shape_cast %get3A_552 : vector<1x1x16xf32> to vector<16xf32>
          %add3A_554 = arith.addf %scan3A_535, %get3A_553 : vector<16xf32>
          %get3A_555 = arith.constant 0 : i32
          %get3A_556 = arith.index_cast %get3A_555 : i32 to index
          %get3A_557 = arith.index_cast %add3A_541 : i32 to index
          %get3A_558 = arith.constant 32 : index
          %get3A_559 = tpu.vector_load %arg6[%get3A_556, %get3A_557, %get3A_558] {strides = array<i32>} : memref<4x200x64xf32, #tpu.memory_space<vmem>>, vector<1x1x16xf32>,
          %get3A_560 = vector.shape_cast %get3A_559 : vector<1x1x16xf32> to vector<16xf32>
          %add3A_561 = arith.addf %scan3A_536, %get3A_560 : vector<16xf32>
          %get3A_562 = arith.constant 0 : i32
          %get3A_563 = arith.index_cast %get3A_562 : i32 to index
          %get3A_564 = arith.index_cast %add3A_541 : i32 to index
          %get3A_565 = arith.constant 48 : index
          %get3A_566 = tpu.vector_load %arg6[%get3A_563, %get3A_564, %get3A_565] {strides = array<i32>} : memref<4x200x64xf32, #tpu.memory_space<vmem>>, vector<1x1x16xf32>,
          %get3A_567 = vector.shape_cast %get3A_566 : vector<1x1x16xf32> to vector<16xf32>
          %add3A_568 = arith.addf %scan3A_537, %get3A_567 : vector<16xf32>
          %mul3A_569 = arith.constant 4 : i32
          %mul3A_570 = arith.muli %scan3A_533, %mul3A_569 : i32
          %add3A_571 = arith.constant 1 : i32
          %add3A_572 = arith.addi %mul3A_570, %add3A_571 : i32
          %get3A_573 = arith.constant 0 : i32
          %get3A_574 = arith.index_cast %get3A_573 : i32 to index
          %get3A_575 = arith.index_cast %add3A_572 : i32 to index
          %get3A_576 = arith.constant 0 : index
          %get3A_577 = tpu.vector_load %arg6[%get3A_574, %get3A_575, %get3A_576] {strides = array<i32>} : memref<4x200x64xf32, #tpu.memory_space<vmem>>, vector<1x1x16xf32>,
          %get3A_578 = vector.shape_cast %get3A_577 : vector<1x1x16xf32> to vector<16xf32>
          %add3A_579 = arith.addf %add3A_547, %get3A_578 : vector<16xf32>
          %get3A_580 = arith.constant 0 : i32
          %get3A_581 = arith.index_cast %get3A_580 : i32 to index
          %get3A_582 = arith.index_cast %add3A_572 : i32 to index
          %get3A_583 = arith.constant 16 : index
          %get3A_584 = tpu.vector_load %arg6[%get3A_581, %get3A_582, %get3A_583] {strides = array<i32>} : memref<4x200x64xf32, #tpu.memory_space<vmem>>, vector<1x1x16xf32>,
          %get3A_585 = vector.shape_cast %get3A_584 : vector<1x1x16xf32> to vector<16xf32>
          %add3A_586 = arith.addf %add3A_554, %get3A_585 : vector<16xf32>
          %get3A_587 = arith.constant 0 : i32
          %get3A_588 = arith.index_cast %get3A_587 : i32 to index
          %get3A_589 = arith.index_cast %add3A_572 : i32 to index
          %get3A_590 = arith.constant 32 : index
          %get3A_591 = tpu.vector_load %arg6[%get3A_588, %get3A_589, %get3A_590] {strides = array<i32>} : memref<4x200x64xf32, #tpu.memory_space<vmem>>, vector<1x1x16xf32>,
          %get3A_592 = vector.shape_cast %get3A_591 : vector<1x1x16xf32> to vector<16xf32>
          %add3A_593 = arith.addf %add3A_561, %get3A_592 : vector<16xf32>
          %get3A_594 = arith.constant 0 : i32
          %get3A_595 = arith.index_cast %get3A_594 : i32 to index
          %get3A_596 = arith.index_cast %add3A_572 : i32 to index
          %get3A_597 = arith.constant 48 : index
          %get3A_598 = tpu.vector_load %arg6[%get3A_595, %get3A_596, %get3A_597] {strides = array<i32>} : memref<4x200x64xf32, #tpu.memory_space<vmem>>, vector<1x1x16xf32>,
          %get3A_599 = vector.shape_cast %get3A_598 : vector<1x1x16xf32> to vector<16xf32>
          %add3A_600 = arith.addf %add3A_568, %get3A_599 : vector<16xf32>
          %mul3A_601 = arith.constant 4 : i32
          %mul3A_602 = arith.muli %scan3A_533, %mul3A_601 : i32
          %add3A_603 = arith.constant 2 : i32
          %add3A_604 = arith.addi %mul3A_602, %add3A_603 : i32
          %get3A_605 = arith.constant 0 : i32
          %get3A_606 = arith.index_cast %get3A_605 : i32 to index
          %get3A_607 = arith.index_cast %add3A_604 : i32 to index
          %get3A_608 = arith.constant 0 : index
          %get3A_609 = tpu.vector_load %arg6[%get3A_606, %get3A_607, %get3A_608] {strides = array<i32>} : memref<4x200x64xf32, #tpu.memory_space<vmem>>, vector<1x1x16xf32>,
          %get3A_610 = vector.shape_cast %get3A_609 : vector<1x1x16xf32> to vector<16xf32>
          %add3A_611 = arith.addf %add3A_579, %get3A_610 : vector<16xf32>
          %get3A_612 = arith.constant 0 : i32
          %get3A_613 = arith.index_cast %get3A_612 : i32 to index
          %get3A_614 = arith.index_cast %add3A_604 : i32 to index
          %get3A_615 = arith.constant 16 : index
          %get3A_616 = tpu.vector_load %arg6[%get3A_613, %get3A_614, %get3A_615] {strides = array<i32>} : memref<4x200x64xf32, #tpu.memory_space<vmem>>, vector<1x1x16xf32>,
          %get3A_617 = vector.shape_cast %get3A_616 : vector<1x1x16xf32> to vector<16xf32>
          %add3A_618 = arith.addf %add3A_586, %get3A_617 : vector<16xf32>
          %get3A_619 = arith.constant 0 : i32
          %get3A_620 = arith.index_cast %get3A_619 : i32 to index
          %get3A_621 = arith.index_cast %add3A_604 : i32 to index
          %get3A_622 = arith.constant 32 : index
          %get3A_623 = tpu.vector_load %arg6[%get3A_620, %get3A_621, %get3A_622] {strides = array<i32>} : memref<4x200x64xf32, #tpu.memory_space<vmem>>, vector<1x1x16xf32>,
          %get3A_624 = vector.shape_cast %get3A_623 : vector<1x1x16xf32> to vector<16xf32>
          %add3A_625 = arith.addf %add3A_593, %get3A_624 : vector<16xf32>
          %get3A_626 = arith.constant 0 : i32
          %get3A_627 = arith.index_cast %get3A_626 : i32 to index
          %get3A_628 = arith.index_cast %add3A_604 : i32 to index
          %get3A_629 = arith.constant 48 : index
          %get3A_630 = tpu.vector_load %arg6[%get3A_627, %get3A_628, %get3A_629] {strides = array<i32>} : memref<4x200x64xf32, #tpu.memory_space<vmem>>, vector<1x1x16xf32>,
          %get3A_631 = vector.shape_cast %get3A_630 : vector<1x1x16xf32> to vector<16xf32>
          %add3A_632 = arith.addf %add3A_600, %get3A_631 : vector<16xf32>
          %mul3A_633 = arith.constant 4 : i32
          %mul3A_634 = arith.muli %scan3A_533, %mul3A_633 : i32
          %add3A_635 = arith.constant 3 : i32
          %add3A_636 = arith.addi %mul3A_634, %add3A_635 : i32
          %get3A_637 = arith.constant 0 : i32
          %get3A_638 = arith.index_cast %get3A_637 : i32 to index
          %get3A_639 = arith.index_cast %add3A_636 : i32 to index
          %get3A_640 = arith.constant 0 : index
          %get3A_641 = tpu.vector_load %arg6[%get3A_638, %get3A_639, %get3A_640] {strides = array<i32>} : memref<4x200x64xf32, #tpu.memory_space<vmem>>, vector<1x1x16xf32>,
          %get3A_642 = vector.shape_cast %get3A_641 : vector<1x1x16xf32> to vector<16xf32>
          %add3A_643 = arith.addf %add3A_611, %get3A_642 : vector<16xf32>
          %get3A_644 = arith.constant 0 : i32
          %get3A_645 = arith.index_cast %get3A_644 : i32 to index
          %get3A_646 = arith.index_cast %add3A_636 : i32 to index
          %get3A_647 = arith.constant 16 : index
          %get3A_648 = tpu.vector_load %arg6[%get3A_645, %get3A_646, %get3A_647] {strides = array<i32>} : memref<4x200x64xf32, #tpu.memory_space<vmem>>, vector<1x1x16xf32>,
          %get3A_649 = vector.shape_cast %get3A_648 : vector<1x1x16xf32> to vector<16xf32>
          %add3A_650 = arith.addf %add3A_618, %get3A_649 : vector<16xf32>
          %get3A_651 = arith.constant 0 : i32
          %get3A_652 = arith.index_cast %get3A_651 : i32 to index
          %get3A_653 = arith.index_cast %add3A_636 : i32 to index
          %get3A_654 = arith.constant 32 : index
          %get3A_655 = tpu.vector_load %arg6[%get3A_652, %get3A_653, %get3A_654] {strides = array<i32>} : memref<4x200x64xf32, #tpu.memory_space<vmem>>, vector<1x1x16xf32>,
          %get3A_656 = vector.shape_cast %get3A_655 : vector<1x1x16xf32> to vector<16xf32>
          %add3A_657 = arith.addf %add3A_625, %get3A_656 : vector<16xf32>
          %get3A_658 = arith.constant 0 : i32
          %get3A_659 = arith.index_cast %get3A_658 : i32 to index
          %get3A_660 = arith.index_cast %add3A_636 : i32 to index
          %get3A_661 = arith.constant 48 : index
          %get3A_662 = tpu.vector_load %arg6[%get3A_659, %get3A_660, %get3A_661] {strides = array<i32>} : memref<4x200x64xf32, #tpu.memory_space<vmem>>, vector<1x1x16xf32>,
          %get3A_663 = vector.shape_cast %get3A_662 : vector<1x1x16xf32> to vector<16xf32>
          %add3A_664 = arith.addf %add3A_632, %get3A_663 : vector<16xf32>
          scf.yield %add3A_643, %add3A_650, %add3A_657, %add3A_664 : vector<16xf32>, vector<16xf32>, vector<16xf32>, vector<16xf32>
        }
        %scan3A_250 = arith.constant 50 : i32
        %shift_right_arithmetic3A = arith.constant 1 : i32
        %shift_right_arithmetic3A_251 = arith.shrsi %add3A_213, %shift_right_arithmetic3A : i32
        %mul3A_252 = vector.broadcast %scan3A : f32 to vector<16xf32>
        %mul3A_253 = arith.mulf %scan3A_249#0, %mul3A_252 : vector<16xf32>
        %swap3A = arith.index_cast %shift_right_arithmetic3A_251 : i32 to index
        %swap3A_254 = arith.constant 0 : index
        %swap3A_255 = tpu.vector_load %arg7[%swap3A, %swap3A_254] {strides = array<i32>} : memref<256x128xf32, #tpu.memory_space<vmem>>, vector<1x16xf32>,
        %swap3A_256 = vector.shape_cast %swap3A_255 : vector<1x16xf32> to vector<16xf32>
        %swap3A_257 = vector.shape_cast %mul3A_253 : vector<16xf32> to vector<1x16xf32>
        tpu.vector_store %arg7[%swap3A, %swap3A_254], %swap3A_257 {strides = array<i32>} : memref<256x128xf32, #tpu.memory_space<vmem>>, vector<1x16xf32>,
        %mul3A_258 = vector.broadcast %scan3A : f32 to vector<16xf32>
        %mul3A_259 = arith.mulf %scan3A_249#1, %mul3A_258 : vector<16xf32>
        %swap3A_260 = arith.index_cast %shift_right_arithmetic3A_251 : i32 to index
        %swap3A_261 = arith.constant 16 : index
        %swap3A_262 = tpu.vector_load %arg7[%swap3A_260, %swap3A_261] {strides = array<i32>} : memref<256x128xf32, #tpu.memory_space<vmem>>, vector<1x16xf32>,
        %swap3A_263 = vector.shape_cast %swap3A_262 : vector<1x16xf32> to vector<16xf32>
        %swap3A_264 = vector.shape_cast %mul3A_259 : vector<16xf32> to vector<1x16xf32>
        tpu.vector_store %arg7[%swap3A_260, %swap3A_261], %swap3A_264 {strides = array<i32>} : memref<256x128xf32, #tpu.memory_space<vmem>>, vector<1x16xf32>,
        %mul3A_265 = vector.broadcast %scan3A : f32 to vector<16xf32>
        %mul3A_266 = arith.mulf %scan3A_249#2, %mul3A_265 : vector<16xf32>
        %swap3A_267 = arith.index_cast %shift_right_arithmetic3A_251 : i32 to index
        %swap3A_268 = arith.constant 32 : index
        %swap3A_269 = tpu.vector_load %arg7[%swap3A_267, %swap3A_268] {strides = array<i32>} : memref<256x128xf32, #tpu.memory_space<vmem>>, vector<1x16xf32>,
        %swap3A_270 = vector.shape_cast %swap3A_269 : vector<1x16xf32> to vector<16xf32>
        %swap3A_271 = vector.shape_cast %mul3A_266 : vector<16xf32> to vector<1x16xf32>
        tpu.vector_store %arg7[%swap3A_267, %swap3A_268], %swap3A_271 {strides = array<i32>} : memref<256x128xf32, #tpu.memory_space<vmem>>, vector<1x16xf32>,
        %mul3A_272 = vector.broadcast %scan3A : f32 to vector<16xf32>
        %mul3A_273 = arith.mulf %scan3A_249#3, %mul3A_272 : vector<16xf32>
        %swap3A_274 = arith.index_cast %shift_right_arithmetic3A_251 : i32 to index
        %swap3A_275 = arith.constant 48 : index
        %swap3A_276 = tpu.vector_load %arg7[%swap3A_274, %swap3A_275] {strides = array<i32>} : memref<256x128xf32, #tpu.memory_space<vmem>>, vector<1x16xf32>,
        %swap3A_277 = vector.shape_cast %swap3A_276 : vector<1x16xf32> to vector<16xf32>
        %swap3A_278 = vector.shape_cast %mul3A_273 : vector<16xf32> to vector<1x16xf32>
        tpu.vector_store %arg7[%swap3A_274, %swap3A_275], %swap3A_278 {strides = array<i32>} : memref<256x128xf32, #tpu.memory_space<vmem>>, vector<1x16xf32>,
        %add3A_279 = arith.constant 4 : i32
        %add3A_280 = arith.addi %add3A_213, %add3A_279 : i32
        %lt3A_281 = arith.constant 512 : i32
        %lt3A_282 = arith.cmpi slt, %add3A_280, %lt3A_281 : i32
        %convert_element_type3A_283 = arith.extui %lt3A_282 : i1 to i32
        %cond3A_284 = arith.constant 0 : i32
        %cond3A_285 = arith.cmpi ne, %convert_element_type3A_283, %cond3A_284 : i32
        scf.if %cond3A_285 {
          %add3A_533 = arith.constant 4 : i32
          %add3A_534 = arith.addi %add3A_213, %add3A_533 : i32
          %and3A_535 = arith.constant 127 : i32
          %and3A_536 = arith.andi %add3A_534, %and3A_535 : i32
          %mul3A_537 = arith.constant 200 : i32
          %mul3A_538 = arith.muli %and3A_536, %mul3A_537 : i32
          %add3A_539 = arith.constant 128 : i32
          %add3A_540 = arith.addi %mul3A_538, %add3A_539 : i32
          %dma_start3A_541 = arith.constant 0 : i32
          %dma_start3A_542 = arith.constant 0 : i32
          %dma_start3A_543 = arith.constant 0 : i32
          %dma_start3A_544 = arith.constant 0 : i32
          %dma_start3A_545 = tpu.memref_slice %arg6[%dma_start3A_541, %dma_start3A_543, %dma_start3A_544] : memref<4x200x64xf32, #tpu.memory_space<vmem>> -> memref<1x128x64xf32, #tpu.memory_space<vmem>>
          %dma_start3A_546 = tpu.memref_squeeze %dma_start3A_545 : memref<1x128x64xf32, #tpu.memory_space<vmem>> -> memref<128x64xf32, #tpu.memory_space<vmem>>
          %dma_start3A_547 = tpu.memref_slice %arg5[%mul3A_538] : memref<25600xi32, #tpu.memory_space<vmem>> -> memref<128xi32, #tpu.memory_space<vmem>>
          %dma_start3A_548 = arith.constant 0 : i32
          %dma_start3A_549 = arith.constant 0 : i32
          %dma_start3A_550 = tpu.memref_slice %arg3[%dma_start3A_548, %dma_start3A_549] : memref<1000000x64xf32, #tpu.memory_space<hbm>> -> memref<1000000x64xf32, #tpu.memory_space<hbm>>
          %dma_start3A_551 = tpu.memref_slice %arg8[%dma_start3A_542] : memref<4x!tpu.dma_semaphore, #tpu.memory_space<semaphore_mem>> -> memref<1x!tpu.dma_semaphore, #tpu.memory_space<semaphore_mem>>
          %dma_start3A_552 = tpu.memref_squeeze %dma_start3A_551 : memref<1x!tpu.dma_semaphore, #tpu.memory_space<semaphore_mem>> -> memref<!tpu.dma_semaphore, #tpu.memory_space<semaphore_mem>>
          tpu.enqueue_indirect_dma source(%dma_start3A_550 : memref<1000000x64xf32, #tpu.memory_space<hbm>>) target(%dma_start3A_546 : memref<128x64xf32, #tpu.memory_space<vmem>>) offsets(%dma_start3A_547 : memref<128xi32, #tpu.memory_space<vmem>>) semaphore(%dma_start3A_552 : memref<!tpu.dma_semaphore, #tpu.memory_space<semaphore_mem>>)
          %dma_start3A_553 = arith.constant 0 : i32
          %dma_start3A_554 = arith.constant 0 : i32
          %dma_start3A_555 = arith.constant 128 : i32
          %dma_start3A_556 = arith.constant 0 : i32
          %dma_start3A_557 = tpu.memref_slice %arg6[%dma_start3A_553, %dma_start3A_555, %dma_start3A_556] : memref<4x200x64xf32, #tpu.memory_space<vmem>> -> memref<1x72x64xf32, #tpu.memory_space<vmem>>
          %dma_start3A_558 = tpu.memref_squeeze %dma_start3A_557 : memref<1x72x64xf32, #tpu.memory_space<vmem>> -> memref<72x64xf32, #tpu.memory_space<vmem>>
          %dma_start3A_559 = tpu.memref_slice %arg5[%add3A_540] : memref<25600xi32, #tpu.memory_space<vmem>> -> memref<72xi32, #tpu.memory_space<vmem>>
          %dma_start3A_560 = arith.constant 0 : i32
          %dma_start3A_561 = arith.constant 0 : i32
          %dma_start3A_562 = tpu.memref_slice %arg3[%dma_start3A_560, %dma_start3A_561] : memref<1000000x64xf32, #tpu.memory_space<hbm>> -> memref<1000000x64xf32, #tpu.memory_space<hbm>>
          %dma_start3A_563 = tpu.memref_slice %arg8[%dma_start3A_554] : memref<4x!tpu.dma_semaphore, #tpu.memory_space<semaphore_mem>> -> memref<1x!tpu.dma_semaphore, #tpu.memory_space<semaphore_mem>>
          %dma_start3A_564 = tpu.memref_squeeze %dma_start3A_563 : memref<1x!tpu.dma_semaphore, #tpu.memory_space<semaphore_mem>> -> memref<!tpu.dma_semaphore, #tpu.memory_space<semaphore_mem>>
          tpu.enqueue_indirect_dma source(%dma_start3A_562 : memref<1000000x64xf32, #tpu.memory_space<hbm>>) target(%dma_start3A_558 : memref<72x64xf32, #tpu.memory_space<vmem>>) offsets(%dma_start3A_559 : memref<72xi32, #tpu.memory_space<vmem>>) semaphore(%dma_start3A_564 : memref<!tpu.dma_semaphore, #tpu.memory_space<semaphore_mem>>)
        } else {
        }
        %mul3A_286 = arith.constant 64 : i32
        %mul3A_287 = arith.muli %add3A_187, %mul3A_286 : i32
        %mul3A_288 = arith.constant 4 : i32
        %mul3A_289 = arith.muli %scan3A_205, %mul3A_288 : i32
        %add3A_290 = arith.addi %mul3A_287, %mul3A_289 : i32
        %add3A_291 = arith.constant 1 : i32
        %add3A_292 = arith.addi %add3A_290, %add3A_291 : i32
        %and3A_293 = arith.constant 127 : i32
        %and3A_294 = arith.andi %add3A_292, %and3A_293 : i32
        %mul3A_295 = arith.constant 200 : i32
        %mul3A_296 = arith.muli %and3A_294, %mul3A_295 : i32
        %add3A_297 = arith.constant 128 : i32
        %add3A_298 = arith.addi %mul3A_296, %add3A_297 : i32
        %dma_wait3A_299 = arith.constant 1 : i32
        %dma_wait3A_300 = arith.constant 1 : i32
        %dma_wait3A_301 = arith.constant 0 : i32
        %dma_wait3A_302 = arith.constant 0 : i32
        %dma_wait3A_303 = tpu.memref_slice %arg6[%dma_wait3A_299, %dma_wait3A_301, %dma_wait3A_302] : memref<4x200x64xf32, #tpu.memory_space<vmem>> -> memref<1x128x64xf32, #tpu.memory_space<vmem>>
        %dma_wait3A_304 = tpu.memref_squeeze %dma_wait3A_303 : memref<1x128x64xf32, #tpu.memory_space<vmem>> -> memref<128x64xf32, #tpu.memory_space<vmem>>
        %dma_wait3A_305 = tpu.memref_slice %arg5[%mul3A_296] : memref<25600xi32, #tpu.memory_space<vmem>> -> memref<128xi32, #tpu.memory_space<vmem>>
        %dma_wait3A_306 = arith.constant 0 : i32
        %dma_wait3A_307 = arith.constant 0 : i32
        %dma_wait3A_308 = tpu.memref_slice %arg3[%dma_wait3A_306, %dma_wait3A_307] : memref<1000000x64xf32, #tpu.memory_space<hbm>> -> memref<1000000x64xf32, #tpu.memory_space<hbm>>
        %dma_wait3A_309 = tpu.memref_slice %arg8[%dma_wait3A_300] : memref<4x!tpu.dma_semaphore, #tpu.memory_space<semaphore_mem>> -> memref<1x!tpu.dma_semaphore, #tpu.memory_space<semaphore_mem>>
        %dma_wait3A_310 = tpu.memref_squeeze %dma_wait3A_309 : memref<1x!tpu.dma_semaphore, #tpu.memory_space<semaphore_mem>> -> memref<!tpu.dma_semaphore, #tpu.memory_space<semaphore_mem>>
        tpu.wait_indirect_dma semaphore(%dma_wait3A_310 : memref<!tpu.dma_semaphore, #tpu.memory_space<semaphore_mem>>) src(%dma_wait3A_308 : memref<1000000x64xf32, #tpu.memory_space<hbm>>) dst(%dma_wait3A_304 : memref<128x64xf32, #tpu.memory_space<vmem>>)
        %dma_wait3A_311 = arith.constant 1 : i32
        %dma_wait3A_312 = arith.constant 1 : i32
        %dma_wait3A_313 = arith.constant 128 : i32
        %dma_wait3A_314 = arith.constant 0 : i32
        %dma_wait3A_315 = tpu.memref_slice %arg6[%dma_wait3A_311, %dma_wait3A_313, %dma_wait3A_314] : memref<4x200x64xf32, #tpu.memory_space<vmem>> -> memref<1x72x64xf32, #tpu.memory_space<vmem>>
        %dma_wait3A_316 = tpu.memref_squeeze %dma_wait3A_315 : memref<1x72x64xf32, #tpu.memory_space<vmem>> -> memref<72x64xf32, #tpu.memory_space<vmem>>
        %dma_wait3A_317 = tpu.memref_slice %arg5[%add3A_298] : memref<25600xi32, #tpu.memory_space<vmem>> -> memref<72xi32, #tpu.memory_space<vmem>>
        %dma_wait3A_318 = arith.constant 0 : i32
        %dma_wait3A_319 = arith.constant 0 : i32
        %dma_wait3A_320 = tpu.memref_slice %arg3[%dma_wait3A_318, %dma_wait3A_319] : memref<1000000x64xf32, #tpu.memory_space<hbm>> -> memref<1000000x64xf32, #tpu.memory_space<hbm>>
        %dma_wait3A_321 = tpu.memref_slice %arg8[%dma_wait3A_312] : memref<4x!tpu.dma_semaphore, #tpu.memory_space<semaphore_mem>> -> memref<1x!tpu.dma_semaphore, #tpu.memory_space<semaphore_mem>>
        %dma_wait3A_322 = tpu.memref_squeeze %dma_wait3A_321 : memref<1x!tpu.dma_semaphore, #tpu.memory_space<semaphore_mem>> -> memref<!tpu.dma_semaphore, #tpu.memory_space<semaphore_mem>>
        tpu.wait_indirect_dma semaphore(%dma_wait3A_322 : memref<!tpu.dma_semaphore, #tpu.memory_space<semaphore_mem>>) src(%dma_wait3A_320 : memref<1000000x64xf32, #tpu.memory_space<hbm>>) dst(%dma_wait3A_316 : memref<72x64xf32, #tpu.memory_space<vmem>>)
        %broadcast_in_dim3A_323 = arith.constant 0.000000e+00 : f32
        %broadcast_in_dim3A_324 = vector.broadcast %broadcast_in_dim3A_323 : f32 to vector<16xf32>
        %scan3A_325 = arith.constant 0 : i32
        %scan3A_326 = arith.constant 50 : i32
        %scan3A_327 = arith.addi %scan3A_325, %scan3A_326 : i32
        %scan3A_328 = arith.constant 1 : i32
        %scan3A_329:4 = scf.for %scan3A_533 = %scan3A_325 to %scan3A_327 step %scan3A_328 iter_args(%scan3A_534 = %broadcast_in_dim3A_324, %scan3A_535 = %broadcast_in_dim3A_324, %scan3A_536 = %broadcast_in_dim3A_324, %scan3A_537 = %broadcast_in_dim3A_324) -> (vector<16xf32>, vector<16xf32>, vector<16xf32>, vector<16xf32>)  : i32 {
          %mul3A_538 = arith.constant 4 : i32
          %mul3A_539 = arith.muli %scan3A_533, %mul3A_538 : i32
          %add3A_540 = arith.constant 0 : i32
          %add3A_541 = arith.addi %mul3A_539, %add3A_540 : i32
          %get3A = arith.constant 1 : i32
          %get3A_542 = arith.index_cast %get3A : i32 to index
          %get3A_543 = arith.index_cast %add3A_541 : i32 to index
          %get3A_544 = arith.constant 0 : index
          %get3A_545 = tpu.vector_load %arg6[%get3A_542, %get3A_543, %get3A_544] {strides = array<i32>} : memref<4x200x64xf32, #tpu.memory_space<vmem>>, vector<1x1x16xf32>,
          %get3A_546 = vector.shape_cast %get3A_545 : vector<1x1x16xf32> to vector<16xf32>
          %add3A_547 = arith.addf %scan3A_534, %get3A_546 : vector<16xf32>
          %get3A_548 = arith.constant 1 : i32
          %get3A_549 = arith.index_cast %get3A_548 : i32 to index
          %get3A_550 = arith.index_cast %add3A_541 : i32 to index
          %get3A_551 = arith.constant 16 : index
          %get3A_552 = tpu.vector_load %arg6[%get3A_549, %get3A_550, %get3A_551] {strides = array<i32>} : memref<4x200x64xf32, #tpu.memory_space<vmem>>, vector<1x1x16xf32>,
          %get3A_553 = vector.shape_cast %get3A_552 : vector<1x1x16xf32> to vector<16xf32>
          %add3A_554 = arith.addf %scan3A_535, %get3A_553 : vector<16xf32>
          %get3A_555 = arith.constant 1 : i32
          %get3A_556 = arith.index_cast %get3A_555 : i32 to index
          %get3A_557 = arith.index_cast %add3A_541 : i32 to index
          %get3A_558 = arith.constant 32 : index
          %get3A_559 = tpu.vector_load %arg6[%get3A_556, %get3A_557, %get3A_558] {strides = array<i32>} : memref<4x200x64xf32, #tpu.memory_space<vmem>>, vector<1x1x16xf32>,
          %get3A_560 = vector.shape_cast %get3A_559 : vector<1x1x16xf32> to vector<16xf32>
          %add3A_561 = arith.addf %scan3A_536, %get3A_560 : vector<16xf32>
          %get3A_562 = arith.constant 1 : i32
          %get3A_563 = arith.index_cast %get3A_562 : i32 to index
          %get3A_564 = arith.index_cast %add3A_541 : i32 to index
          %get3A_565 = arith.constant 48 : index
          %get3A_566 = tpu.vector_load %arg6[%get3A_563, %get3A_564, %get3A_565] {strides = array<i32>} : memref<4x200x64xf32, #tpu.memory_space<vmem>>, vector<1x1x16xf32>,
          %get3A_567 = vector.shape_cast %get3A_566 : vector<1x1x16xf32> to vector<16xf32>
          %add3A_568 = arith.addf %scan3A_537, %get3A_567 : vector<16xf32>
          %mul3A_569 = arith.constant 4 : i32
          %mul3A_570 = arith.muli %scan3A_533, %mul3A_569 : i32
          %add3A_571 = arith.constant 1 : i32
          %add3A_572 = arith.addi %mul3A_570, %add3A_571 : i32
          %get3A_573 = arith.constant 1 : i32
          %get3A_574 = arith.index_cast %get3A_573 : i32 to index
          %get3A_575 = arith.index_cast %add3A_572 : i32 to index
          %get3A_576 = arith.constant 0 : index
          %get3A_577 = tpu.vector_load %arg6[%get3A_574, %get3A_575, %get3A_576] {strides = array<i32>} : memref<4x200x64xf32, #tpu.memory_space<vmem>>, vector<1x1x16xf32>,
          %get3A_578 = vector.shape_cast %get3A_577 : vector<1x1x16xf32> to vector<16xf32>
          %add3A_579 = arith.addf %add3A_547, %get3A_578 : vector<16xf32>
          %get3A_580 = arith.constant 1 : i32
          %get3A_581 = arith.index_cast %get3A_580 : i32 to index
          %get3A_582 = arith.index_cast %add3A_572 : i32 to index
          %get3A_583 = arith.constant 16 : index
          %get3A_584 = tpu.vector_load %arg6[%get3A_581, %get3A_582, %get3A_583] {strides = array<i32>} : memref<4x200x64xf32, #tpu.memory_space<vmem>>, vector<1x1x16xf32>,
          %get3A_585 = vector.shape_cast %get3A_584 : vector<1x1x16xf32> to vector<16xf32>
          %add3A_586 = arith.addf %add3A_554, %get3A_585 : vector<16xf32>
          %get3A_587 = arith.constant 1 : i32
          %get3A_588 = arith.index_cast %get3A_587 : i32 to index
          %get3A_589 = arith.index_cast %add3A_572 : i32 to index
          %get3A_590 = arith.constant 32 : index
          %get3A_591 = tpu.vector_load %arg6[%get3A_588, %get3A_589, %get3A_590] {strides = array<i32>} : memref<4x200x64xf32, #tpu.memory_space<vmem>>, vector<1x1x16xf32>,
          %get3A_592 = vector.shape_cast %get3A_591 : vector<1x1x16xf32> to vector<16xf32>
          %add3A_593 = arith.addf %add3A_561, %get3A_592 : vector<16xf32>
          %get3A_594 = arith.constant 1 : i32
          %get3A_595 = arith.index_cast %get3A_594 : i32 to index
          %get3A_596 = arith.index_cast %add3A_572 : i32 to index
          %get3A_597 = arith.constant 48 : index
          %get3A_598 = tpu.vector_load %arg6[%get3A_595, %get3A_596, %get3A_597] {strides = array<i32>} : memref<4x200x64xf32, #tpu.memory_space<vmem>>, vector<1x1x16xf32>,
          %get3A_599 = vector.shape_cast %get3A_598 : vector<1x1x16xf32> to vector<16xf32>
          %add3A_600 = arith.addf %add3A_568, %get3A_599 : vector<16xf32>
          %mul3A_601 = arith.constant 4 : i32
          %mul3A_602 = arith.muli %scan3A_533, %mul3A_601 : i32
          %add3A_603 = arith.constant 2 : i32
          %add3A_604 = arith.addi %mul3A_602, %add3A_603 : i32
          %get3A_605 = arith.constant 1 : i32
          %get3A_606 = arith.index_cast %get3A_605 : i32 to index
          %get3A_607 = arith.index_cast %add3A_604 : i32 to index
          %get3A_608 = arith.constant 0 : index
          %get3A_609 = tpu.vector_load %arg6[%get3A_606, %get3A_607, %get3A_608] {strides = array<i32>} : memref<4x200x64xf32, #tpu.memory_space<vmem>>, vector<1x1x16xf32>,
          %get3A_610 = vector.shape_cast %get3A_609 : vector<1x1x16xf32> to vector<16xf32>
          %add3A_611 = arith.addf %add3A_579, %get3A_610 : vector<16xf32>
          %get3A_612 = arith.constant 1 : i32
          %get3A_613 = arith.index_cast %get3A_612 : i32 to index
          %get3A_614 = arith.index_cast %add3A_604 : i32 to index
          %get3A_615 = arith.constant 16 : index
          %get3A_616 = tpu.vector_load %arg6[%get3A_613, %get3A_614, %get3A_615] {strides = array<i32>} : memref<4x200x64xf32, #tpu.memory_space<vmem>>, vector<1x1x16xf32>,
          %get3A_617 = vector.shape_cast %get3A_616 : vector<1x1x16xf32> to vector<16xf32>
          %add3A_618 = arith.addf %add3A_586, %get3A_617 : vector<16xf32>
          %get3A_619 = arith.constant 1 : i32
          %get3A_620 = arith.index_cast %get3A_619 : i32 to index
          %get3A_621 = arith.index_cast %add3A_604 : i32 to index
          %get3A_622 = arith.constant 32 : index
          %get3A_623 = tpu.vector_load %arg6[%get3A_620, %get3A_621, %get3A_622] {strides = array<i32>} : memref<4x200x64xf32, #tpu.memory_space<vmem>>, vector<1x1x16xf32>,
          %get3A_624 = vector.shape_cast %get3A_623 : vector<1x1x16xf32> to vector<16xf32>
          %add3A_625 = arith.addf %add3A_593, %get3A_624 : vector<16xf32>
          %get3A_626 = arith.constant 1 : i32
          %get3A_627 = arith.index_cast %get3A_626 : i32 to index
          %get3A_628 = arith.index_cast %add3A_604 : i32 to index
          %get3A_629 = arith.constant 48 : index
          %get3A_630 = tpu.vector_load %arg6[%get3A_627, %get3A_628, %get3A_629] {strides = array<i32>} : memref<4x200x64xf32, #tpu.memory_space<vmem>>, vector<1x1x16xf32>,
          %get3A_631 = vector.shape_cast %get3A_630 : vector<1x1x16xf32> to vector<16xf32>
          %add3A_632 = arith.addf %add3A_600, %get3A_631 : vector<16xf32>
          %mul3A_633 = arith.constant 4 : i32
          %mul3A_634 = arith.muli %scan3A_533, %mul3A_633 : i32
          %add3A_635 = arith.constant 3 : i32
          %add3A_636 = arith.addi %mul3A_634, %add3A_635 : i32
          %get3A_637 = arith.constant 1 : i32
          %get3A_638 = arith.index_cast %get3A_637 : i32 to index
          %get3A_639 = arith.index_cast %add3A_636 : i32 to index
          %get3A_640 = arith.constant 0 : index
          %get3A_641 = tpu.vector_load %arg6[%get3A_638, %get3A_639, %get3A_640] {strides = array<i32>} : memref<4x200x64xf32, #tpu.memory_space<vmem>>, vector<1x1x16xf32>,
          %get3A_642 = vector.shape_cast %get3A_641 : vector<1x1x16xf32> to vector<16xf32>
          %add3A_643 = arith.addf %add3A_611, %get3A_642 : vector<16xf32>
          %get3A_644 = arith.constant 1 : i32
          %get3A_645 = arith.index_cast %get3A_644 : i32 to index
          %get3A_646 = arith.index_cast %add3A_636 : i32 to index
          %get3A_647 = arith.constant 16 : index
          %get3A_648 = tpu.vector_load %arg6[%get3A_645, %get3A_646, %get3A_647] {strides = array<i32>} : memref<4x200x64xf32, #tpu.memory_space<vmem>>, vector<1x1x16xf32>,
          %get3A_649 = vector.shape_cast %get3A_648 : vector<1x1x16xf32> to vector<16xf32>
          %add3A_650 = arith.addf %add3A_618, %get3A_649 : vector<16xf32>
          %get3A_651 = arith.constant 1 : i32
          %get3A_652 = arith.index_cast %get3A_651 : i32 to index
          %get3A_653 = arith.index_cast %add3A_636 : i32 to index
          %get3A_654 = arith.constant 32 : index
          %get3A_655 = tpu.vector_load %arg6[%get3A_652, %get3A_653, %get3A_654] {strides = array<i32>} : memref<4x200x64xf32, #tpu.memory_space<vmem>>, vector<1x1x16xf32>,
          %get3A_656 = vector.shape_cast %get3A_655 : vector<1x1x16xf32> to vector<16xf32>
          %add3A_657 = arith.addf %add3A_625, %get3A_656 : vector<16xf32>
          %get3A_658 = arith.constant 1 : i32
          %get3A_659 = arith.index_cast %get3A_658 : i32 to index
          %get3A_660 = arith.index_cast %add3A_636 : i32 to index
          %get3A_661 = arith.constant 48 : index
          %get3A_662 = tpu.vector_load %arg6[%get3A_659, %get3A_660, %get3A_661] {strides = array<i32>} : memref<4x200x64xf32, #tpu.memory_space<vmem>>, vector<1x1x16xf32>,
          %get3A_663 = vector.shape_cast %get3A_662 : vector<1x1x16xf32> to vector<16xf32>
          %add3A_664 = arith.addf %add3A_632, %get3A_663 : vector<16xf32>
          scf.yield %add3A_643, %add3A_650, %add3A_657, %add3A_664 : vector<16xf32>, vector<16xf32>, vector<16xf32>, vector<16xf32>
        }
        %scan3A_330 = arith.constant 50 : i32
        %shift_right_arithmetic3A_331 = arith.constant 1 : i32
        %shift_right_arithmetic3A_332 = arith.shrsi %add3A_292, %shift_right_arithmetic3A_331 : i32
        %mul3A_333 = vector.broadcast %scan3A : f32 to vector<16xf32>
        %mul3A_334 = arith.mulf %scan3A_329#0, %mul3A_333 : vector<16xf32>
        %swap3A_335 = arith.index_cast %shift_right_arithmetic3A_332 : i32 to index
        %swap3A_336 = arith.constant 64 : index
        %swap3A_337 = tpu.vector_load %arg7[%swap3A_335, %swap3A_336] {strides = array<i32>} : memref<256x128xf32, #tpu.memory_space<vmem>>, vector<1x16xf32>,
        %swap3A_338 = vector.shape_cast %swap3A_337 : vector<1x16xf32> to vector<16xf32>
        %swap3A_339 = vector.shape_cast %mul3A_334 : vector<16xf32> to vector<1x16xf32>
        tpu.vector_store %arg7[%swap3A_335, %swap3A_336], %swap3A_339 {strides = array<i32>} : memref<256x128xf32, #tpu.memory_space<vmem>>, vector<1x16xf32>,
        %mul3A_340 = vector.broadcast %scan3A : f32 to vector<16xf32>
        %mul3A_341 = arith.mulf %scan3A_329#1, %mul3A_340 : vector<16xf32>
        %swap3A_342 = arith.index_cast %shift_right_arithmetic3A_332 : i32 to index
        %swap3A_343 = arith.constant 80 : index
        %swap3A_344 = tpu.vector_load %arg7[%swap3A_342, %swap3A_343] {strides = array<i32>} : memref<256x128xf32, #tpu.memory_space<vmem>>, vector<1x16xf32>,
        %swap3A_345 = vector.shape_cast %swap3A_344 : vector<1x16xf32> to vector<16xf32>
        %swap3A_346 = vector.shape_cast %mul3A_341 : vector<16xf32> to vector<1x16xf32>
        tpu.vector_store %arg7[%swap3A_342, %swap3A_343], %swap3A_346 {strides = array<i32>} : memref<256x128xf32, #tpu.memory_space<vmem>>, vector<1x16xf32>,
        %mul3A_347 = vector.broadcast %scan3A : f32 to vector<16xf32>
        %mul3A_348 = arith.mulf %scan3A_329#2, %mul3A_347 : vector<16xf32>
        %swap3A_349 = arith.index_cast %shift_right_arithmetic3A_332 : i32 to index
        %swap3A_350 = arith.constant 96 : index
        %swap3A_351 = tpu.vector_load %arg7[%swap3A_349, %swap3A_350] {strides = array<i32>} : memref<256x128xf32, #tpu.memory_space<vmem>>, vector<1x16xf32>,
        %swap3A_352 = vector.shape_cast %swap3A_351 : vector<1x16xf32> to vector<16xf32>
        %swap3A_353 = vector.shape_cast %mul3A_348 : vector<16xf32> to vector<1x16xf32>
        tpu.vector_store %arg7[%swap3A_349, %swap3A_350], %swap3A_353 {strides = array<i32>} : memref<256x128xf32, #tpu.memory_space<vmem>>, vector<1x16xf32>,
        %mul3A_354 = vector.broadcast %scan3A : f32 to vector<16xf32>
        %mul3A_355 = arith.mulf %scan3A_329#3, %mul3A_354 : vector<16xf32>
        %swap3A_356 = arith.index_cast %shift_right_arithmetic3A_332 : i32 to index
        %swap3A_357 = arith.constant 112 : index
        %swap3A_358 = tpu.vector_load %arg7[%swap3A_356, %swap3A_357] {strides = array<i32>} : memref<256x128xf32, #tpu.memory_space<vmem>>, vector<1x16xf32>,
        %swap3A_359 = vector.shape_cast %swap3A_358 : vector<1x16xf32> to vector<16xf32>
        %swap3A_360 = vector.shape_cast %mul3A_355 : vector<16xf32> to vector<1x16xf32>
        tpu.vector_store %arg7[%swap3A_356, %swap3A_357], %swap3A_360 {strides = array<i32>} : memref<256x128xf32, #tpu.memory_space<vmem>>, vector<1x16xf32>,
        %add3A_361 = arith.constant 4 : i32
        %add3A_362 = arith.addi %add3A_292, %add3A_361 : i32
        %lt3A_363 = arith.constant 512 : i32
        %lt3A_364 = arith.cmpi slt, %add3A_362, %lt3A_363 : i32
        %convert_element_type3A_365 = arith.extui %lt3A_364 : i1 to i32
        %cond3A_366 = arith.constant 0 : i32
        %cond3A_367 = arith.cmpi ne, %convert_element_type3A_365, %cond3A_366 : i32
        scf.if %cond3A_367 {
          %add3A_533 = arith.constant 4 : i32
          %add3A_534 = arith.addi %add3A_292, %add3A_533 : i32
          %and3A_535 = arith.constant 127 : i32
          %and3A_536 = arith.andi %add3A_534, %and3A_535 : i32
          %mul3A_537 = arith.constant 200 : i32
          %mul3A_538 = arith.muli %and3A_536, %mul3A_537 : i32
          %add3A_539 = arith.constant 128 : i32
          %add3A_540 = arith.addi %mul3A_538, %add3A_539 : i32
          %dma_start3A_541 = arith.constant 1 : i32
          %dma_start3A_542 = arith.constant 1 : i32
          %dma_start3A_543 = arith.constant 0 : i32
          %dma_start3A_544 = arith.constant 0 : i32
          %dma_start3A_545 = tpu.memref_slice %arg6[%dma_start3A_541, %dma_start3A_543, %dma_start3A_544] : memref<4x200x64xf32, #tpu.memory_space<vmem>> -> memref<1x128x64xf32, #tpu.memory_space<vmem>>
          %dma_start3A_546 = tpu.memref_squeeze %dma_start3A_545 : memref<1x128x64xf32, #tpu.memory_space<vmem>> -> memref<128x64xf32, #tpu.memory_space<vmem>>
          %dma_start3A_547 = tpu.memref_slice %arg5[%mul3A_538] : memref<25600xi32, #tpu.memory_space<vmem>> -> memref<128xi32, #tpu.memory_space<vmem>>
          %dma_start3A_548 = arith.constant 0 : i32
          %dma_start3A_549 = arith.constant 0 : i32
          %dma_start3A_550 = tpu.memref_slice %arg3[%dma_start3A_548, %dma_start3A_549] : memref<1000000x64xf32, #tpu.memory_space<hbm>> -> memref<1000000x64xf32, #tpu.memory_space<hbm>>
          %dma_start3A_551 = tpu.memref_slice %arg8[%dma_start3A_542] : memref<4x!tpu.dma_semaphore, #tpu.memory_space<semaphore_mem>> -> memref<1x!tpu.dma_semaphore, #tpu.memory_space<semaphore_mem>>
          %dma_start3A_552 = tpu.memref_squeeze %dma_start3A_551 : memref<1x!tpu.dma_semaphore, #tpu.memory_space<semaphore_mem>> -> memref<!tpu.dma_semaphore, #tpu.memory_space<semaphore_mem>>
          tpu.enqueue_indirect_dma source(%dma_start3A_550 : memref<1000000x64xf32, #tpu.memory_space<hbm>>) target(%dma_start3A_546 : memref<128x64xf32, #tpu.memory_space<vmem>>) offsets(%dma_start3A_547 : memref<128xi32, #tpu.memory_space<vmem>>) semaphore(%dma_start3A_552 : memref<!tpu.dma_semaphore, #tpu.memory_space<semaphore_mem>>)
          %dma_start3A_553 = arith.constant 1 : i32
          %dma_start3A_554 = arith.constant 1 : i32
          %dma_start3A_555 = arith.constant 128 : i32
          %dma_start3A_556 = arith.constant 0 : i32
          %dma_start3A_557 = tpu.memref_slice %arg6[%dma_start3A_553, %dma_start3A_555, %dma_start3A_556] : memref<4x200x64xf32, #tpu.memory_space<vmem>> -> memref<1x72x64xf32, #tpu.memory_space<vmem>>
          %dma_start3A_558 = tpu.memref_squeeze %dma_start3A_557 : memref<1x72x64xf32, #tpu.memory_space<vmem>> -> memref<72x64xf32, #tpu.memory_space<vmem>>
          %dma_start3A_559 = tpu.memref_slice %arg5[%add3A_540] : memref<25600xi32, #tpu.memory_space<vmem>> -> memref<72xi32, #tpu.memory_space<vmem>>
          %dma_start3A_560 = arith.constant 0 : i32
          %dma_start3A_561 = arith.constant 0 : i32
          %dma_start3A_562 = tpu.memref_slice %arg3[%dma_start3A_560, %dma_start3A_561] : memref<1000000x64xf32, #tpu.memory_space<hbm>> -> memref<1000000x64xf32, #tpu.memory_space<hbm>>
          %dma_start3A_563 = tpu.memref_slice %arg8[%dma_start3A_554] : memref<4x!tpu.dma_semaphore, #tpu.memory_space<semaphore_mem>> -> memref<1x!tpu.dma_semaphore, #tpu.memory_space<semaphore_mem>>
          %dma_start3A_564 = tpu.memref_squeeze %dma_start3A_563 : memref<1x!tpu.dma_semaphore, #tpu.memory_space<semaphore_mem>> -> memref<!tpu.dma_semaphore, #tpu.memory_space<semaphore_mem>>
          tpu.enqueue_indirect_dma source(%dma_start3A_562 : memref<1000000x64xf32, #tpu.memory_space<hbm>>) target(%dma_start3A_558 : memref<72x64xf32, #tpu.memory_space<vmem>>) offsets(%dma_start3A_559 : memref<72xi32, #tpu.memory_space<vmem>>) semaphore(%dma_start3A_564 : memref<!tpu.dma_semaphore, #tpu.memory_space<semaphore_mem>>)
        } else {
        }
        %mul3A_368 = arith.constant 64 : i32
        %mul3A_369 = arith.muli %add3A_187, %mul3A_368 : i32
        %mul3A_370 = arith.constant 4 : i32
        %mul3A_371 = arith.muli %scan3A_205, %mul3A_370 : i32
        %add3A_372 = arith.addi %mul3A_369, %mul3A_371 : i32
        %add3A_373 = arith.constant 2 : i32
        %add3A_374 = arith.addi %add3A_372, %add3A_373 : i32
        %and3A_375 = arith.constant 127 : i32
        %and3A_376 = arith.andi %add3A_374, %and3A_375 : i32
        %mul3A_377 = arith.constant 200 : i32
        %mul3A_378 = arith.muli %and3A_376, %mul3A_377 : i32
        %add3A_379 = arith.constant 128 : i32
        %add3A_380 = arith.addi %mul3A_378, %add3A_379 : i32
        %dma_wait3A_381 = arith.constant 2 : i32
        %dma_wait3A_382 = arith.constant 2 : i32
        %dma_wait3A_383 = arith.constant 0 : i32
        %dma_wait3A_384 = arith.constant 0 : i32
        %dma_wait3A_385 = tpu.memref_slice %arg6[%dma_wait3A_381, %dma_wait3A_383, %dma_wait3A_384] : memref<4x200x64xf32, #tpu.memory_space<vmem>> -> memref<1x128x64xf32, #tpu.memory_space<vmem>>
        %dma_wait3A_386 = tpu.memref_squeeze %dma_wait3A_385 : memref<1x128x64xf32, #tpu.memory_space<vmem>> -> memref<128x64xf32, #tpu.memory_space<vmem>>
        %dma_wait3A_387 = tpu.memref_slice %arg5[%mul3A_378] : memref<25600xi32, #tpu.memory_space<vmem>> -> memref<128xi32, #tpu.memory_space<vmem>>
        %dma_wait3A_388 = arith.constant 0 : i32
        %dma_wait3A_389 = arith.constant 0 : i32
        %dma_wait3A_390 = tpu.memref_slice %arg3[%dma_wait3A_388, %dma_wait3A_389] : memref<1000000x64xf32, #tpu.memory_space<hbm>> -> memref<1000000x64xf32, #tpu.memory_space<hbm>>
        %dma_wait3A_391 = tpu.memref_slice %arg8[%dma_wait3A_382] : memref<4x!tpu.dma_semaphore, #tpu.memory_space<semaphore_mem>> -> memref<1x!tpu.dma_semaphore, #tpu.memory_space<semaphore_mem>>
        %dma_wait3A_392 = tpu.memref_squeeze %dma_wait3A_391 : memref<1x!tpu.dma_semaphore, #tpu.memory_space<semaphore_mem>> -> memref<!tpu.dma_semaphore, #tpu.memory_space<semaphore_mem>>
        tpu.wait_indirect_dma semaphore(%dma_wait3A_392 : memref<!tpu.dma_semaphore, #tpu.memory_space<semaphore_mem>>) src(%dma_wait3A_390 : memref<1000000x64xf32, #tpu.memory_space<hbm>>) dst(%dma_wait3A_386 : memref<128x64xf32, #tpu.memory_space<vmem>>)
        %dma_wait3A_393 = arith.constant 2 : i32
        %dma_wait3A_394 = arith.constant 2 : i32
        %dma_wait3A_395 = arith.constant 128 : i32
        %dma_wait3A_396 = arith.constant 0 : i32
        %dma_wait3A_397 = tpu.memref_slice %arg6[%dma_wait3A_393, %dma_wait3A_395, %dma_wait3A_396] : memref<4x200x64xf32, #tpu.memory_space<vmem>> -> memref<1x72x64xf32, #tpu.memory_space<vmem>>
        %dma_wait3A_398 = tpu.memref_squeeze %dma_wait3A_397 : memref<1x72x64xf32, #tpu.memory_space<vmem>> -> memref<72x64xf32, #tpu.memory_space<vmem>>
        %dma_wait3A_399 = tpu.memref_slice %arg5[%add3A_380] : memref<25600xi32, #tpu.memory_space<vmem>> -> memref<72xi32, #tpu.memory_space<vmem>>
        %dma_wait3A_400 = arith.constant 0 : i32
        %dma_wait3A_401 = arith.constant 0 : i32
        %dma_wait3A_402 = tpu.memref_slice %arg3[%dma_wait3A_400, %dma_wait3A_401] : memref<1000000x64xf32, #tpu.memory_space<hbm>> -> memref<1000000x64xf32, #tpu.memory_space<hbm>>
        %dma_wait3A_403 = tpu.memref_slice %arg8[%dma_wait3A_394] : memref<4x!tpu.dma_semaphore, #tpu.memory_space<semaphore_mem>> -> memref<1x!tpu.dma_semaphore, #tpu.memory_space<semaphore_mem>>
        %dma_wait3A_404 = tpu.memref_squeeze %dma_wait3A_403 : memref<1x!tpu.dma_semaphore, #tpu.memory_space<semaphore_mem>> -> memref<!tpu.dma_semaphore, #tpu.memory_space<semaphore_mem>>
        tpu.wait_indirect_dma semaphore(%dma_wait3A_404 : memref<!tpu.dma_semaphore, #tpu.memory_space<semaphore_mem>>) src(%dma_wait3A_402 : memref<1000000x64xf32, #tpu.memory_space<hbm>>) dst(%dma_wait3A_398 : memref<72x64xf32, #tpu.memory_space<vmem>>)
        %broadcast_in_dim3A_405 = arith.constant 0.000000e+00 : f32
        %broadcast_in_dim3A_406 = vector.broadcast %broadcast_in_dim3A_405 : f32 to vector<16xf32>
        %scan3A_407 = arith.constant 0 : i32
        %scan3A_408 = arith.constant 50 : i32
        %scan3A_409 = arith.addi %scan3A_407, %scan3A_408 : i32
        %scan3A_410 = arith.constant 1 : i32
        %scan3A_411:4 = scf.for %scan3A_533 = %scan3A_407 to %scan3A_409 step %scan3A_410 iter_args(%scan3A_534 = %broadcast_in_dim3A_406, %scan3A_535 = %broadcast_in_dim3A_406, %scan3A_536 = %broadcast_in_dim3A_406, %scan3A_537 = %broadcast_in_dim3A_406) -> (vector<16xf32>, vector<16xf32>, vector<16xf32>, vector<16xf32>)  : i32 {
          %mul3A_538 = arith.constant 4 : i32
          %mul3A_539 = arith.muli %scan3A_533, %mul3A_538 : i32
          %add3A_540 = arith.constant 0 : i32
          %add3A_541 = arith.addi %mul3A_539, %add3A_540 : i32
          %get3A = arith.constant 2 : i32
          %get3A_542 = arith.index_cast %get3A : i32 to index
          %get3A_543 = arith.index_cast %add3A_541 : i32 to index
          %get3A_544 = arith.constant 0 : index
          %get3A_545 = tpu.vector_load %arg6[%get3A_542, %get3A_543, %get3A_544] {strides = array<i32>} : memref<4x200x64xf32, #tpu.memory_space<vmem>>, vector<1x1x16xf32>,
          %get3A_546 = vector.shape_cast %get3A_545 : vector<1x1x16xf32> to vector<16xf32>
          %add3A_547 = arith.addf %scan3A_534, %get3A_546 : vector<16xf32>
          %get3A_548 = arith.constant 2 : i32
          %get3A_549 = arith.index_cast %get3A_548 : i32 to index
          %get3A_550 = arith.index_cast %add3A_541 : i32 to index
          %get3A_551 = arith.constant 16 : index
          %get3A_552 = tpu.vector_load %arg6[%get3A_549, %get3A_550, %get3A_551] {strides = array<i32>} : memref<4x200x64xf32, #tpu.memory_space<vmem>>, vector<1x1x16xf32>,
          %get3A_553 = vector.shape_cast %get3A_552 : vector<1x1x16xf32> to vector<16xf32>
          %add3A_554 = arith.addf %scan3A_535, %get3A_553 : vector<16xf32>
          %get3A_555 = arith.constant 2 : i32
          %get3A_556 = arith.index_cast %get3A_555 : i32 to index
          %get3A_557 = arith.index_cast %add3A_541 : i32 to index
          %get3A_558 = arith.constant 32 : index
          %get3A_559 = tpu.vector_load %arg6[%get3A_556, %get3A_557, %get3A_558] {strides = array<i32>} : memref<4x200x64xf32, #tpu.memory_space<vmem>>, vector<1x1x16xf32>,
          %get3A_560 = vector.shape_cast %get3A_559 : vector<1x1x16xf32> to vector<16xf32>
          %add3A_561 = arith.addf %scan3A_536, %get3A_560 : vector<16xf32>
          %get3A_562 = arith.constant 2 : i32
          %get3A_563 = arith.index_cast %get3A_562 : i32 to index
          %get3A_564 = arith.index_cast %add3A_541 : i32 to index
          %get3A_565 = arith.constant 48 : index
          %get3A_566 = tpu.vector_load %arg6[%get3A_563, %get3A_564, %get3A_565] {strides = array<i32>} : memref<4x200x64xf32, #tpu.memory_space<vmem>>, vector<1x1x16xf32>,
          %get3A_567 = vector.shape_cast %get3A_566 : vector<1x1x16xf32> to vector<16xf32>
          %add3A_568 = arith.addf %scan3A_537, %get3A_567 : vector<16xf32>
          %mul3A_569 = arith.constant 4 : i32
          %mul3A_570 = arith.muli %scan3A_533, %mul3A_569 : i32
          %add3A_571 = arith.constant 1 : i32
          %add3A_572 = arith.addi %mul3A_570, %add3A_571 : i32
          %get3A_573 = arith.constant 2 : i32
          %get3A_574 = arith.index_cast %get3A_573 : i32 to index
          %get3A_575 = arith.index_cast %add3A_572 : i32 to index
          %get3A_576 = arith.constant 0 : index
          %get3A_577 = tpu.vector_load %arg6[%get3A_574, %get3A_575, %get3A_576] {strides = array<i32>} : memref<4x200x64xf32, #tpu.memory_space<vmem>>, vector<1x1x16xf32>,
          %get3A_578 = vector.shape_cast %get3A_577 : vector<1x1x16xf32> to vector<16xf32>
          %add3A_579 = arith.addf %add3A_547, %get3A_578 : vector<16xf32>
          %get3A_580 = arith.constant 2 : i32
          %get3A_581 = arith.index_cast %get3A_580 : i32 to index
          %get3A_582 = arith.index_cast %add3A_572 : i32 to index
          %get3A_583 = arith.constant 16 : index
          %get3A_584 = tpu.vector_load %arg6[%get3A_581, %get3A_582, %get3A_583] {strides = array<i32>} : memref<4x200x64xf32, #tpu.memory_space<vmem>>, vector<1x1x16xf32>,
          %get3A_585 = vector.shape_cast %get3A_584 : vector<1x1x16xf32> to vector<16xf32>
          %add3A_586 = arith.addf %add3A_554, %get3A_585 : vector<16xf32>
          %get3A_587 = arith.constant 2 : i32
          %get3A_588 = arith.index_cast %get3A_587 : i32 to index
          %get3A_589 = arith.index_cast %add3A_572 : i32 to index
          %get3A_590 = arith.constant 32 : index
          %get3A_591 = tpu.vector_load %arg6[%get3A_588, %get3A_589, %get3A_590] {strides = array<i32>} : memref<4x200x64xf32, #tpu.memory_space<vmem>>, vector<1x1x16xf32>,
          %get3A_592 = vector.shape_cast %get3A_591 : vector<1x1x16xf32> to vector<16xf32>
          %add3A_593 = arith.addf %add3A_561, %get3A_592 : vector<16xf32>
          %get3A_594 = arith.constant 2 : i32
          %get3A_595 = arith.index_cast %get3A_594 : i32 to index
          %get3A_596 = arith.index_cast %add3A_572 : i32 to index
          %get3A_597 = arith.constant 48 : index
          %get3A_598 = tpu.vector_load %arg6[%get3A_595, %get3A_596, %get3A_597] {strides = array<i32>} : memref<4x200x64xf32, #tpu.memory_space<vmem>>, vector<1x1x16xf32>,
          %get3A_599 = vector.shape_cast %get3A_598 : vector<1x1x16xf32> to vector<16xf32>
          %add3A_600 = arith.addf %add3A_568, %get3A_599 : vector<16xf32>
          %mul3A_601 = arith.constant 4 : i32
          %mul3A_602 = arith.muli %scan3A_533, %mul3A_601 : i32
          %add3A_603 = arith.constant 2 : i32
          %add3A_604 = arith.addi %mul3A_602, %add3A_603 : i32
          %get3A_605 = arith.constant 2 : i32
          %get3A_606 = arith.index_cast %get3A_605 : i32 to index
          %get3A_607 = arith.index_cast %add3A_604 : i32 to index
          %get3A_608 = arith.constant 0 : index
          %get3A_609 = tpu.vector_load %arg6[%get3A_606, %get3A_607, %get3A_608] {strides = array<i32>} : memref<4x200x64xf32, #tpu.memory_space<vmem>>, vector<1x1x16xf32>,
          %get3A_610 = vector.shape_cast %get3A_609 : vector<1x1x16xf32> to vector<16xf32>
          %add3A_611 = arith.addf %add3A_579, %get3A_610 : vector<16xf32>
          %get3A_612 = arith.constant 2 : i32
          %get3A_613 = arith.index_cast %get3A_612 : i32 to index
          %get3A_614 = arith.index_cast %add3A_604 : i32 to index
          %get3A_615 = arith.constant 16 : index
          %get3A_616 = tpu.vector_load %arg6[%get3A_613, %get3A_614, %get3A_615] {strides = array<i32>} : memref<4x200x64xf32, #tpu.memory_space<vmem>>, vector<1x1x16xf32>,
          %get3A_617 = vector.shape_cast %get3A_616 : vector<1x1x16xf32> to vector<16xf32>
          %add3A_618 = arith.addf %add3A_586, %get3A_617 : vector<16xf32>
          %get3A_619 = arith.constant 2 : i32
          %get3A_620 = arith.index_cast %get3A_619 : i32 to index
          %get3A_621 = arith.index_cast %add3A_604 : i32 to index
          %get3A_622 = arith.constant 32 : index
          %get3A_623 = tpu.vector_load %arg6[%get3A_620, %get3A_621, %get3A_622] {strides = array<i32>} : memref<4x200x64xf32, #tpu.memory_space<vmem>>, vector<1x1x16xf32>,
          %get3A_624 = vector.shape_cast %get3A_623 : vector<1x1x16xf32> to vector<16xf32>
          %add3A_625 = arith.addf %add3A_593, %get3A_624 : vector<16xf32>
          %get3A_626 = arith.constant 2 : i32
          %get3A_627 = arith.index_cast %get3A_626 : i32 to index
          %get3A_628 = arith.index_cast %add3A_604 : i32 to index
          %get3A_629 = arith.constant 48 : index
          %get3A_630 = tpu.vector_load %arg6[%get3A_627, %get3A_628, %get3A_629] {strides = array<i32>} : memref<4x200x64xf32, #tpu.memory_space<vmem>>, vector<1x1x16xf32>,
          %get3A_631 = vector.shape_cast %get3A_630 : vector<1x1x16xf32> to vector<16xf32>
          %add3A_632 = arith.addf %add3A_600, %get3A_631 : vector<16xf32>
          %mul3A_633 = arith.constant 4 : i32
          %mul3A_634 = arith.muli %scan3A_533, %mul3A_633 : i32
          %add3A_635 = arith.constant 3 : i32
          %add3A_636 = arith.addi %mul3A_634, %add3A_635 : i32
          %get3A_637 = arith.constant 2 : i32
          %get3A_638 = arith.index_cast %get3A_637 : i32 to index
          %get3A_639 = arith.index_cast %add3A_636 : i32 to index
          %get3A_640 = arith.constant 0 : index
          %get3A_641 = tpu.vector_load %arg6[%get3A_638, %get3A_639, %get3A_640] {strides = array<i32>} : memref<4x200x64xf32, #tpu.memory_space<vmem>>, vector<1x1x16xf32>,
          %get3A_642 = vector.shape_cast %get3A_641 : vector<1x1x16xf32> to vector<16xf32>
          %add3A_643 = arith.addf %add3A_611, %get3A_642 : vector<16xf32>
          %get3A_644 = arith.constant 2 : i32
          %get3A_645 = arith.index_cast %get3A_644 : i32 to index
          %get3A_646 = arith.index_cast %add3A_636 : i32 to index
          %get3A_647 = arith.constant 16 : index
          %get3A_648 = tpu.vector_load %arg6[%get3A_645, %get3A_646, %get3A_647] {strides = array<i32>} : memref<4x200x64xf32, #tpu.memory_space<vmem>>, vector<1x1x16xf32>,
          %get3A_649 = vector.shape_cast %get3A_648 : vector<1x1x16xf32> to vector<16xf32>
          %add3A_650 = arith.addf %add3A_618, %get3A_649 : vector<16xf32>
          %get3A_651 = arith.constant 2 : i32
          %get3A_652 = arith.index_cast %get3A_651 : i32 to index
          %get3A_653 = arith.index_cast %add3A_636 : i32 to index
          %get3A_654 = arith.constant 32 : index
          %get3A_655 = tpu.vector_load %arg6[%get3A_652, %get3A_653, %get3A_654] {strides = array<i32>} : memref<4x200x64xf32, #tpu.memory_space<vmem>>, vector<1x1x16xf32>,
          %get3A_656 = vector.shape_cast %get3A_655 : vector<1x1x16xf32> to vector<16xf32>
          %add3A_657 = arith.addf %add3A_625, %get3A_656 : vector<16xf32>
          %get3A_658 = arith.constant 2 : i32
          %get3A_659 = arith.index_cast %get3A_658 : i32 to index
          %get3A_660 = arith.index_cast %add3A_636 : i32 to index
          %get3A_661 = arith.constant 48 : index
          %get3A_662 = tpu.vector_load %arg6[%get3A_659, %get3A_660, %get3A_661] {strides = array<i32>} : memref<4x200x64xf32, #tpu.memory_space<vmem>>, vector<1x1x16xf32>,
          %get3A_663 = vector.shape_cast %get3A_662 : vector<1x1x16xf32> to vector<16xf32>
          %add3A_664 = arith.addf %add3A_632, %get3A_663 : vector<16xf32>
          scf.yield %add3A_643, %add3A_650, %add3A_657, %add3A_664 : vector<16xf32>, vector<16xf32>, vector<16xf32>, vector<16xf32>
        }
        %scan3A_412 = arith.constant 50 : i32
        %shift_right_arithmetic3A_413 = arith.constant 1 : i32
        %shift_right_arithmetic3A_414 = arith.shrsi %add3A_374, %shift_right_arithmetic3A_413 : i32
        %mul3A_415 = vector.broadcast %scan3A : f32 to vector<16xf32>
        %mul3A_416 = arith.mulf %scan3A_411#0, %mul3A_415 : vector<16xf32>
        %swap3A_417 = arith.index_cast %shift_right_arithmetic3A_414 : i32 to index
        %swap3A_418 = arith.constant 0 : index
        %swap3A_419 = tpu.vector_load %arg7[%swap3A_417, %swap3A_418] {strides = array<i32>} : memref<256x128xf32, #tpu.memory_space<vmem>>, vector<1x16xf32>,
        %swap3A_420 = vector.shape_cast %swap3A_419 : vector<1x16xf32> to vector<16xf32>
        %swap3A_421 = vector.shape_cast %mul3A_416 : vector<16xf32> to vector<1x16xf32>
        tpu.vector_store %arg7[%swap3A_417, %swap3A_418], %swap3A_421 {strides = array<i32>} : memref<256x128xf32, #tpu.memory_space<vmem>>, vector<1x16xf32>,
        %mul3A_422 = vector.broadcast %scan3A : f32 to vector<16xf32>
        %mul3A_423 = arith.mulf %scan3A_411#1, %mul3A_422 : vector<16xf32>
        %swap3A_424 = arith.index_cast %shift_right_arithmetic3A_414 : i32 to index
        %swap3A_425 = arith.constant 16 : index
        %swap3A_426 = tpu.vector_load %arg7[%swap3A_424, %swap3A_425] {strides = array<i32>} : memref<256x128xf32, #tpu.memory_space<vmem>>, vector<1x16xf32>,
        %swap3A_427 = vector.shape_cast %swap3A_426 : vector<1x16xf32> to vector<16xf32>
        %swap3A_428 = vector.shape_cast %mul3A_423 : vector<16xf32> to vector<1x16xf32>
        tpu.vector_store %arg7[%swap3A_424, %swap3A_425], %swap3A_428 {strides = array<i32>} : memref<256x128xf32, #tpu.memory_space<vmem>>, vector<1x16xf32>,
        %mul3A_429 = vector.broadcast %scan3A : f32 to vector<16xf32>
        %mul3A_430 = arith.mulf %scan3A_411#2, %mul3A_429 : vector<16xf32>
        %swap3A_431 = arith.index_cast %shift_right_arithmetic3A_414 : i32 to index
        %swap3A_432 = arith.constant 32 : index
        %swap3A_433 = tpu.vector_load %arg7[%swap3A_431, %swap3A_432] {strides = array<i32>} : memref<256x128xf32, #tpu.memory_space<vmem>>, vector<1x16xf32>,
        %swap3A_434 = vector.shape_cast %swap3A_433 : vector<1x16xf32> to vector<16xf32>
        %swap3A_435 = vector.shape_cast %mul3A_430 : vector<16xf32> to vector<1x16xf32>
        tpu.vector_store %arg7[%swap3A_431, %swap3A_432], %swap3A_435 {strides = array<i32>} : memref<256x128xf32, #tpu.memory_space<vmem>>, vector<1x16xf32>,
        %mul3A_436 = vector.broadcast %scan3A : f32 to vector<16xf32>
        %mul3A_437 = arith.mulf %scan3A_411#3, %mul3A_436 : vector<16xf32>
        %swap3A_438 = arith.index_cast %shift_right_arithmetic3A_414 : i32 to index
        %swap3A_439 = arith.constant 48 : index
        %swap3A_440 = tpu.vector_load %arg7[%swap3A_438, %swap3A_439] {strides = array<i32>} : memref<256x128xf32, #tpu.memory_space<vmem>>, vector<1x16xf32>,
        %swap3A_441 = vector.shape_cast %swap3A_440 : vector<1x16xf32> to vector<16xf32>
        %swap3A_442 = vector.shape_cast %mul3A_437 : vector<16xf32> to vector<1x16xf32>
        tpu.vector_store %arg7[%swap3A_438, %swap3A_439], %swap3A_442 {strides = array<i32>} : memref<256x128xf32, #tpu.memory_space<vmem>>, vector<1x16xf32>,
        %add3A_443 = arith.constant 4 : i32
        %add3A_444 = arith.addi %add3A_374, %add3A_443 : i32
        %lt3A_445 = arith.constant 512 : i32
        %lt3A_446 = arith.cmpi slt, %add3A_444, %lt3A_445 : i32
        %convert_element_type3A_447 = arith.extui %lt3A_446 : i1 to i32
        %cond3A_448 = arith.constant 0 : i32
        %cond3A_449 = arith.cmpi ne, %convert_element_type3A_447, %cond3A_448 : i32
        scf.if %cond3A_449 {
          %add3A_533 = arith.constant 4 : i32
          %add3A_534 = arith.addi %add3A_374, %add3A_533 : i32
          %and3A_535 = arith.constant 127 : i32
          %and3A_536 = arith.andi %add3A_534, %and3A_535 : i32
          %mul3A_537 = arith.constant 200 : i32
          %mul3A_538 = arith.muli %and3A_536, %mul3A_537 : i32
          %add3A_539 = arith.constant 128 : i32
          %add3A_540 = arith.addi %mul3A_538, %add3A_539 : i32
          %dma_start3A_541 = arith.constant 2 : i32
          %dma_start3A_542 = arith.constant 2 : i32
          %dma_start3A_543 = arith.constant 0 : i32
          %dma_start3A_544 = arith.constant 0 : i32
          %dma_start3A_545 = tpu.memref_slice %arg6[%dma_start3A_541, %dma_start3A_543, %dma_start3A_544] : memref<4x200x64xf32, #tpu.memory_space<vmem>> -> memref<1x128x64xf32, #tpu.memory_space<vmem>>
          %dma_start3A_546 = tpu.memref_squeeze %dma_start3A_545 : memref<1x128x64xf32, #tpu.memory_space<vmem>> -> memref<128x64xf32, #tpu.memory_space<vmem>>
          %dma_start3A_547 = tpu.memref_slice %arg5[%mul3A_538] : memref<25600xi32, #tpu.memory_space<vmem>> -> memref<128xi32, #tpu.memory_space<vmem>>
          %dma_start3A_548 = arith.constant 0 : i32
          %dma_start3A_549 = arith.constant 0 : i32
          %dma_start3A_550 = tpu.memref_slice %arg3[%dma_start3A_548, %dma_start3A_549] : memref<1000000x64xf32, #tpu.memory_space<hbm>> -> memref<1000000x64xf32, #tpu.memory_space<hbm>>
          %dma_start3A_551 = tpu.memref_slice %arg8[%dma_start3A_542] : memref<4x!tpu.dma_semaphore, #tpu.memory_space<semaphore_mem>> -> memref<1x!tpu.dma_semaphore, #tpu.memory_space<semaphore_mem>>
          %dma_start3A_552 = tpu.memref_squeeze %dma_start3A_551 : memref<1x!tpu.dma_semaphore, #tpu.memory_space<semaphore_mem>> -> memref<!tpu.dma_semaphore, #tpu.memory_space<semaphore_mem>>
          tpu.enqueue_indirect_dma source(%dma_start3A_550 : memref<1000000x64xf32, #tpu.memory_space<hbm>>) target(%dma_start3A_546 : memref<128x64xf32, #tpu.memory_space<vmem>>) offsets(%dma_start3A_547 : memref<128xi32, #tpu.memory_space<vmem>>) semaphore(%dma_start3A_552 : memref<!tpu.dma_semaphore, #tpu.memory_space<semaphore_mem>>)
          %dma_start3A_553 = arith.constant 2 : i32
          %dma_start3A_554 = arith.constant 2 : i32
          %dma_start3A_555 = arith.constant 128 : i32
          %dma_start3A_556 = arith.constant 0 : i32
          %dma_start3A_557 = tpu.memref_slice %arg6[%dma_start3A_553, %dma_start3A_555, %dma_start3A_556] : memref<4x200x64xf32, #tpu.memory_space<vmem>> -> memref<1x72x64xf32, #tpu.memory_space<vmem>>
          %dma_start3A_558 = tpu.memref_squeeze %dma_start3A_557 : memref<1x72x64xf32, #tpu.memory_space<vmem>> -> memref<72x64xf32, #tpu.memory_space<vmem>>
          %dma_start3A_559 = tpu.memref_slice %arg5[%add3A_540] : memref<25600xi32, #tpu.memory_space<vmem>> -> memref<72xi32, #tpu.memory_space<vmem>>
          %dma_start3A_560 = arith.constant 0 : i32
          %dma_start3A_561 = arith.constant 0 : i32
          %dma_start3A_562 = tpu.memref_slice %arg3[%dma_start3A_560, %dma_start3A_561] : memref<1000000x64xf32, #tpu.memory_space<hbm>> -> memref<1000000x64xf32, #tpu.memory_space<hbm>>
          %dma_start3A_563 = tpu.memref_slice %arg8[%dma_start3A_554] : memref<4x!tpu.dma_semaphore, #tpu.memory_space<semaphore_mem>> -> memref<1x!tpu.dma_semaphore, #tpu.memory_space<semaphore_mem>>
          %dma_start3A_564 = tpu.memref_squeeze %dma_start3A_563 : memref<1x!tpu.dma_semaphore, #tpu.memory_space<semaphore_mem>> -> memref<!tpu.dma_semaphore, #tpu.memory_space<semaphore_mem>>
          tpu.enqueue_indirect_dma source(%dma_start3A_562 : memref<1000000x64xf32, #tpu.memory_space<hbm>>) target(%dma_start3A_558 : memref<72x64xf32, #tpu.memory_space<vmem>>) offsets(%dma_start3A_559 : memref<72xi32, #tpu.memory_space<vmem>>) semaphore(%dma_start3A_564 : memref<!tpu.dma_semaphore, #tpu.memory_space<semaphore_mem>>)
        } else {
        }
        %mul3A_450 = arith.constant 64 : i32
        %mul3A_451 = arith.muli %add3A_187, %mul3A_450 : i32
        %mul3A_452 = arith.constant 4 : i32
        %mul3A_453 = arith.muli %scan3A_205, %mul3A_452 : i32
        %add3A_454 = arith.addi %mul3A_451, %mul3A_453 : i32
        %add3A_455 = arith.constant 3 : i32
        %add3A_456 = arith.addi %add3A_454, %add3A_455 : i32
        %and3A_457 = arith.constant 127 : i32
        %and3A_458 = arith.andi %add3A_456, %and3A_457 : i32
        %mul3A_459 = arith.constant 200 : i32
        %mul3A_460 = arith.muli %and3A_458, %mul3A_459 : i32
        %add3A_461 = arith.constant 128 : i32
        %add3A_462 = arith.addi %mul3A_460, %add3A_461 : i32
        %dma_wait3A_463 = arith.constant 3 : i32
        %dma_wait3A_464 = arith.constant 3 : i32
        %dma_wait3A_465 = arith.constant 0 : i32
        %dma_wait3A_466 = arith.constant 0 : i32
        %dma_wait3A_467 = tpu.memref_slice %arg6[%dma_wait3A_463, %dma_wait3A_465, %dma_wait3A_466] : memref<4x200x64xf32, #tpu.memory_space<vmem>> -> memref<1x128x64xf32, #tpu.memory_space<vmem>>
        %dma_wait3A_468 = tpu.memref_squeeze %dma_wait3A_467 : memref<1x128x64xf32, #tpu.memory_space<vmem>> -> memref<128x64xf32, #tpu.memory_space<vmem>>
        %dma_wait3A_469 = tpu.memref_slice %arg5[%mul3A_460] : memref<25600xi32, #tpu.memory_space<vmem>> -> memref<128xi32, #tpu.memory_space<vmem>>
        %dma_wait3A_470 = arith.constant 0 : i32
        %dma_wait3A_471 = arith.constant 0 : i32
        %dma_wait3A_472 = tpu.memref_slice %arg3[%dma_wait3A_470, %dma_wait3A_471] : memref<1000000x64xf32, #tpu.memory_space<hbm>> -> memref<1000000x64xf32, #tpu.memory_space<hbm>>
        %dma_wait3A_473 = tpu.memref_slice %arg8[%dma_wait3A_464] : memref<4x!tpu.dma_semaphore, #tpu.memory_space<semaphore_mem>> -> memref<1x!tpu.dma_semaphore, #tpu.memory_space<semaphore_mem>>
        %dma_wait3A_474 = tpu.memref_squeeze %dma_wait3A_473 : memref<1x!tpu.dma_semaphore, #tpu.memory_space<semaphore_mem>> -> memref<!tpu.dma_semaphore, #tpu.memory_space<semaphore_mem>>
        tpu.wait_indirect_dma semaphore(%dma_wait3A_474 : memref<!tpu.dma_semaphore, #tpu.memory_space<semaphore_mem>>) src(%dma_wait3A_472 : memref<1000000x64xf32, #tpu.memory_space<hbm>>) dst(%dma_wait3A_468 : memref<128x64xf32, #tpu.memory_space<vmem>>)
        %dma_wait3A_475 = arith.constant 3 : i32
        %dma_wait3A_476 = arith.constant 3 : i32
        %dma_wait3A_477 = arith.constant 128 : i32
        %dma_wait3A_478 = arith.constant 0 : i32
        %dma_wait3A_479 = tpu.memref_slice %arg6[%dma_wait3A_475, %dma_wait3A_477, %dma_wait3A_478] : memref<4x200x64xf32, #tpu.memory_space<vmem>> -> memref<1x72x64xf32, #tpu.memory_space<vmem>>
        %dma_wait3A_480 = tpu.memref_squeeze %dma_wait3A_479 : memref<1x72x64xf32, #tpu.memory_space<vmem>> -> memref<72x64xf32, #tpu.memory_space<vmem>>
        %dma_wait3A_481 = tpu.memref_slice %arg5[%add3A_462] : memref<25600xi32, #tpu.memory_space<vmem>> -> memref<72xi32, #tpu.memory_space<vmem>>
        %dma_wait3A_482 = arith.constant 0 : i32
        %dma_wait3A_483 = arith.constant 0 : i32
        %dma_wait3A_484 = tpu.memref_slice %arg3[%dma_wait3A_482, %dma_wait3A_483] : memref<1000000x64xf32, #tpu.memory_space<hbm>> -> memref<1000000x64xf32, #tpu.memory_space<hbm>>
        %dma_wait3A_485 = tpu.memref_slice %arg8[%dma_wait3A_476] : memref<4x!tpu.dma_semaphore, #tpu.memory_space<semaphore_mem>> -> memref<1x!tpu.dma_semaphore, #tpu.memory_space<semaphore_mem>>
        %dma_wait3A_486 = tpu.memref_squeeze %dma_wait3A_485 : memref<1x!tpu.dma_semaphore, #tpu.memory_space<semaphore_mem>> -> memref<!tpu.dma_semaphore, #tpu.memory_space<semaphore_mem>>
        tpu.wait_indirect_dma semaphore(%dma_wait3A_486 : memref<!tpu.dma_semaphore, #tpu.memory_space<semaphore_mem>>) src(%dma_wait3A_484 : memref<1000000x64xf32, #tpu.memory_space<hbm>>) dst(%dma_wait3A_480 : memref<72x64xf32, #tpu.memory_space<vmem>>)
        %broadcast_in_dim3A_487 = arith.constant 0.000000e+00 : f32
        %broadcast_in_dim3A_488 = vector.broadcast %broadcast_in_dim3A_487 : f32 to vector<16xf32>
        %scan3A_489 = arith.constant 0 : i32
        %scan3A_490 = arith.constant 50 : i32
        %scan3A_491 = arith.addi %scan3A_489, %scan3A_490 : i32
        %scan3A_492 = arith.constant 1 : i32
        %scan3A_493:4 = scf.for %scan3A_533 = %scan3A_489 to %scan3A_491 step %scan3A_492 iter_args(%scan3A_534 = %broadcast_in_dim3A_488, %scan3A_535 = %broadcast_in_dim3A_488, %scan3A_536 = %broadcast_in_dim3A_488, %scan3A_537 = %broadcast_in_dim3A_488) -> (vector<16xf32>, vector<16xf32>, vector<16xf32>, vector<16xf32>)  : i32 {
          %mul3A_538 = arith.constant 4 : i32
          %mul3A_539 = arith.muli %scan3A_533, %mul3A_538 : i32
          %add3A_540 = arith.constant 0 : i32
          %add3A_541 = arith.addi %mul3A_539, %add3A_540 : i32
          %get3A = arith.constant 3 : i32
          %get3A_542 = arith.index_cast %get3A : i32 to index
          %get3A_543 = arith.index_cast %add3A_541 : i32 to index
          %get3A_544 = arith.constant 0 : index
          %get3A_545 = tpu.vector_load %arg6[%get3A_542, %get3A_543, %get3A_544] {strides = array<i32>} : memref<4x200x64xf32, #tpu.memory_space<vmem>>, vector<1x1x16xf32>,
          %get3A_546 = vector.shape_cast %get3A_545 : vector<1x1x16xf32> to vector<16xf32>
          %add3A_547 = arith.addf %scan3A_534, %get3A_546 : vector<16xf32>
          %get3A_548 = arith.constant 3 : i32
          %get3A_549 = arith.index_cast %get3A_548 : i32 to index
          %get3A_550 = arith.index_cast %add3A_541 : i32 to index
          %get3A_551 = arith.constant 16 : index
          %get3A_552 = tpu.vector_load %arg6[%get3A_549, %get3A_550, %get3A_551] {strides = array<i32>} : memref<4x200x64xf32, #tpu.memory_space<vmem>>, vector<1x1x16xf32>,
          %get3A_553 = vector.shape_cast %get3A_552 : vector<1x1x16xf32> to vector<16xf32>
          %add3A_554 = arith.addf %scan3A_535, %get3A_553 : vector<16xf32>
          %get3A_555 = arith.constant 3 : i32
          %get3A_556 = arith.index_cast %get3A_555 : i32 to index
          %get3A_557 = arith.index_cast %add3A_541 : i32 to index
          %get3A_558 = arith.constant 32 : index
          %get3A_559 = tpu.vector_load %arg6[%get3A_556, %get3A_557, %get3A_558] {strides = array<i32>} : memref<4x200x64xf32, #tpu.memory_space<vmem>>, vector<1x1x16xf32>,
          %get3A_560 = vector.shape_cast %get3A_559 : vector<1x1x16xf32> to vector<16xf32>
          %add3A_561 = arith.addf %scan3A_536, %get3A_560 : vector<16xf32>
          %get3A_562 = arith.constant 3 : i32
          %get3A_563 = arith.index_cast %get3A_562 : i32 to index
          %get3A_564 = arith.index_cast %add3A_541 : i32 to index
          %get3A_565 = arith.constant 48 : index
          %get3A_566 = tpu.vector_load %arg6[%get3A_563, %get3A_564, %get3A_565] {strides = array<i32>} : memref<4x200x64xf32, #tpu.memory_space<vmem>>, vector<1x1x16xf32>,
          %get3A_567 = vector.shape_cast %get3A_566 : vector<1x1x16xf32> to vector<16xf32>
          %add3A_568 = arith.addf %scan3A_537, %get3A_567 : vector<16xf32>
          %mul3A_569 = arith.constant 4 : i32
          %mul3A_570 = arith.muli %scan3A_533, %mul3A_569 : i32
          %add3A_571 = arith.constant 1 : i32
          %add3A_572 = arith.addi %mul3A_570, %add3A_571 : i32
          %get3A_573 = arith.constant 3 : i32
          %get3A_574 = arith.index_cast %get3A_573 : i32 to index
          %get3A_575 = arith.index_cast %add3A_572 : i32 to index
          %get3A_576 = arith.constant 0 : index
          %get3A_577 = tpu.vector_load %arg6[%get3A_574, %get3A_575, %get3A_576] {strides = array<i32>} : memref<4x200x64xf32, #tpu.memory_space<vmem>>, vector<1x1x16xf32>,
          %get3A_578 = vector.shape_cast %get3A_577 : vector<1x1x16xf32> to vector<16xf32>
          %add3A_579 = arith.addf %add3A_547, %get3A_578 : vector<16xf32>
          %get3A_580 = arith.constant 3 : i32
          %get3A_581 = arith.index_cast %get3A_580 : i32 to index
          %get3A_582 = arith.index_cast %add3A_572 : i32 to index
          %get3A_583 = arith.constant 16 : index
          %get3A_584 = tpu.vector_load %arg6[%get3A_581, %get3A_582, %get3A_583] {strides = array<i32>} : memref<4x200x64xf32, #tpu.memory_space<vmem>>, vector<1x1x16xf32>,
          %get3A_585 = vector.shape_cast %get3A_584 : vector<1x1x16xf32> to vector<16xf32>
          %add3A_586 = arith.addf %add3A_554, %get3A_585 : vector<16xf32>
          %get3A_587 = arith.constant 3 : i32
          %get3A_588 = arith.index_cast %get3A_587 : i32 to index
          %get3A_589 = arith.index_cast %add3A_572 : i32 to index
          %get3A_590 = arith.constant 32 : index
          %get3A_591 = tpu.vector_load %arg6[%get3A_588, %get3A_589, %get3A_590] {strides = array<i32>} : memref<4x200x64xf32, #tpu.memory_space<vmem>>, vector<1x1x16xf32>,
          %get3A_592 = vector.shape_cast %get3A_591 : vector<1x1x16xf32> to vector<16xf32>
          %add3A_593 = arith.addf %add3A_561, %get3A_592 : vector<16xf32>
          %get3A_594 = arith.constant 3 : i32
          %get3A_595 = arith.index_cast %get3A_594 : i32 to index
          %get3A_596 = arith.index_cast %add3A_572 : i32 to index
          %get3A_597 = arith.constant 48 : index
          %get3A_598 = tpu.vector_load %arg6[%get3A_595, %get3A_596, %get3A_597] {strides = array<i32>} : memref<4x200x64xf32, #tpu.memory_space<vmem>>, vector<1x1x16xf32>,
          %get3A_599 = vector.shape_cast %get3A_598 : vector<1x1x16xf32> to vector<16xf32>
          %add3A_600 = arith.addf %add3A_568, %get3A_599 : vector<16xf32>
          %mul3A_601 = arith.constant 4 : i32
          %mul3A_602 = arith.muli %scan3A_533, %mul3A_601 : i32
          %add3A_603 = arith.constant 2 : i32
          %add3A_604 = arith.addi %mul3A_602, %add3A_603 : i32
          %get3A_605 = arith.constant 3 : i32
          %get3A_606 = arith.index_cast %get3A_605 : i32 to index
          %get3A_607 = arith.index_cast %add3A_604 : i32 to index
          %get3A_608 = arith.constant 0 : index
          %get3A_609 = tpu.vector_load %arg6[%get3A_606, %get3A_607, %get3A_608] {strides = array<i32>} : memref<4x200x64xf32, #tpu.memory_space<vmem>>, vector<1x1x16xf32>,
          %get3A_610 = vector.shape_cast %get3A_609 : vector<1x1x16xf32> to vector<16xf32>
          %add3A_611 = arith.addf %add3A_579, %get3A_610 : vector<16xf32>
          %get3A_612 = arith.constant 3 : i32
          %get3A_613 = arith.index_cast %get3A_612 : i32 to index
          %get3A_614 = arith.index_cast %add3A_604 : i32 to index
          %get3A_615 = arith.constant 16 : index
          %get3A_616 = tpu.vector_load %arg6[%get3A_613, %get3A_614, %get3A_615] {strides = array<i32>} : memref<4x200x64xf32, #tpu.memory_space<vmem>>, vector<1x1x16xf32>,
          %get3A_617 = vector.shape_cast %get3A_616 : vector<1x1x16xf32> to vector<16xf32>
          %add3A_618 = arith.addf %add3A_586, %get3A_617 : vector<16xf32>
          %get3A_619 = arith.constant 3 : i32
          %get3A_620 = arith.index_cast %get3A_619 : i32 to index
          %get3A_621 = arith.index_cast %add3A_604 : i32 to index
          %get3A_622 = arith.constant 32 : index
          %get3A_623 = tpu.vector_load %arg6[%get3A_620, %get3A_621, %get3A_622] {strides = array<i32>} : memref<4x200x64xf32, #tpu.memory_space<vmem>>, vector<1x1x16xf32>,
          %get3A_624 = vector.shape_cast %get3A_623 : vector<1x1x16xf32> to vector<16xf32>
          %add3A_625 = arith.addf %add3A_593, %get3A_624 : vector<16xf32>
          %get3A_626 = arith.constant 3 : i32
          %get3A_627 = arith.index_cast %get3A_626 : i32 to index
          %get3A_628 = arith.index_cast %add3A_604 : i32 to index
          %get3A_629 = arith.constant 48 : index
          %get3A_630 = tpu.vector_load %arg6[%get3A_627, %get3A_628, %get3A_629] {strides = array<i32>} : memref<4x200x64xf32, #tpu.memory_space<vmem>>, vector<1x1x16xf32>,
          %get3A_631 = vector.shape_cast %get3A_630 : vector<1x1x16xf32> to vector<16xf32>
          %add3A_632 = arith.addf %add3A_600, %get3A_631 : vector<16xf32>
          %mul3A_633 = arith.constant 4 : i32
          %mul3A_634 = arith.muli %scan3A_533, %mul3A_633 : i32
          %add3A_635 = arith.constant 3 : i32
          %add3A_636 = arith.addi %mul3A_634, %add3A_635 : i32
          %get3A_637 = arith.constant 3 : i32
          %get3A_638 = arith.index_cast %get3A_637 : i32 to index
          %get3A_639 = arith.index_cast %add3A_636 : i32 to index
          %get3A_640 = arith.constant 0 : index
          %get3A_641 = tpu.vector_load %arg6[%get3A_638, %get3A_639, %get3A_640] {strides = array<i32>} : memref<4x200x64xf32, #tpu.memory_space<vmem>>, vector<1x1x16xf32>,
          %get3A_642 = vector.shape_cast %get3A_641 : vector<1x1x16xf32> to vector<16xf32>
          %add3A_643 = arith.addf %add3A_611, %get3A_642 : vector<16xf32>
          %get3A_644 = arith.constant 3 : i32
          %get3A_645 = arith.index_cast %get3A_644 : i32 to index
          %get3A_646 = arith.index_cast %add3A_636 : i32 to index
          %get3A_647 = arith.constant 16 : index
          %get3A_648 = tpu.vector_load %arg6[%get3A_645, %get3A_646, %get3A_647] {strides = array<i32>} : memref<4x200x64xf32, #tpu.memory_space<vmem>>, vector<1x1x16xf32>,
          %get3A_649 = vector.shape_cast %get3A_648 : vector<1x1x16xf32> to vector<16xf32>
          %add3A_650 = arith.addf %add3A_618, %get3A_649 : vector<16xf32>
          %get3A_651 = arith.constant 3 : i32
          %get3A_652 = arith.index_cast %get3A_651 : i32 to index
          %get3A_653 = arith.index_cast %add3A_636 : i32 to index
          %get3A_654 = arith.constant 32 : index
          %get3A_655 = tpu.vector_load %arg6[%get3A_652, %get3A_653, %get3A_654] {strides = array<i32>} : memref<4x200x64xf32, #tpu.memory_space<vmem>>, vector<1x1x16xf32>,
          %get3A_656 = vector.shape_cast %get3A_655 : vector<1x1x16xf32> to vector<16xf32>
          %add3A_657 = arith.addf %add3A_625, %get3A_656 : vector<16xf32>
          %get3A_658 = arith.constant 3 : i32
          %get3A_659 = arith.index_cast %get3A_658 : i32 to index
          %get3A_660 = arith.index_cast %add3A_636 : i32 to index
          %get3A_661 = arith.constant 48 : index
          %get3A_662 = tpu.vector_load %arg6[%get3A_659, %get3A_660, %get3A_661] {strides = array<i32>} : memref<4x200x64xf32, #tpu.memory_space<vmem>>, vector<1x1x16xf32>,
          %get3A_663 = vector.shape_cast %get3A_662 : vector<1x1x16xf32> to vector<16xf32>
          %add3A_664 = arith.addf %add3A_632, %get3A_663 : vector<16xf32>
          scf.yield %add3A_643, %add3A_650, %add3A_657, %add3A_664 : vector<16xf32>, vector<16xf32>, vector<16xf32>, vector<16xf32>
        }
        %scan3A_494 = arith.constant 50 : i32
        %shift_right_arithmetic3A_495 = arith.constant 1 : i32
        %shift_right_arithmetic3A_496 = arith.shrsi %add3A_456, %shift_right_arithmetic3A_495 : i32
        %mul3A_497 = vector.broadcast %scan3A : f32 to vector<16xf32>
        %mul3A_498 = arith.mulf %scan3A_493#0, %mul3A_497 : vector<16xf32>
        %swap3A_499 = arith.index_cast %shift_right_arithmetic3A_496 : i32 to index
        %swap3A_500 = arith.constant 64 : index
        %swap3A_501 = tpu.vector_load %arg7[%swap3A_499, %swap3A_500] {strides = array<i32>} : memref<256x128xf32, #tpu.memory_space<vmem>>, vector<1x16xf32>,
        %swap3A_502 = vector.shape_cast %swap3A_501 : vector<1x16xf32> to vector<16xf32>
        %swap3A_503 = vector.shape_cast %mul3A_498 : vector<16xf32> to vector<1x16xf32>
        tpu.vector_store %arg7[%swap3A_499, %swap3A_500], %swap3A_503 {strides = array<i32>} : memref<256x128xf32, #tpu.memory_space<vmem>>, vector<1x16xf32>,
        %mul3A_504 = vector.broadcast %scan3A : f32 to vector<16xf32>
        %mul3A_505 = arith.mulf %scan3A_493#1, %mul3A_504 : vector<16xf32>
        %swap3A_506 = arith.index_cast %shift_right_arithmetic3A_496 : i32 to index
        %swap3A_507 = arith.constant 80 : index
        %swap3A_508 = tpu.vector_load %arg7[%swap3A_506, %swap3A_507] {strides = array<i32>} : memref<256x128xf32, #tpu.memory_space<vmem>>, vector<1x16xf32>,
        %swap3A_509 = vector.shape_cast %swap3A_508 : vector<1x16xf32> to vector<16xf32>
        %swap3A_510 = vector.shape_cast %mul3A_505 : vector<16xf32> to vector<1x16xf32>
        tpu.vector_store %arg7[%swap3A_506, %swap3A_507], %swap3A_510 {strides = array<i32>} : memref<256x128xf32, #tpu.memory_space<vmem>>, vector<1x16xf32>,
        %mul3A_511 = vector.broadcast %scan3A : f32 to vector<16xf32>
        %mul3A_512 = arith.mulf %scan3A_493#2, %mul3A_511 : vector<16xf32>
        %swap3A_513 = arith.index_cast %shift_right_arithmetic3A_496 : i32 to index
        %swap3A_514 = arith.constant 96 : index
        %swap3A_515 = tpu.vector_load %arg7[%swap3A_513, %swap3A_514] {strides = array<i32>} : memref<256x128xf32, #tpu.memory_space<vmem>>, vector<1x16xf32>,
        %swap3A_516 = vector.shape_cast %swap3A_515 : vector<1x16xf32> to vector<16xf32>
        %swap3A_517 = vector.shape_cast %mul3A_512 : vector<16xf32> to vector<1x16xf32>
        tpu.vector_store %arg7[%swap3A_513, %swap3A_514], %swap3A_517 {strides = array<i32>} : memref<256x128xf32, #tpu.memory_space<vmem>>, vector<1x16xf32>,
        %mul3A_518 = vector.broadcast %scan3A : f32 to vector<16xf32>
        %mul3A_519 = arith.mulf %scan3A_493#3, %mul3A_518 : vector<16xf32>
        %swap3A_520 = arith.index_cast %shift_right_arithmetic3A_496 : i32 to index
        %swap3A_521 = arith.constant 112 : index
        %swap3A_522 = tpu.vector_load %arg7[%swap3A_520, %swap3A_521] {strides = array<i32>} : memref<256x128xf32, #tpu.memory_space<vmem>>, vector<1x16xf32>,
        %swap3A_523 = vector.shape_cast %swap3A_522 : vector<1x16xf32> to vector<16xf32>
        %swap3A_524 = vector.shape_cast %mul3A_519 : vector<16xf32> to vector<1x16xf32>
        tpu.vector_store %arg7[%swap3A_520, %swap3A_521], %swap3A_524 {strides = array<i32>} : memref<256x128xf32, #tpu.memory_space<vmem>>, vector<1x16xf32>,
        %add3A_525 = arith.constant 4 : i32
        %add3A_526 = arith.addi %add3A_456, %add3A_525 : i32
        %lt3A_527 = arith.constant 512 : i32
        %lt3A_528 = arith.cmpi slt, %add3A_526, %lt3A_527 : i32
        %convert_element_type3A_529 = arith.extui %lt3A_528 : i1 to i32
        %cond3A_530 = arith.constant 0 : i32
        %cond3A_531 = arith.cmpi ne, %convert_element_type3A_529, %cond3A_530 : i32
        scf.if %cond3A_531 {
          %add3A_533 = arith.constant 4 : i32
          %add3A_534 = arith.addi %add3A_456, %add3A_533 : i32
          %and3A_535 = arith.constant 127 : i32
          %and3A_536 = arith.andi %add3A_534, %and3A_535 : i32
          %mul3A_537 = arith.constant 200 : i32
          %mul3A_538 = arith.muli %and3A_536, %mul3A_537 : i32
          %add3A_539 = arith.constant 128 : i32
          %add3A_540 = arith.addi %mul3A_538, %add3A_539 : i32
          %dma_start3A_541 = arith.constant 3 : i32
          %dma_start3A_542 = arith.constant 3 : i32
          %dma_start3A_543 = arith.constant 0 : i32
          %dma_start3A_544 = arith.constant 0 : i32
          %dma_start3A_545 = tpu.memref_slice %arg6[%dma_start3A_541, %dma_start3A_543, %dma_start3A_544] : memref<4x200x64xf32, #tpu.memory_space<vmem>> -> memref<1x128x64xf32, #tpu.memory_space<vmem>>
          %dma_start3A_546 = tpu.memref_squeeze %dma_start3A_545 : memref<1x128x64xf32, #tpu.memory_space<vmem>> -> memref<128x64xf32, #tpu.memory_space<vmem>>
          %dma_start3A_547 = tpu.memref_slice %arg5[%mul3A_538] : memref<25600xi32, #tpu.memory_space<vmem>> -> memref<128xi32, #tpu.memory_space<vmem>>
          %dma_start3A_548 = arith.constant 0 : i32
          %dma_start3A_549 = arith.constant 0 : i32
          %dma_start3A_550 = tpu.memref_slice %arg3[%dma_start3A_548, %dma_start3A_549] : memref<1000000x64xf32, #tpu.memory_space<hbm>> -> memref<1000000x64xf32, #tpu.memory_space<hbm>>
          %dma_start3A_551 = tpu.memref_slice %arg8[%dma_start3A_542] : memref<4x!tpu.dma_semaphore, #tpu.memory_space<semaphore_mem>> -> memref<1x!tpu.dma_semaphore, #tpu.memory_space<semaphore_mem>>
          %dma_start3A_552 = tpu.memref_squeeze %dma_start3A_551 : memref<1x!tpu.dma_semaphore, #tpu.memory_space<semaphore_mem>> -> memref<!tpu.dma_semaphore, #tpu.memory_space<semaphore_mem>>
          tpu.enqueue_indirect_dma source(%dma_start3A_550 : memref<1000000x64xf32, #tpu.memory_space<hbm>>) target(%dma_start3A_546 : memref<128x64xf32, #tpu.memory_space<vmem>>) offsets(%dma_start3A_547 : memref<128xi32, #tpu.memory_space<vmem>>) semaphore(%dma_start3A_552 : memref<!tpu.dma_semaphore, #tpu.memory_space<semaphore_mem>>)
          %dma_start3A_553 = arith.constant 3 : i32
          %dma_start3A_554 = arith.constant 3 : i32
          %dma_start3A_555 = arith.constant 128 : i32
          %dma_start3A_556 = arith.constant 0 : i32
          %dma_start3A_557 = tpu.memref_slice %arg6[%dma_start3A_553, %dma_start3A_555, %dma_start3A_556] : memref<4x200x64xf32, #tpu.memory_space<vmem>> -> memref<1x72x64xf32, #tpu.memory_space<vmem>>
          %dma_start3A_558 = tpu.memref_squeeze %dma_start3A_557 : memref<1x72x64xf32, #tpu.memory_space<vmem>> -> memref<72x64xf32, #tpu.memory_space<vmem>>
          %dma_start3A_559 = tpu.memref_slice %arg5[%add3A_540] : memref<25600xi32, #tpu.memory_space<vmem>> -> memref<72xi32, #tpu.memory_space<vmem>>
          %dma_start3A_560 = arith.constant 0 : i32
          %dma_start3A_561 = arith.constant 0 : i32
          %dma_start3A_562 = tpu.memref_slice %arg3[%dma_start3A_560, %dma_start3A_561] : memref<1000000x64xf32, #tpu.memory_space<hbm>> -> memref<1000000x64xf32, #tpu.memory_space<hbm>>
          %dma_start3A_563 = tpu.memref_slice %arg8[%dma_start3A_554] : memref<4x!tpu.dma_semaphore, #tpu.memory_space<semaphore_mem>> -> memref<1x!tpu.dma_semaphore, #tpu.memory_space<semaphore_mem>>
          %dma_start3A_564 = tpu.memref_squeeze %dma_start3A_563 : memref<1x!tpu.dma_semaphore, #tpu.memory_space<semaphore_mem>> -> memref<!tpu.dma_semaphore, #tpu.memory_space<semaphore_mem>>
          tpu.enqueue_indirect_dma source(%dma_start3A_562 : memref<1000000x64xf32, #tpu.memory_space<hbm>>) target(%dma_start3A_558 : memref<72x64xf32, #tpu.memory_space<vmem>>) offsets(%dma_start3A_559 : memref<72xi32, #tpu.memory_space<vmem>>) semaphore(%dma_start3A_564 : memref<!tpu.dma_semaphore, #tpu.memory_space<semaphore_mem>>)
        } else {
        }
        %scan3A_532 = arith.constant 0 : i32
        scf.yield %scan3A_532 : i32
      }
      %scan3A_194 = arith.constant 16 : i32
      %mul3A_195 = arith.constant 2 : i32
      %mul3A_196 = arith.muli %scan3A_163, %mul3A_195 : i32
      %add3A_197 = arith.constant 3 : i32
      %add3A_198 = arith.addi %mul3A_196, %add3A_197 : i32
      %lt3A_199 = arith.constant 8 : i32
      %lt3A_200 = arith.cmpi slt, %add3A_198, %lt3A_199 : i32
      %convert_element_type3A_201 = arith.extui %lt3A_200 : i1 to i32
      %cond3A_202 = arith.constant 0 : i32
      %cond3A_203 = arith.cmpi ne, %convert_element_type3A_201, %cond3A_202 : i32
      scf.if %cond3A_203 {
        %mul3A_205 = arith.constant 2 : i32
        %mul3A_206 = arith.muli %scan3A_163, %mul3A_205 : i32
        %add3A_207 = arith.constant 3 : i32
        %add3A_208 = arith.addi %mul3A_206, %add3A_207 : i32
        %mul3A_209 = arith.constant 12800 : i32
        %mul3A_210 = arith.muli %add3A_208, %mul3A_209 : i32
        %add3A_211 = arith.addi %mul3A_4, %mul3A_210 : i32
        %dma_start3A_212 = arith.constant 12800 : i32
        %dma_start3A_213 = tpu.memref_slice %arg5[%dma_start3A_212] : memref<25600xi32, #tpu.memory_space<vmem>> -> memref<12800xi32, #tpu.memory_space<vmem>>
        %dma_start3A_214 = tpu.memref_slice %arg2[%add3A_211] : memref<3276800xi32, #tpu.memory_space<hbm>> -> memref<12800xi32, #tpu.memory_space<hbm>>
        %dma_start3A_215 = arith.constant 12800 : i32
        %dma_start3A_216 = tpu.memref_slice %arg5[%dma_start3A_215] : memref<25600xi32, #tpu.memory_space<vmem>> -> memref<12800xi32, #tpu.memory_space<vmem>>
        %dma_start3A_217 = tpu.memref_slice %arg2[%add3A_211] : memref<3276800xi32, #tpu.memory_space<hbm>> -> memref<12800xi32, #tpu.memory_space<hbm>>
        tpu.enqueue_dma source(%dma_start3A_217 : memref<12800xi32, #tpu.memory_space<hbm>>) target(%dma_start3A_216 : memref<12800xi32, #tpu.memory_space<vmem>>) target_semaphore(%arg10 : memref<!tpu.dma_semaphore, #tpu.memory_space<semaphore_mem>>)
      } else {
      }
      %scan3A_204 = arith.constant 0 : i32
      scf.yield %scan3A_204 : i32
    }
    %scan3A_160 = arith.constant 4 : i32
    %mul3A_161 = arith.constant 256 : i32
    %mul3A_162 = arith.muli %add3A, %mul3A_161 : i32
    "tpu.region"() ({
      %run_scoped3A = tpu.sem_alloc : memref<!tpu.dma_semaphore, #tpu.memory_space<semaphore_mem>>
      %dma_start3A_163 = arith.constant 0 : i32
      %dma_start3A_164 = tpu.memref_slice %arg4[%mul3A_162, %dma_start3A_163] : memref<8192x128xf32, #tpu.memory_space<hbm>> -> memref<256x128xf32, #tpu.memory_space<hbm>>
      %dma_start3A_165 = arith.constant 0 : i32
      %dma_start3A_166 = tpu.memref_slice %arg4[%mul3A_162, %dma_start3A_165] : memref<8192x128xf32, #tpu.memory_space<hbm>> -> memref<256x128xf32, #tpu.memory_space<hbm>>
      tpu.enqueue_dma source(%arg7 : memref<256x128xf32, #tpu.memory_space<vmem>>) target(%dma_start3A_166 : memref<256x128xf32, #tpu.memory_space<hbm>>) target_semaphore(%run_scoped3A : memref<!tpu.dma_semaphore, #tpu.memory_space<semaphore_mem>>)
      %dma_wait3A_167 = arith.constant 0 : i32
      %dma_wait3A_168 = tpu.memref_slice %arg4[%mul3A_162, %dma_wait3A_167] : memref<8192x128xf32, #tpu.memory_space<hbm>> -> memref<256x128xf32, #tpu.memory_space<hbm>>
      %dma_wait3A_169 = arith.constant 0 : i32
      %dma_wait3A_170 = tpu.memref_slice %arg4[%mul3A_162, %dma_wait3A_169] : memref<8192x128xf32, #tpu.memory_space<hbm>> -> memref<256x128xf32, #tpu.memory_space<hbm>>
      tpu.wait_dma2 semaphore(%run_scoped3A : memref<!tpu.dma_semaphore, #tpu.memory_space<semaphore_mem>>) src(%arg7 : memref<256x128xf32, #tpu.memory_space<vmem>>) dst(%dma_wait3A_170 : memref<256x128xf32, #tpu.memory_space<hbm>>)
      tpu.yield
    }) : () -> ()
    return
  }
}

module attributes {stable_mosaic.version = 14 : i64} {
  func.func @_dense_body(%arg0: i32, %arg1: memref<1024x64xf32, #tpu.memory_space<vmem>>, %arg2: memref<64x64xf32, #tpu.memory_space<vmem>>, %arg3: memref<1x64xf32, #tpu.memory_space<vmem>>, %arg4: memref<1x64xf32, #tpu.memory_space<vmem>>, %arg5: memref<1x64xf32, #tpu.memory_space<vmem>>, %arg6: memref<1024x64xf32, #tpu.memory_space<vmem>>) attributes {dimension_semantics = [#tpu.dimension_semantics<arbitrary>], iteration_bounds = array<i64: 16>, scalar_prefetch = 0 : i64, scratch_operands = 0 : i64, tpu.core_type = #tpu.core_type<tc>, window_params = [{transform_indices = @transform_0, window_bounds = array<i64: 1024, 64>}, {pipeline_mode = #tpu.pipeline_mode<synchronous>, transform_indices = @transform_1, window_bounds = array<i64: 64, 64>}, {pipeline_mode = #tpu.pipeline_mode<synchronous>, transform_indices = @transform_2, window_bounds = array<i64: 1, 64>}, {pipeline_mode = #tpu.pipeline_mode<synchronous>, transform_indices = @transform_3, window_bounds = array<i64: 1, 64>}, {pipeline_mode = #tpu.pipeline_mode<synchronous>, transform_indices = @transform_4, window_bounds = array<i64: 1, 64>}, {transform_indices = @transform_5, window_bounds = array<i64: 1024, 64>}]} {
    %get3A = arith.constant 0 : index
    %get3A_0 = arith.constant 0 : index
    %get3A_1 = vector.load %arg1[%get3A, %get3A_0] : memref<1024x64xf32, #tpu.memory_space<vmem>>, vector<1024x64xf32>
    %get3A_2 = arith.constant 0 : index
    %get3A_3 = arith.constant 0 : index
    %get3A_4 = vector.load %arg2[%get3A_2, %get3A_3] : memref<64x64xf32, #tpu.memory_space<vmem>>, vector<64x64xf32>
    %dot_general3A = arith.constant dense<0.000000e+00> : vector<1024x64xf32>
    %dot_general3A_5 = tpu.matmul %get3A_1, %get3A_4, %dot_general3A {dimension_numbers = #tpu.dot_dimension_numbers<[1], [1], [0], [0], [0, 0, 1, 0], [], []>, transpose_lhs_hint = false} : vector<1024x64xf32>, vector<64x64xf32>, vector<1024x64xf32> -> vector<1024x64xf32>
    %get3A_6 = arith.constant 0 : index
    %get3A_7 = arith.constant 0 : index
    %get3A_8 = vector.load %arg3[%get3A_6, %get3A_7] : memref<1x64xf32, #tpu.memory_space<vmem>>, vector<1x64xf32>
    %add3A = vector.broadcast %get3A_8 : vector<1x64xf32> to vector<1024x64xf32>
    %add3A_9 = arith.addf %dot_general3A_5, %add3A : vector<1024x64xf32>
    %reduce_sum3A = arith.constant dense<0.000000e+00> : vector<1024xf32>
    %reduce_sum3A_10 = vector.multi_reduction <add>, %add3A_9, %reduce_sum3A [1] : vector<1024x64xf32> to vector<1024xf32>
    %broadcast_in_dim3A = vector.shape_cast %reduce_sum3A_10 : vector<1024xf32> to vector<1024x1xf32>
    %div3A = arith.constant 6.400000e+01 : f32
    %div3A_11 = vector.broadcast %div3A : f32 to vector<1024x1xf32>
    %div3A_12 = arith.divf %broadcast_in_dim3A, %div3A_11 : vector<1024x1xf32>
    %sub3A = vector.broadcast %div3A_12 : vector<1024x1xf32> to vector<1024x64xf32>
    %sub3A_13 = arith.subf %add3A_9, %sub3A : vector<1024x64xf32>
    %mul3A = arith.mulf %sub3A_13, %sub3A_13 : vector<1024x64xf32>
    %reduce_sum3A_14 = arith.constant dense<0.000000e+00> : vector<1024xf32>
    %reduce_sum3A_15 = vector.multi_reduction <add>, %mul3A, %reduce_sum3A_14 [1] : vector<1024x64xf32> to vector<1024xf32>
    %broadcast_in_dim3A_16 = vector.shape_cast %reduce_sum3A_15 : vector<1024xf32> to vector<1024x1xf32>
    %div3A_17 = arith.constant 6.400000e+01 : f32
    %div3A_18 = vector.broadcast %div3A_17 : f32 to vector<1024x1xf32>
    %div3A_19 = arith.divf %broadcast_in_dim3A_16, %div3A_18 : vector<1024x1xf32>
    %add3A_20 = arith.constant 9.99999974E-6 : f32
    %add3A_21 = vector.broadcast %add3A_20 : f32 to vector<1024x1xf32>
    %add3A_22 = arith.addf %div3A_19, %add3A_21 : vector<1024x1xf32>
    %rsqrt3A = math.rsqrt %add3A_22 : vector<1024x1xf32>
    %mul3A_23 = vector.broadcast %rsqrt3A : vector<1024x1xf32> to vector<1024x64xf32>
    %mul3A_24 = arith.mulf %sub3A_13, %mul3A_23 : vector<1024x64xf32>
    %get3A_25 = arith.constant 0 : index
    %get3A_26 = arith.constant 0 : index
    %get3A_27 = vector.load %arg4[%get3A_25, %get3A_26] : memref<1x64xf32, #tpu.memory_space<vmem>>, vector<1x64xf32>
    %mul3A_28 = vector.broadcast %get3A_27 : vector<1x64xf32> to vector<1024x64xf32>
    %mul3A_29 = arith.mulf %mul3A_24, %mul3A_28 : vector<1024x64xf32>
    %get3A_30 = arith.constant 0 : index
    %get3A_31 = arith.constant 0 : index
    %get3A_32 = vector.load %arg5[%get3A_30, %get3A_31] : memref<1x64xf32, #tpu.memory_space<vmem>>, vector<1x64xf32>
    %add3A_33 = vector.broadcast %get3A_32 : vector<1x64xf32> to vector<1024x64xf32>
    %add3A_34 = arith.addf %mul3A_29, %add3A_33 : vector<1024x64xf32>
    %mul3A_35 = arith.constant 5.000000e-01 : f32
    %mul3A_36 = vector.broadcast %mul3A_35 : f32 to vector<1024x64xf32>
    %mul3A_37 = arith.mulf %mul3A_36, %add3A_34 : vector<1024x64xf32>
    %mul3A_38 = arith.constant 0.707106769 : f32
    %mul3A_39 = vector.broadcast %mul3A_38 : f32 to vector<1024x64xf32>
    %mul3A_40 = arith.mulf %add3A_34, %mul3A_39 : vector<1024x64xf32>
    %erf3A = math.erf %mul3A_40 : vector<1024x64xf32>
    %add3A_41 = arith.constant 1.000000e+00 : f32
    %add3A_42 = vector.broadcast %add3A_41 : f32 to vector<1024x64xf32>
    %add3A_43 = arith.addf %add3A_42, %erf3A : vector<1024x64xf32>
    %mul3A_44 = arith.mulf %mul3A_37, %add3A_43 : vector<1024x64xf32>
    %swap3A = arith.constant 0 : index
    %swap3A_45 = arith.constant 0 : index
    %swap3A_46 = vector.load %arg6[%swap3A, %swap3A_45] : memref<1024x64xf32, #tpu.memory_space<vmem>>, vector<1024x64xf32>
    tpu.vector_store %arg6[%swap3A, %swap3A_45], %mul3A_44 {strides = array<i32>} : memref<1024x64xf32, #tpu.memory_space<vmem>>, vector<1024x64xf32>,
    return
  }
  func.func @transform_0(%arg0: i32) -> (i32, i32) {
    %c0_i32 = arith.constant 0 : i32
    %c0_i32_0 = arith.constant 0 : i32
    return %arg0, %c0_i32 : i32, i32
  }
  func.func @transform_1(%arg0: i32) -> (i32, i32) {
    %c0_i32 = arith.constant 0 : i32
    %c0_i32_0 = arith.constant 0 : i32
    %c0_i32_1 = arith.constant 0 : i32
    return %c0_i32, %c0_i32_0 : i32, i32
  }
  func.func @transform_2(%arg0: i32) -> (i32, i32) {
    %c0_i32 = arith.constant 0 : i32
    %c0_i32_0 = arith.constant 0 : i32
    %c0_i32_1 = arith.constant 0 : i32
    return %c0_i32, %c0_i32_0 : i32, i32
  }
  func.func @transform_3(%arg0: i32) -> (i32, i32) {
    %c0_i32 = arith.constant 0 : i32
    %c0_i32_0 = arith.constant 0 : i32
    %c0_i32_1 = arith.constant 0 : i32
    return %c0_i32, %c0_i32_0 : i32, i32
  }
  func.func @transform_4(%arg0: i32) -> (i32, i32) {
    %c0_i32 = arith.constant 0 : i32
    %c0_i32_0 = arith.constant 0 : i32
    %c0_i32_1 = arith.constant 0 : i32
    return %c0_i32, %c0_i32_0 : i32, i32
  }
  func.func @transform_5(%arg0: i32) -> (i32, i32) {
    %c0_i32 = arith.constant 0 : i32
    %c0_i32_0 = arith.constant 0 : i32
    return %arg0, %c0_i32 : i32, i32
  }
}

</mosaic_0001>

<sc_bundles>
// kernel: kernel.4.cloned.1.call-start
scs
__scs_entry_jumppad:
0x0: {  	(pc) =	sbr.rel $0x88, $3  }
0x1: {  	(tag) =	ssettag $0x0;
	lr =	simm.s32 $0x1  }
0x2: {  	[smem:$0x3F9B] =	sst lr;
	_ =	strace $0xD0000000  }
0x3: {  	_ = 	snop  }
0x4: {  	_ = 	snop  }
0x5: {  	_ = 	snop  }
0x6: {  	_ = 	snop  }
0x7: {  	_ = 	snop  }
__scs_overlays_trampoline_lowered:
0x8: {  	[smem:$0x3FAA] =	sst s0  }
0x9: {  	[smem:$0x3FAB] =	sst s1  }
0xa: {  	[smem:$0x3FAC] =	sst s2  }
0xb: {  	[smem:$0x3FAD] =	sst s3  }
0xc: {  	[smem:$0x3FAE] =	sst s4  }
0xd: {  	[smem:$0x3FAF] =	sst s5  }
0xe: {  	[smem:$0x3FB0] =	sst s6  }
0xf: {  	[smem:$0x3FB1] =	sst s7  }
0x10: {  	[smem:$0x3FB2] =	sst s8  }
0x11: {  	[smem:$0x3FB3] =	sst s9;
	s0 =	simm.s32 @!p0 $0x0  }
0x12: {  	s1 =	sld [smem:$0x3F99];
	s0 =	simm.s32 @p0 $0x1  }
0x13: {  	[smem:$0x3FB4] =	sst s0;
	s0 =	simm.s32 @!p1 $0x0  }
0x14: {  	s2 =	sld [smem:$0x3F98];
	s0 =	simm.s32 @p1 $0x1  }
0x15: {  	[smem:$0x3FB5] =	sst s0;
	s0 =	simm.s32 @!p2 $0x0  }
0x16: {  	s3 =	sld [smem:$0x3FDB];
	s0 =	simm.s32 @p2 $0x1  }
0x17: {  	s4 =	simm.s32 $0x1BF5;
	[smem:$0x3FB7] =	sst s0  }
0x18: {  	s0 =	sld [smem:$0x3F9A];
	_ =	swait.ge [sflag:s4], $0x0  }
0x19: {  	s7 =	sld [smem:$0x3F9B]  }
0x1a: {  	s8 =	sadd.s32 $0xFFFFE003, lr  }
0x1b: {  	s9 =	sadd.s32 $0xFFFFFEF7, lr;
	s5 =	simm.s32 $0xFFFFFFFF;
	p2 =	slt.u32 s8, $0xFFFFF086  }
0x1c: {  	p1 =	slt.u32 s9, $0xF7A;
	s5 =	simm.s32 @!p2 $0x0  }
0x1d: {  	s5 =	simm.s32 @p1 $0x1;
	p0 =	seq.s32 s7, s2  }
0x1e: {  	s7 =	smul.u32 @!p0 $0xF7A, s2;
	p2 =	seq.s32 @!p0 s5, $0x0  }
0x1f: {  	s9 =	smul.u32 $0xF7A, s1;
	s8 =	simm.s32 @!p0 $0x1BF5;
	p2 =	por !p2, p0  }
0x20: {  	[sflag:s8] =	ssyncset.s32 @!p0 $0xFFFFF086;
	s6 =	sadd.s32 @!p0 s3, s7;
	s7 =	simm.s32 @!p0 $0x108  }
0x21: {  	s3 =	sadd.s32 s3, s9;
	s6 =	sadd.s32 @!p0 $0x88, s6;
	s7 =	simm.s32 @p2 $0x1082  }
0x22: {  	[simem:s7], [sflag:s8] =	dma.local @!p0 [hbm:s6], $0xF7A  }
0x23: {  	s9 =	sor.u32 $0xD0000000, s2;
	s6 =	simm.s32 $0x108;
	_ =	swait.ge @!p0 [sflag:s8], $0x0  }
0x24: {  	s3 =	sadd.s32 $0x88, s3;
	s6 =	simm.s32 @!p1 $0x1082;
	[sflag:s4] =	ssyncset.s32 $0xFFFFF086  }
0x25: {  	[simem:s6], [sflag:s4] =	dma.local [hbm:s3], $0xF7A  }
0x26: {  	[smem:$0x3F9B] =	sst s1;
	(tag) =	ssettag s2;
	_ =	strace s9  }
0x27: {  	s1 =	sld [smem:$0x3FAB]  }
0x28: {  	s2 =	sld [smem:$0x3FAC]  }
0x29: {  	s4 =	sld [smem:$0x3FAE]  }
0x2a: {  	p0 =	seq.s32 s5, $0x0;
	s5 =	sld [smem:$0x3FAF]  }
0x2b: {  	s6 =	sld [smem:$0x3FB0]  }
0x2c: {  	s7 =	sld [smem:$0x3FB1]  }
0x2d: {  	s3 =	simm.s32 $0x108;
	s8 =	sld [smem:$0x3FB2]  }
0x2e: {  	s3 =	simm.s32 @!p0 $0x1082;
	s9 =	sld [smem:$0x3FB3]  }
0x2f: {  	lr =	sadd.s32 s0, s3;
	s0 =	sld [smem:$0x3FAA]  }
0x30: {  	s3 =	sld [smem:$0x3FAD]  }
0x31: {  	[smem:$0x3FB6] =	sst s10  }
0x32: {  	s10 =	sld [smem:$0x3FB4];
	_ =	sdelay $0x3  }
0x33: {  	p0 =	seq.s32 s10, $0x1;
	s10 =	sld [smem:$0x3FB6];
	_ =	sdelay $0x3  }
0x34: {  	[smem:$0x3FB6] =	sst s10  }
0x35: {  	s10 =	sld [smem:$0x3FB5];
	_ =	sdelay $0x3  }
0x36: {  	p1 =	seq.s32 s10, $0x1;
	s10 =	sld [smem:$0x3FB6];
	_ =	sdelay $0x3  }
0x37: {  	[smem:$0x3FB6] =	sst s10  }
0x38: {  	s10 =	sld [smem:$0x3FB7]  }
0x39: {  	_ = 	snop;
	(pc) =	sbr.ind lr, $3  }
0x3a: {  	_ = 	snop  }
0x3b: {  	_ = 	snop  }
0x3c: {  	p2 =	seq.s32 s10, $0x1;
	s10 =	sld [smem:$0x3FB6]  }
0x3d: {  	_ =	shalt  }
0x3e: {  	_ =	shalt  }
0x3f: {  	_ =	shalt  }
0x40: {  	_ =	shalt  }
0x41: {  	_ =	shalt  }
0x42: {  	_ =	shalt  }
0x43: {  	_ =	shalt  }
0x44: {  	_ =	shalt  }
0x45: {  	_ =	shalt  }
0x46: {  	_ =	shalt  }
0x47: {  	_ =	shalt  }
0x48: {  	_ =	shalt  }
0x49: {  	_ =	shalt  }
0x4a: {  	_ =	shalt  }
0x4b: {  	_ =	shalt  }
0x4c: {  	_ =	shalt  }
0x4d: {  	_ =	shalt  }
0x4e: {  	_ =	shalt  }
0x4f: {  	_ =	shalt  }
0x50: {  	_ =	shalt  }
0x51: {  	_ =	shalt  }
0x52: {  	_ =	shalt  }
0x53: {  	_ =	shalt  }
0x54: {  	_ =	shalt  }
0x55: {  	_ =	shalt  }
0x56: {  	_ =	shalt  }
0x57: {  	_ =	shalt  }
0x58: {  	_ =	shalt  }
0x59: {  	_ =	shalt  }
0x5a: {  	_ =	shalt  }
0x5b: {  	_ =	shalt  }
0x5c: {  	_ =	shalt  }
0x5d: {  	_ =	shalt  }
0x5e: {  	_ =	shalt  }
0x5f: {  	_ =	shalt  }
0x60: {  	_ =	shalt  }
0x61: {  	_ =	shalt  }
0x62: {  	_ =	shalt  }
0x63: {  	_ =	shalt  }
0x64: {  	_ =	shalt  }
0x65: {  	_ =	shalt  }
0x66: {  	_ =	shalt  }
0x67: {  	_ =	shalt  }
0x68: {  	_ =	shalt  }
0x69: {  	_ =	shalt  }
0x6a: {  	_ =	shalt  }
0x6b: {  	_ =	shalt  }
0x6c: {  	_ =	shalt  }
0x6d: {  	_ =	shalt  }
0x6e: {  	_ =	shalt  }
0x6f: {  	_ =	shalt  }
0x70: {  	_ =	shalt  }
0x71: {  	_ =	shalt  }
0x72: {  	_ =	shalt  }
0x73: {  	_ =	shalt  }
0x74: {  	_ =	shalt  }
0x75: {  	_ =	shalt  }
0x76: {  	_ =	shalt  }
0x77: {  	_ =	shalt  }
0x78: {  	_ =	shalt  }
0x79: {  	_ =	shalt  }
0x7a: {  	_ =	shalt  }
0x7b: {  	_ =	shalt  }
0x7c: {  	_ =	shalt  }
0x7d: {  	_ =	shalt  }
0x7e: {  	_ =	shalt  }
0x7f: {  	_ =	shalt  }
0x80: {  	_ =	shalt  }
0x81: {  	_ =	shalt  }
0x82: {  	_ =	shalt  }
0x83: {  	_ =	shalt  }
0x84: {  	_ =	shalt  }
0x85: {  	_ =	shalt  }
0x86: {  	_ =	shalt  }
0x87: {  	_ =	shalt  }
.Lfunc_end0:
.L_simem_size_0:
called_computation_lowered:
.L_overlay_start_0:
0x88: {  	s2 =	sld [smem:$0x3FD9]  }
0x89: {  	s3 =	sld [smem:$0x3FFE];
	_ =	sdelay $0x1  }
0x8a: {  	s1 =	srdreg.scid  }
0x8b: {  	s0 =	sand.u32 $0x1, s1  }
0x8c: {  	s17 =	sshll.u32 s0, $0xA;
	s2 =	sadd.s32 s3, s2  }
0x8d: {  	s2 =	sadd.s32 s2, s17  }
0x8e: {  	[smem:$0x3FC2] =	sst s2  }
0x8f: {  	_ = 	snop  }
0x90: {  	s2 =	sld [smem:$0x3FD0];
	(tm) =	ssettm $0x1  }
0x91: {  	s18 =	sld [smem:$0x3FFB];
	_ =	sdelay $0x3  }
0x92: {  	_ =	strace s18  }
0x93: {  	s3 =	sld [smem:$0x3FFC];
	_ =	sdelay $0x3  }
0x94: {  	_ =	strace s3  }
0x95: {  	s3 =	sld [smem:$0x3FFD];
	_ =	sdelay $0x3  }
0x96: {  	_ =	strace s3  }
0x97: {  	_ =	strace $0x8FFFFFFF  }
0x98: {  	s19 =	sld [smem:$0x3FDB];
	_ =	sdelay $0x1  }
0x99: {  	s4 =	simm.s32 $_scs_section_size  }
0x9a: {  	s5 =	simm.s32 $_size__tile_overlayer_lowered;
	s6 =	simm.s32 $_tile_overlayer_lowered  }
0x9b: {  	s22 =	simm.s32 $0x1BFF;
	s21 =	sshll.u32 s6, $0x1;
	s3 =	sadd.s32 s4, s19  }
0x9c: {  	s7 =	simm.s32 $0x0;
	s20 =	sshll.u32 s5, $0x1;
	s5 =	sadd.s32 s21, s3  }
0x9d: {  	[timem:s7], [sflag:s22] =	dma.local [hbm:s5], s20  }
0x9e: {  	_ =	swait.ge [sflag:s22], s20  }
0x9f: {  	s4 =	ssub.s32 $0x0, s20;
	[sflag:s22] =	ssyncset.done $0x0  }
0xa0: {  	[sflag:s22] =	ssyncadd.s32 s4;
	_ =	sdelay $0x1  }
0xa1: {  	s23 =	simm.s32 $0x1B8B  }
0xa2: {  	_ =	swait.ge [sflag:s23], $0x1  }
0xa3: {  	[sflag:s23] =	ssyncset.done $0x0  }
0xa4: {  	s25 =	simm.s32 $0x1B8E;
	s24 =	sld [smem:$0x3FFE];
	[sflag:s23] =	ssyncadd.s32 $0xFFFFFFFF  }
0xa5: {  	s26 =	simm.s32 $execute0_lowered;
	[smem:$0x3FD2] =	sst s25  }
0xa6: {  	s5 =	sshll.u32 s26, $0x1;
	_ =	strace $0x80000046;
	[dreg:$0x1] =	wrdreg $0xFFFFFFFF  }
0xa7: {  	s28 =	simm.s32 $_size_execute0_lowered;
	s3 =	sadd.s32 s3, s5;
	[dreg:$0x0] =	wrdreg $0x0  }
0xa8: {  	s5 =	sshll.u32 s28, $0x1;
	[dreg:$0x2] =	wrdreg s3  }
0xa9: {  	[dreg:$0x3] =	wrdreg s5  }
0xaa: {  	[dreg:$0x4] =	wrdreg $0xC0  }
0xab: {  	_ =	task [dreg:s7], $0x5FFFF  }
0xac: {  	[dreg:$0x1] =	wrdreg $0xFFFFFFFF  }
0xad: {  	[dreg:$0x0] =	wrdreg $0x60  }
0xae: {  	[dreg:$0x2] =	wrdreg s24  }
0xaf: {  	[dreg:$0x3] =	wrdreg s2  }
0xb0: {  	[dreg:$0x4] =	wrdreg $0x9  }
0xb1: {  	_ =	task.clear_ibuf [dreg:s7], $0x5FFFF;
	_ =	strace $0x90000046  }
0xb2: {  	s29 =	simm.s32 $0x9;
	_ =	strace $0x80000048  }
0xb3: {  	_ =	swait.ge [sflag:s29], $0x1  }
0xb4: {  	[sflag:s29] =	ssyncadd.s32 $0xFFFFFFFF  }
0xb5: {  	_ =	strace $0x90000048  }
0xb6: {  	_ =	sfence  }
0xb7: {  	s30 =	sld [smem:$0x0];
	_ =	sdelay $0x2  }
0xb8: {  	s31 =	sshll.u32 s1, $0xD;
	s1 =	sshrl.u32 s1, $0x2  }
0xb9: {  	s3 =	sand.u32 $0x4000, s31;
	s1 =	sadd.s32 s1, s30  }
0xba: {  	s0 =	sor.u32 s3, s0;
	s1 =	sshll.u32 s1, $0x11  }
0xbb: {  	s0 =	sor.u32 s1, s0  }
0xbc: {  	s0 =	sadd.s32 $0x8F2B, s0  }
0xbd: {  	[sflag:s0] =	ssyncadd.remote.s32 $0x1  }
0xbe: {  	_ =	sfence.sel $0xFFFF  }
0xbf: {  	[dreg:$0x0] =	wrdreg $0xFFFFFFFF;
	(pc) =	sbr.abs _section_cstart, $3  }
0xc0: {  	[dreg:$0x1] =	wrdreg $0xFFFFFFFF  }
0xc1: {  	_ =	task.clear_ibuf [dreg:s7], $0x2FFFF;
	_ =	strace $0x9FFFFFFF  }
0xc2: {  	(tm) =	ssettm $0x7FFFFFFF  }
0xc3: {  	_ =	shalt  }
tec
execute0_lowered:
.L_overlay_start_1:
0x0: {  	(tag) =	ssettag $0x1  }
0x1: {  	s0 =	rddreg [dreg:$0x0];
	s1 =	srdreg.scid  }
0x2: {  	s2 =	stileid.u32;
	s5 =	rddreg [dreg:$0x1]  }
0x3: {  	s11 =	simm.s32 $0x3200;
	s14 =	simm.s32 $0x80;
	s15 =	simm.s32 $0x6400  }
0x4: {  	s16 =	simm.s32 $0x48;
	s17 =	simm.s32 $0x8400;
	s19 =	simm.s32 $0x9600  }
0x5: {  	s21 =	simm.s32 $0xB600;
	s23 =	simm.s32 $0xC800;
	s28 =	simm.s32 $0xFA00  }
0x6: {  	s30 =	simm.s32 $0x11A00;
	s31 =	simm.s32 $0x1;
	s18 =	simm.s32 $0x4  }
0x7: {  	s22 =	simm.s32 $0x7;
	s24 =	simm.s32 $0x0;
	s1 =	sand.u32 $0x1, s1  }
0x8: {  	s3 =	sshll.u32 s2, $0x1;
	s2 =	simm.s32 $0x0;
	s4 =	sadd.s32 $0xF43200, s0  }
0x9: {  	s6 =	sor.u32 s1, s3;
	[smem:$0x7FF] =	sst s2;
	s1 =	ssub.s32 $0x2, s1  }
0xa: {  	s3 =	sadd.s32 $0xE00, s0;
	s8 =	smul.u32 $0x19000, s6;
	s25 =	sshrl.u32 s1, $0x1  }
0xb: {  	_ =	strace $0x80000047;
	s29 =	sshll.u32 s6, $0xC;
	s0 =	ssub.s32 s1, s25  }
.Ltmp0:
0xc: {  	s1 =	sadd.s32 s5, s29;
	s25 =	simm.s32 $0xE800;
	(pc) =	sbr.rel .LBB2_1-.Ltmp0, $4  }
0xd: {  	s7 =	sshrl.u32 s8, $0x3;
	[dreg:$0x5] =	wrdreg s1;
	s0 =	smax.u32 s0, $0x1  }
0xe: {  	s1 =	simm.s32 $0x2;
	s7 =	sadd.s32 s3, s7;
	[dreg:$0x6] =	wrdreg s0  }
0xf: {  	s0 =	simm.s32 $0x3;
	[dreg:$0x3] =	wrdreg s7;
	s26 =	sadd.s32 $0x640, s7  }
0x10: {  	s7 =	sadd.s32 $0x6400, s8;
	s8 =	sadd.s32 $0x9600, s8;
	[dreg:$0x4] =	wrdreg s26  }
.LBB2_24:
0x11: {  	s5 =	rddreg [dreg:$0x5];
	s6 =	simm.s32 $0x12C00  }
0x12: {  	[hbm4b:s5+s2] =	stream.linear.scatter [tilespmem:s6], [sflag:$0x7], $0x8000, $0x38;
	[tilespmem:$0x1AC00] =	vst v63  }
0x13: {  	_ =	swait.ge [sflag:s22], $0x8000  }
0x14: {  	s24 =	sadd.s32 $0x1, s24;
	s29 =	rddreg [dreg:$0x6]  }
0x15: {  	p0 =	sne.s32 s24, s29  }
.Ltmp1:
0x16: {  	_ = 	snop;
	(pc) =	sbr.rel @!p0 .LBB2_25-.Ltmp1, $3  }
0x17: {  	_ =	sdelay $0x1  }
0x18: {  	[sflag:s22] =	ssyncset.done $0x0  }
0x19: {  	[sflag:s22] =	ssyncadd.s32 $0xFFFF8000  }
.LBB2_1:
0x1a: {  	s5 =	rddreg [dreg:$0x3]  }
0x1b: {  	[tilespmem:s2], [sflag:$0x5] =	stream.linear.gather [hbm4b:s5+s2], $0x3200, $0x38;
	[tilespmem:$0x1AC00] =	vst v63  }
0x1c: {  	s29 =	rddreg [dreg:$0x4];
	s6 =	simm.s32 $0x5  }
0x1d: {  	[tilespmem:s11], [sflag:$0x6] =	stream.linear.gather [hbm4b:s29+s2], $0x3200, $0x38;
	[tilespmem:$0x1AC00] =	vst v63  }
0x1e: {  	_ =	swait.ge [sflag:s6], $0x3200  }
0x1f: {  	[sflag:s6] =	ssyncset.done $0x0  }
0x20: {  	s9 =	simm.s32 $0x6;
	[sflag:s6] =	ssyncadd.s32 $0xFFFFCE00  }
0x21: {  	_ =	swait.ge [sflag:s9], $0x3200  }
0x22: {  	[sflag:s9] =	ssyncset.done $0x0  }
0x23: {  	[sflag:s9] =	ssyncadd.s32 $0xFFFFCE00  }
0x24: {  	[tilespmem:s15], [sflag:$0x1] =	stream.indirect.gather [hbm4b:s4+s14], $0x40, s2, s14, $0xb8;
	[tilespmem:$0x1AC00] =	vst v63  }
0x25: {  	_ = 	snop  }
0x26: {  	[tilespmem:s17], [sflag:$0x1] =	stream.indirect.gather [hbm4b:s4+s16], $0x40, s14, s16, $0xb8;
	[tilespmem:$0x1AC00] =	vst v63  }
0x27: {  	s10 =	simm.s32 $0xC8  }
0x28: {  	[tilespmem:s19], [sflag:$0x2] =	stream.indirect.gather [hbm4b:s4+s14], $0x40, s10, s14, $0xb8;
	[tilespmem:$0x1AC00] =	vst v63  }
0x29: {  	s12 =	simm.s32 $0x148  }
0x2a: {  	[tilespmem:s21], [sflag:$0x2] =	stream.indirect.gather [hbm4b:s4+s16], $0x40, s12, s16, $0xb8;
	[tilespmem:$0x1AC00] =	vst v63  }
0x2b: {  	s13 =	simm.s32 $0x190  }
0x2c: {  	[tilespmem:s23], [sflag:$0x3] =	stream.indirect.gather [hbm4b:s4+s14], $0x40, s13, s14, $0xb8;
	[tilespmem:$0x1AC00] =	vst v63  }
0x2d: {  	s20 =	simm.s32 $0x210  }
0x2e: {  	[tilespmem:s25], [sflag:$0x3] =	stream.indirect.gather [hbm4b:s4+s16], $0x40, s20, s16, $0xb8;
	[tilespmem:$0x1AC00] =	vst v63  }
0x2f: {  	s26 =	simm.s32 $0x258  }
0x30: {  	[tilespmem:s28], [sflag:$0x4] =	stream.indirect.gather [hbm4b:s4+s14], $0x40, s26, s14, $0xb8;
	[tilespmem:$0x1AC00] =	vst v63  }
0x31: {  	s29 =	simm.s32 $0x2D8;
	s26 =	simm.s32 $0x0  }
0x32: {  	[tilespmem:s30], [sflag:$0x4] =	stream.indirect.gather [hbm4b:s4+s16], $0x40, s29, s16, $0xb8;
	[tilespmem:$0x1AC00] =	vst v63  }
.LBB2_2:
0x33: {  	p0 =	seq.s32 s26, $0x0  }
0x34: {  	s6 =	sshll.u32 s26, $0xF;
	s5 =	simm.s32 @!p0 $0x6  }
0x35: {  	s6 =	sshra.s32 s6, $0x2;
	_ =	swait.ge @!p0 [sflag:s5], $0x3200  }
0x36: {  	s20 =	sadd.s32 $0x12C00, s6;
	[sflag:s5] =	ssyncset.done @!p0 $0x0  }
0x37: {  	s29 =	simm.s32 $0x0;
	v0 =	vmov s20;
	[sflag:s5] =	ssyncadd.s32 @!p0 $0xFFFFCE00  }
.LBB2_3:
0x38: {  	_ =	swait.ge [sflag:s31], $0x2000  }
0x39: {  	[sflag:s31] =	ssyncset.done $0x0  }
0x3a: {  	[sflag:s31] =	ssyncadd.s32 $0xFFFFE000  }
0x3b: {  	_ =	swait.ge [sflag:s31], $0x1200  }
0x3c: {  	[sflag:s31] =	ssyncset.done $0x0  }
0x3d: {  	s6 =	simm.s32 $0x0;
	[sflag:s31] =	ssyncadd.s32 $0xFFFFEE00  }
0x3e: {  	v1 =	vld [tilespmem:s6+$0x64C0]  }
0x3f: {  	v2 =	vld [tilespmem:s6+$0x64D0]  }
0x40: {  	v3 =	vld [tilespmem:s6+$0x6480]  }
0x41: {  	v4 =	vld [tilespmem:s6+$0x6490]  }
0x42: {  	v5 =	vld [tilespmem:s6+$0x6440]  }
0x43: {  	v6 =	vld [tilespmem:s6+$0x6450]  }
0x44: {  	v11 =	vld [tilespmem:s6+$0x6400]  }
0x45: {  	v7 =	vimm.f32 $0.0e+00;
	v13 =	vld [tilespmem:s6+$0x6410]  }
0x46: {  	s5 =	simm.s32 $0x400;
	v10 =	vimm.f32 $0.0e+00;
	v9 =	vimm.f32 $0.0e+00;
	v8 =	vimm.f32 $0.0e+00;
	v12 =	vld [tilespmem:s6+$0x6420]  }
.LBB2_4:
0x47: {  	p0 =	sne.s32 s5, $0xC400;
	v14 =	vld [tilespmem:s6+$0x6430]  }
0x48: {  	v15 =	vld [tilespmem:s6+$0x6460]  }
0x49: {  	v16 =	vld [tilespmem:s6+$0x6470]  }
0x4a: {  	v17 =	vld [tilespmem:s6+$0x64A0]  }
0x4b: {  	v7 =	vadd.f32 v11, v7;
	v10 =	vadd.f32 v13, v10;
	v11 =	vld [tilespmem:s6+$0x64B0]  }
0x4c: {  	v9 =	vadd.f32 v12, v9;
	v8 =	vadd.f32 v14, v8;
	v12 =	vld [tilespmem:s6+$0x64E0]  }
0x4d: {  	v5 =	vadd.f32 v5, v7;
	v6 =	vadd.f32 v6, v10;
	v13 =	vld [tilespmem:s6+$0x64F0];
	s6 =	sshra.s32 s5, $0x2  }
0x4e: {  	v7 =	vadd.f32 v15, v9;
	v14 =	vld [tilespmem:s6+$0x64C0];
	v8 =	vadd.f32 v16, v8  }
0x4f: {  	v5 =	vadd.f32 v3, v5;
	v6 =	vadd.f32 v4, v6;
	v15 =	vld [tilespmem:s6+$0x64D0]  }
0x50: {  	v9 =	vadd.f32 v17, v7;
	v3 =	vld [tilespmem:s6+$0x6480];
	v8 =	vadd.f32 v11, v8  }
0x51: {  	v7 =	vadd.f32 v1, v5;
	v10 =	vadd.f32 v2, v6;
	v4 =	vld [tilespmem:s6+$0x6490]  }
.Ltmp2:
0x52: {  	v9 =	vadd.f32 v12, v9;
	v5 =	vld [tilespmem:s6+$0x6440];
	v8 =	vadd.f32 v13, v8;
	(pc) =	sbr.rel @p0 .LBB2_4-.Ltmp2, $4  }
0x53: {  	v6 =	vld [tilespmem:s6+$0x6450];
	v1 =	vmov v14  }
0x54: {  	v11 =	vld [tilespmem:s6+$0x6400];
	v2 =	vmov v15  }
0x55: {  	v13 =	vld [tilespmem:s6+$0x6410]  }
0x56: {  	s5 =	sadd.s32 $0x400, s5;
	v12 =	vld [tilespmem:s6+$0x6420]  }
0x57: {  	v14 =	vld [tilespmem:s6+$0x6430]  }
0x58: {  	v15 =	vld [tilespmem:s6+$0x6460]  }
0x59: {  	v16 =	vld [tilespmem:s6+$0x6470];
	v7 =	vadd.f32 v11, v7  }
0x5a: {  	v11 =	vld [tilespmem:s6+$0x64A0];
	v10 =	vadd.f32 v13, v10  }
0x5b: {  	v13 =	vld [tilespmem:s6+$0x64B0];
	v9 =	vadd.f32 v12, v9;
	v5 =	vadd.f32 v5, v7  }
0x5c: {  	v7 =	vadd.f32 v14, v8;
	v8 =	vld [tilespmem:s6+$0x64E0];
	v6 =	vadd.f32 v6, v10  }
0x5d: {  	v10 =	vld [tilespmem:s6+$0x64F0];
	v9 =	vadd.f32 v15, v9;
	v3 =	vadd.f32 v3, v5  }
0x5e: {  	v5 =	vadd.f32 v16, v7;
	v4 =	vadd.f32 v4, v6  }
0x5f: {  	v6 =	vadd.f32 v11, v9;
	v1 =	vadd.f32 v1, v3  }
0x60: {  	v3 =	vadd.f32 v13, v5;
	v2 =	vadd.f32 v2, v4  }
0x61: {  	s5 =	sshll.u32 s29, $0xA;
	v4 =	vadd.f32 v8, v6;
	v1 =	vmul.f32 $4.999999890e-03, v1  }
0x62: {  	s5 =	sshra.s32 s5, $0x2;
	v3 =	vadd.f32 v10, v3;
	v2 =	vmul.f32 $4.999999890e-03, v2  }
0x63: {  	s12 =	smul.u32 $0xC80, s29;
	[tilespmem:v0+s5+$0x0 ss:$0x1] =	vst.idx.msk $0xffff, v1;
	v1 =	vmul.f32 $4.999999890e-03, v4  }
0x64: {  	[tilespmem:v0+s5+$0x10 ss:$0x1] =	vst.idx.msk $0xffff, v2;
	v2 =	vmul.f32 $4.999999890e-03, v3  }
0x65: {  	s6 =	sshra.s32 s12, $0x2;
	[tilespmem:v0+s5+$0x20 ss:$0x1] =	vst.idx.msk $0xffff, v1  }
0x66: {  	s9 =	sadd.s32 $0x320, s6;
	[tilespmem:v0+s5+$0x30 ss:$0x1] =	vst.idx.msk $0xffff, v2  }
0x67: {  	[tilespmem:s15], [sflag:$0x1] =	stream.indirect.gather [hbm4b:s4+s14], $0x40, s9, s14, $0xb8;
	[tilespmem:$0x1AC00] =	vst v63  }
0x68: {  	s13 =	sadd.s32 $0x3A0, s6  }
0x69: {  	[tilespmem:s17], [sflag:$0x1] =	stream.indirect.gather [hbm4b:s4+s16], $0x40, s13, s16, $0xb8;
	[tilespmem:$0x1AC00] =	vst v63  }
0x6a: {  	_ =	swait.ge [sflag:s1], $0x2000  }
0x6b: {  	[sflag:s1] =	ssyncset.done $0x0  }
0x6c: {  	[sflag:s1] =	ssyncadd.s32 $0xFFFFE000  }
0x6d: {  	_ =	swait.ge [sflag:s1], $0x1200  }
0x6e: {  	[sflag:s1] =	ssyncset.done $0x0  }
0x6f: {  	s10 =	simm.s32 $0x0;
	[sflag:s1] =	ssyncadd.s32 $0xFFFFEE00  }
0x70: {  	v1 =	vld [tilespmem:s10+$0x96C0]  }
0x71: {  	v2 =	vld [tilespmem:s10+$0x96D0]  }
0x72: {  	v3 =	vld [tilespmem:s10+$0x9680]  }
0x73: {  	v4 =	vld [tilespmem:s10+$0x9690]  }
0x74: {  	v5 =	vld [tilespmem:s10+$0x9640]  }
0x75: {  	v6 =	vld [tilespmem:s10+$0x9650]  }
0x76: {  	v11 =	vld [tilespmem:s10+$0x9600]  }
0x77: {  	v7 =	vimm.f32 $0.0e+00;
	v13 =	vld [tilespmem:s10+$0x9610]  }
0x78: {  	v9 =	vimm.f32 $0.0e+00;
	v8 =	vimm.f32 $0.0e+00;
	v10 =	vimm.f32 $0.0e+00;
	s9 =	sadd.s32 s5, s20;
	s5 =	simm.s32 $0x400;
	v12 =	vld [tilespmem:s10+$0x9620]  }
.LBB2_6:
0x79: {  	p0 =	sne.s32 s5, $0xC400;
	v14 =	vld [tilespmem:s10+$0x9630]  }
0x7a: {  	v15 =	vld [tilespmem:s10+$0x9660]  }
0x7b: {  	v16 =	vld [tilespmem:s10+$0x9670]  }
0x7c: {  	v17 =	vld [tilespmem:s10+$0x96A0]  }
0x7d: {  	v7 =	vadd.f32 v11, v7;
	v10 =	vadd.f32 v13, v10;
	v11 =	vld [tilespmem:s10+$0x96B0]  }
0x7e: {  	v9 =	vadd.f32 v12, v9;
	v8 =	vadd.f32 v14, v8;
	v12 =	vld [tilespmem:s10+$0x96E0]  }
0x7f: {  	v5 =	vadd.f32 v5, v7;
	v6 =	vadd.f32 v6, v10;
	v13 =	vld [tilespmem:s10+$0x96F0];
	s10 =	sshra.s32 s5, $0x2  }
0x80: {  	v7 =	vadd.f32 v15, v9;
	v14 =	vld [tilespmem:s10+$0x96C0];
	v8 =	vadd.f32 v16, v8  }
0x81: {  	v5 =	vadd.f32 v3, v5;
	v6 =	vadd.f32 v4, v6;
	v15 =	vld [tilespmem:s10+$0x96D0]  }
0x82: {  	v9 =	vadd.f32 v17, v7;
	v3 =	vld [tilespmem:s10+$0x9680];
	v8 =	vadd.f32 v11, v8  }
0x83: {  	v7 =	vadd.f32 v1, v5;
	v10 =	vadd.f32 v2, v6;
	v4 =	vld [tilespmem:s10+$0x9690]  }
.Ltmp3:
0x84: {  	v9 =	vadd.f32 v12, v9;
	v5 =	vld [tilespmem:s10+$0x9640];
	v8 =	vadd.f32 v13, v8;
	(pc) =	sbr.rel @p0 .LBB2_6-.Ltmp3, $4  }
0x85: {  	v6 =	vld [tilespmem:s10+$0x9650];
	v1 =	vmov v14  }
0x86: {  	v11 =	vld [tilespmem:s10+$0x9600];
	v2 =	vmov v15  }
0x87: {  	v13 =	vld [tilespmem:s10+$0x9610]  }
0x88: {  	s5 =	sadd.s32 $0x400, s5;
	v12 =	vld [tilespmem:s10+$0x9620]  }
0x89: {  	v14 =	vld [tilespmem:s10+$0x9630]  }
0x8a: {  	v15 =	vld [tilespmem:s10+$0x9660]  }
0x8b: {  	v16 =	vld [tilespmem:s10+$0x9670];
	v7 =	vadd.f32 v11, v7  }
0x8c: {  	v11 =	vld [tilespmem:s10+$0x96A0];
	v10 =	vadd.f32 v13, v10  }
0x8d: {  	v13 =	vld [tilespmem:s10+$0x96B0];
	v9 =	vadd.f32 v12, v9;
	v5 =	vadd.f32 v5, v7  }
0x8e: {  	v7 =	vadd.f32 v14, v8;
	v8 =	vld [tilespmem:s10+$0x96E0];
	v6 =	vadd.f32 v6, v10  }
0x8f: {  	v10 =	vld [tilespmem:s10+$0x96F0];
	v9 =	vadd.f32 v15, v9;
	v3 =	vadd.f32 v3, v5  }
0x90: {  	v5 =	vadd.f32 v16, v7;
	v4 =	vadd.f32 v4, v6  }
0x91: {  	v6 =	vadd.f32 v11, v9;
	v1 =	vadd.f32 v1, v3  }
0x92: {  	v3 =	vadd.f32 v13, v5;
	v2 =	vadd.f32 v2, v4  }
0x93: {  	v4 =	vadd.f32 v8, v6;
	v1 =	vmul.f32 $4.999999890e-03, v1  }
0x94: {  	v3 =	vadd.f32 v10, v3;
	v2 =	vmul.f32 $4.999999890e-03, v2  }
0x95: {  	[tilespmem:s9+$0x40] =	vst v1;
	v1 =	vmul.f32 $4.999999890e-03, v4  }
0x96: {  	[tilespmem:s9+$0x50] =	vst v2;
	v2 =	vmul.f32 $4.999999890e-03, v3  }
0x97: {  	[tilespmem:s9+$0x60] =	vst v1  }
0x98: {  	s5 =	sadd.s32 $0x3E8, s6;
	[tilespmem:s9+$0x70] =	vst v2  }
0x99: {  	[tilespmem:s19], [sflag:$0x2] =	stream.indirect.gather [hbm4b:s4+s14], $0x40, s5, s14, $0xb8;
	[tilespmem:$0x1AC00] =	vst v63  }
0x9a: {  	s13 =	sadd.s32 $0x468, s6  }
0x9b: {  	[tilespmem:s21], [sflag:$0x2] =	stream.indirect.gather [hbm4b:s4+s16], $0x40, s13, s16, $0xb8;
	[tilespmem:$0x1AC00] =	vst v63  }
0x9c: {  	_ =	swait.ge [sflag:s0], $0x2000  }
0x9d: {  	[sflag:s0] =	ssyncset.done $0x0  }
0x9e: {  	[sflag:s0] =	ssyncadd.s32 $0xFFFFE000  }
0x9f: {  	_ =	swait.ge [sflag:s0], $0x1200  }
0xa0: {  	[sflag:s0] =	ssyncset.done $0x0  }
0xa1: {  	s10 =	simm.s32 $0x0;
	[sflag:s0] =	ssyncadd.s32 $0xFFFFEE00  }
0xa2: {  	v1 =	vld [tilespmem:s10+$0xC8C0]  }
0xa3: {  	v2 =	vld [tilespmem:s10+$0xC8D0]  }
0xa4: {  	v3 =	vld [tilespmem:s10+$0xC880]  }
0xa5: {  	v4 =	vld [tilespmem:s10+$0xC890]  }
0xa6: {  	v5 =	vld [tilespmem:s10+$0xC840]  }
0xa7: {  	v6 =	vld [tilespmem:s10+$0xC850]  }
0xa8: {  	v11 =	vld [tilespmem:s10+$0xC800]  }
0xa9: {  	v7 =	vimm.f32 $0.0e+00;
	v13 =	vld [tilespmem:s10+$0xC810]  }
0xaa: {  	v9 =	vimm.f32 $0.0e+00;
	v8 =	vimm.f32 $0.0e+00;
	v10 =	vimm.f32 $0.0e+00;
	s5 =	simm.s32 $0x400;
	v12 =	vld [tilespmem:s10+$0xC820]  }
.LBB2_8:
0xab: {  	p0 =	sne.s32 s5, $0xC400;
	v14 =	vld [tilespmem:s10+$0xC830]  }
0xac: {  	v15 =	vld [tilespmem:s10+$0xC860]  }
0xad: {  	v16 =	vld [tilespmem:s10+$0xC870]  }
0xae: {  	v17 =	vld [tilespmem:s10+$0xC8A0]  }
0xaf: {  	v7 =	vadd.f32 v11, v7;
	v10 =	vadd.f32 v13, v10;
	v11 =	vld [tilespmem:s10+$0xC8B0]  }
0xb0: {  	v9 =	vadd.f32 v12, v9;
	v8 =	vadd.f32 v14, v8;
	v12 =	vld [tilespmem:s10+$0xC8E0]  }
0xb1: {  	v5 =	vadd.f32 v5, v7;
	v6 =	vadd.f32 v6, v10;
	v13 =	vld [tilespmem:s10+$0xC8F0];
	s10 =	sshra.s32 s5, $0x2  }
0xb2: {  	v7 =	vadd.f32 v15, v9;
	v14 =	vld [tilespmem:s10+$0xC8C0];
	v8 =	vadd.f32 v16, v8  }
0xb3: {  	v5 =	vadd.f32 v3, v5;
	v6 =	vadd.f32 v4, v6;
	v15 =	vld [tilespmem:s10+$0xC8D0]  }
0xb4: {  	v9 =	vadd.f32 v17, v7;
	v3 =	vld [tilespmem:s10+$0xC880];
	v8 =	vadd.f32 v11, v8  }
0xb5: {  	v7 =	vadd.f32 v1, v5;
	v10 =	vadd.f32 v2, v6;
	v4 =	vld [tilespmem:s10+$0xC890]  }
.Ltmp4:
0xb6: {  	v9 =	vadd.f32 v12, v9;
	v5 =	vld [tilespmem:s10+$0xC840];
	v8 =	vadd.f32 v13, v8;
	(pc) =	sbr.rel @p0 .LBB2_8-.Ltmp4, $4  }
0xb7: {  	v6 =	vld [tilespmem:s10+$0xC850];
	v1 =	vmov v14  }
0xb8: {  	v11 =	vld [tilespmem:s10+$0xC800];
	v2 =	vmov v15  }
0xb9: {  	v13 =	vld [tilespmem:s10+$0xC810]  }
0xba: {  	s5 =	sadd.s32 $0x400, s5;
	v12 =	vld [tilespmem:s10+$0xC820]  }
0xbb: {  	v14 =	vld [tilespmem:s10+$0xC830]  }
0xbc: {  	v15 =	vld [tilespmem:s10+$0xC860]  }
0xbd: {  	v16 =	vld [tilespmem:s10+$0xC870];
	v7 =	vadd.f32 v11, v7  }
0xbe: {  	v11 =	vld [tilespmem:s10+$0xC8A0];
	v10 =	vadd.f32 v13, v10  }
0xbf: {  	v13 =	vld [tilespmem:s10+$0xC8B0];
	v9 =	vadd.f32 v12, v9;
	v5 =	vadd.f32 v5, v7  }
0xc0: {  	v7 =	vadd.f32 v14, v8;
	v8 =	vld [tilespmem:s10+$0xC8E0];
	v6 =	vadd.f32 v6, v10  }
0xc1: {  	v10 =	vld [tilespmem:s10+$0xC8F0];
	v9 =	vadd.f32 v15, v9;
	v3 =	vadd.f32 v3, v5  }
0xc2: {  	v5 =	vadd.f32 v16, v7;
	v4 =	vadd.f32 v4, v6  }
0xc3: {  	v6 =	vadd.f32 v11, v9;
	v1 =	vadd.f32 v1, v3  }
0xc4: {  	v3 =	vadd.f32 v13, v5;
	v2 =	vadd.f32 v2, v4  }
0xc5: {  	v4 =	vadd.f32 v8, v6;
	v1 =	vmul.f32 $4.999999890e-03, v1  }
0xc6: {  	v3 =	vadd.f32 v10, v3;
	v2 =	vmul.f32 $4.999999890e-03, v2  }
0xc7: {  	[tilespmem:s9+$0x80] =	vst v1;
	v1 =	vmul.f32 $4.999999890e-03, v4  }
0xc8: {  	[tilespmem:s9+$0x90] =	vst v2;
	v2 =	vmul.f32 $4.999999890e-03, v3  }
0xc9: {  	[tilespmem:s9+$0xA0] =	vst v1  }
0xca: {  	s5 =	sadd.s32 $0x4B0, s6;
	[tilespmem:s9+$0xB0] =	vst v2  }
0xcb: {  	[tilespmem:s23], [sflag:$0x3] =	stream.indirect.gather [hbm4b:s4+s14], $0x40, s5, s14, $0xb8;
	[tilespmem:$0x1AC00] =	vst v63  }
0xcc: {  	s13 =	sadd.s32 $0x530, s6  }
0xcd: {  	[tilespmem:s25], [sflag:$0x3] =	stream.indirect.gather [hbm4b:s4+s16], $0x40, s13, s16, $0xb8;
	[tilespmem:$0x1AC00] =	vst v63  }
0xce: {  	_ =	swait.ge [sflag:s18], $0x2000  }
0xcf: {  	[sflag:s18] =	ssyncset.done $0x0  }
0xd0: {  	[sflag:s18] =	ssyncadd.s32 $0xFFFFE000  }
0xd1: {  	_ =	swait.ge [sflag:s18], $0x1200  }
0xd2: {  	[sflag:s18] =	ssyncset.done $0x0  }
0xd3: {  	s10 =	simm.s32 $0x0;
	[sflag:s18] =	ssyncadd.s32 $0xFFFFEE00  }
0xd4: {  	v1 =	vld [tilespmem:s10+$0xFAC0]  }
0xd5: {  	v2 =	vld [tilespmem:s10+$0xFAD0]  }
0xd6: {  	v3 =	vld [tilespmem:s10+$0xFA80]  }
0xd7: {  	v4 =	vld [tilespmem:s10+$0xFA90]  }
0xd8: {  	v5 =	vld [tilespmem:s10+$0xFA40]  }
0xd9: {  	v6 =	vld [tilespmem:s10+$0xFA50]  }
0xda: {  	v11 =	vld [tilespmem:s10+$0xFA00]  }
0xdb: {  	v7 =	vimm.f32 $0.0e+00;
	v13 =	vld [tilespmem:s10+$0xFA10]  }
0xdc: {  	v9 =	vimm.f32 $0.0e+00;
	v8 =	vimm.f32 $0.0e+00;
	v10 =	vimm.f32 $0.0e+00;
	s5 =	simm.s32 $0x400;
	v12 =	vld [tilespmem:s10+$0xFA20]  }
.LBB2_10:
0xdd: {  	p0 =	sne.s32 s5, $0xC400;
	v14 =	vld [tilespmem:s10+$0xFA30]  }
0xde: {  	v15 =	vld [tilespmem:s10+$0xFA60]  }
0xdf: {  	v16 =	vld [tilespmem:s10+$0xFA70]  }
0xe0: {  	v17 =	vld [tilespmem:s10+$0xFAA0]  }
0xe1: {  	v7 =	vadd.f32 v11, v7;
	v10 =	vadd.f32 v13, v10;
	v11 =	vld [tilespmem:s10+$0xFAB0]  }
0xe2: {  	v9 =	vadd.f32 v12, v9;
	v8 =	vadd.f32 v14, v8;
	v12 =	vld [tilespmem:s10+$0xFAE0]  }
0xe3: {  	v5 =	vadd.f32 v5, v7;
	v6 =	vadd.f32 v6, v10;
	v13 =	vld [tilespmem:s10+$0xFAF0];
	s10 =	sshra.s32 s5, $0x2  }
0xe4: {  	v7 =	vadd.f32 v15, v9;
	v14 =	vld [tilespmem:s10+$0xFAC0];
	v8 =	vadd.f32 v16, v8  }
0xe5: {  	v5 =	vadd.f32 v3, v5;
	v6 =	vadd.f32 v4, v6;
	v15 =	vld [tilespmem:s10+$0xFAD0]  }
0xe6: {  	v9 =	vadd.f32 v17, v7;
	v3 =	vld [tilespmem:s10+$0xFA80];
	v8 =	vadd.f32 v11, v8  }
0xe7: {  	v7 =	vadd.f32 v1, v5;
	v10 =	vadd.f32 v2, v6;
	v4 =	vld [tilespmem:s10+$0xFA90]  }
.Ltmp5:
0xe8: {  	v9 =	vadd.f32 v12, v9;
	v5 =	vld [tilespmem:s10+$0xFA40];
	v8 =	vadd.f32 v13, v8;
	(pc) =	sbr.rel @p0 .LBB2_10-.Ltmp5, $4  }
0xe9: {  	v6 =	vld [tilespmem:s10+$0xFA50];
	v1 =	vmov v14  }
0xea: {  	v11 =	vld [tilespmem:s10+$0xFA00];
	v2 =	vmov v15  }
0xeb: {  	v13 =	vld [tilespmem:s10+$0xFA10]  }
0xec: {  	s5 =	sadd.s32 $0x400, s5;
	v12 =	vld [tilespmem:s10+$0xFA20]  }
0xed: {  	v14 =	vld [tilespmem:s10+$0xFA30]  }
0xee: {  	v15 =	vld [tilespmem:s10+$0xFA60]  }
0xef: {  	v16 =	vld [tilespmem:s10+$0xFA70];
	v7 =	vadd.f32 v11, v7  }
0xf0: {  	v56 =	vld [tilespmem:s10+$0xFAA0];
	v10 =	vadd.f32 v13, v10  }
0xf1: {  	v57 =	vld [tilespmem:s10+$0xFAB0];
	v9 =	vadd.f32 v12, v9;
	v5 =	vadd.f32 v5, v7  }
0xf2: {  	v59 =	vld [tilespmem:s10+$0xFAE0];
	v58 =	vadd.f32 v14, v8;
	v6 =	vadd.f32 v6, v10  }
0xf3: {  	v60 =	vld [tilespmem:s10+$0xFAF0];
	v9 =	vadd.f32 v15, v9;
	v3 =	vadd.f32 v3, v5  }
0xf4: {  	v61 =	vadd.f32 v16, v58;
	v4 =	vadd.f32 v4, v6  }
0xf5: {  	v62 =	vadd.f32 v56, v9;
	v1 =	vadd.f32 v1, v3  }
0xf6: {  	v3 =	vadd.f32 v57, v61;
	v2 =	vadd.f32 v2, v4  }
0xf7: {  	v63 =	vadd.f32 v59, v62;
	v1 =	vmul.f32 $4.999999890e-03, v1  }
0xf8: {  	v3 =	vadd.f32 v60, v3;
	v2 =	vmul.f32 $4.999999890e-03, v2  }
0xf9: {  	s29 =	sadd.s32 $0x1, s29;
	[tilespmem:s9+$0xC0] =	vst v1;
	v1 =	vmul.f32 $4.999999890e-03, v63  }
0xfa: {  	p0 =	sne.s32 s29, $0x10;
	[tilespmem:s9+$0xD0] =	vst v2;
	v2 =	vmul.f32 $4.999999890e-03, v3  }
.Ltmp6:
0xfb: {  	[tilespmem:s9+$0xE0] =	vst v1;
	(pc) =	sbr.rel @p0 .LBB2_3-.Ltmp6, $4  }
0xfc: {  	s5 =	sadd.s32 $0x578, s6;
	[tilespmem:s9+$0xF0] =	vst v2  }
0xfd: {  	[tilespmem:s28], [sflag:$0x4] =	stream.indirect.gather [hbm4b:s4+s14], $0x40, s5, s14, $0xb8;
	[tilespmem:$0x1AC00] =	vst v63  }
0xfe: {  	s13 =	sadd.s32 $0x5F8, s6  }
0xff: {  	[tilespmem:s30], [sflag:$0x4] =	stream.indirect.gather [hbm4b:s4+s16], $0x40, s13, s16, $0xb8;
	[tilespmem:$0x1AC00] =	vst v63  }
0x100: {  	p0 =	seq.s32 s26, $0x3  }
0x101: {  	s5 =	smul.u32 @!p0 $0x6400, s26;
	_ =	sdelay $0x1  }
0x102: {  	s5 =	sadd.s32 @!p0 s5, s7  }
0x103: {  	s5 =	sshrl.u32 @!p0 s5, $0x3  }
0x104: {  	s6 =	simm.s32 @!p0 $0x0;
	s5 =	sadd.s32 @!p0 s3, s5  }
0x105: {  	[tilespmem:s6], [sflag:$0x5] =	stream.linear.gather @!p0 [hbm4b:s5+s6], $0x3200, $0x38;
	[tilespmem:$0x1AC00] =	vst v63  }
0x106: {  	s5 =	simm.s32 @!p0 $0x5  }
0x107: {  	_ =	swait.ge @!p0 [sflag:s5], $0x3200  }
0x108: {  	[sflag:s5] =	ssyncset.done @!p0 $0x0  }
0x109: {  	s29 =	sshll.u32 s26, $0x7;
	s20 =	simm.s32 $0x0;
	[sflag:s5] =	ssyncadd.s32 @!p0 $0xFFFFCE00  }
.LBB2_13:
0x10a: {  	_ =	swait.ge [sflag:s31], $0x2000  }
0x10b: {  	[sflag:s31] =	ssyncset.done $0x0  }
0x10c: {  	[sflag:s31] =	ssyncadd.s32 $0xFFFFE000  }
0x10d: {  	_ =	swait.ge [sflag:s31], $0x1200  }
0x10e: {  	[sflag:s31] =	ssyncset.done $0x0  }
0x10f: {  	s6 =	simm.s32 $0x0;
	[sflag:s31] =	ssyncadd.s32 $0xFFFFEE00  }
0x110: {  	v0 =	vld [tilespmem:s6+$0x64C0]  }
0x111: {  	v1 =	vld [tilespmem:s6+$0x64D0]  }
0x112: {  	v2 =	vld [tilespmem:s6+$0x6480]  }
0x113: {  	v3 =	vld [tilespmem:s6+$0x6490]  }
0x114: {  	v4 =	vld [tilespmem:s6+$0x6440]  }
0x115: {  	v5 =	vld [tilespmem:s6+$0x6450]  }
0x116: {  	v10 =	vld [tilespmem:s6+$0x6400]  }
0x117: {  	v6 =	vimm.f32 $0.0e+00;
	v12 =	vld [tilespmem:s6+$0x6410]  }
0x118: {  	s5 =	simm.s32 $0x400;
	v9 =	vimm.f32 $0.0e+00;
	v8 =	vimm.f32 $0.0e+00;
	v7 =	vimm.f32 $0.0e+00;
	v11 =	vld [tilespmem:s6+$0x6420]  }
.LBB2_14:
0x119: {  	p1 =	sne.s32 s5, $0xC400;
	v13 =	vld [tilespmem:s6+$0x6430]  }
0x11a: {  	v14 =	vld [tilespmem:s6+$0x6460]  }
0x11b: {  	v15 =	vld [tilespmem:s6+$0x6470]  }
0x11c: {  	v16 =	vld [tilespmem:s6+$0x64A0]  }
0x11d: {  	v6 =	vadd.f32 v10, v6;
	v9 =	vadd.f32 v12, v9;
	v10 =	vld [tilespmem:s6+$0x64B0]  }
0x11e: {  	v8 =	vadd.f32 v11, v8;
	v7 =	vadd.f32 v13, v7;
	v11 =	vld [tilespmem:s6+$0x64E0]  }
0x11f: {  	v4 =	vadd.f32 v4, v6;
	v5 =	vadd.f32 v5, v9;
	v12 =	vld [tilespmem:s6+$0x64F0];
	s6 =	sshra.s32 s5, $0x2  }
0x120: {  	v6 =	vadd.f32 v14, v8;
	v13 =	vld [tilespmem:s6+$0x64C0];
	v7 =	vadd.f32 v15, v7  }
0x121: {  	v4 =	vadd.f32 v2, v4;
	v5 =	vadd.f32 v3, v5;
	v14 =	vld [tilespmem:s6+$0x64D0]  }
0x122: {  	v8 =	vadd.f32 v16, v6;
	v2 =	vld [tilespmem:s6+$0x6480];
	v7 =	vadd.f32 v10, v7  }
0x123: {  	v6 =	vadd.f32 v0, v4;
	v9 =	vadd.f32 v1, v5;
	v3 =	vld [tilespmem:s6+$0x6490]  }
.Ltmp7:
0x124: {  	v8 =	vadd.f32 v11, v8;
	v4 =	vld [tilespmem:s6+$0x6440];
	v7 =	vadd.f32 v12, v7;
	(pc) =	sbr.rel @p1 .LBB2_14-.Ltmp7, $4  }
0x125: {  	v5 =	vld [tilespmem:s6+$0x6450];
	v0 =	vmov v13  }
0x126: {  	v10 =	vld [tilespmem:s6+$0x6400];
	v1 =	vmov v14  }
0x127: {  	v12 =	vld [tilespmem:s6+$0x6410]  }
0x128: {  	s5 =	sadd.s32 $0x400, s5;
	v11 =	vld [tilespmem:s6+$0x6420]  }
0x129: {  	v13 =	vld [tilespmem:s6+$0x6430]  }
0x12a: {  	v14 =	vld [tilespmem:s6+$0x6460]  }
0x12b: {  	v15 =	vld [tilespmem:s6+$0x6470];
	v6 =	vadd.f32 v10, v6  }
0x12c: {  	v10 =	vld [tilespmem:s6+$0x64A0];
	v9 =	vadd.f32 v12, v9  }
0x12d: {  	v12 =	vld [tilespmem:s6+$0x64B0];
	v8 =	vadd.f32 v11, v8;
	v4 =	vadd.f32 v4, v6  }
0x12e: {  	v6 =	vadd.f32 v13, v7;
	v7 =	vld [tilespmem:s6+$0x64E0];
	v5 =	vadd.f32 v5, v9  }
0x12f: {  	v9 =	vld [tilespmem:s6+$0x64F0];
	v8 =	vadd.f32 v14, v8;
	v2 =	vadd.f32 v2, v4  }
0x130: {  	v4 =	vadd.f32 v15, v6;
	v3 =	vadd.f32 v3, v5  }
0x131: {  	s6 =	sshll.u32 s20, $0x2;
	v5 =	vadd.f32 v10, v8;
	v0 =	vadd.f32 v0, v2  }
0x132: {  	s10 =	sadd.s32 s29, s6;
	v2 =	vadd.f32 v12, v4;
	v1 =	vadd.f32 v1, v3  }
0x133: {  	s5 =	sshll.u32 s10, $0x6;
	p1 =	sgt.u32 s10, $0x1BB;
	v3 =	vadd.f32 v7, v5;
	v0 =	vmul.f32 $4.999999890e-03, v0  }
0x134: {  	s9 =	sand.u32 $0x3FFFFFC0, s5;
	s5 =	sadd.s32 @!p1 $0x44, s6;
	v2 =	vadd.f32 v9, v2;
	v1 =	vmul.f32 $4.999999890e-03, v1  }
0x135: {  	s5 =	sand.u32 @!p1 $0x7C, s5;
	[tilespmem:s9+$0x13C00] =	vst v0;
	v0 =	vmul.f32 $4.999999890e-03, v3  }
0x136: {  	s5 =	smul.u32 @!p1 $0x320, s5;
	[tilespmem:s9+$0x13C10] =	vst v1;
	v1 =	vmul.f32 $4.999999890e-03, v2  }
0x137: {  	[tilespmem:s9+$0x13C20] =	vst v0  }
0x138: {  	s12 =	simm.s32 @!p1 $0x80;
	s13 =	simm.s32 @!p1 $0x6400;
	s5 =	sshrl.u32 @!p1 s5, $0x2;
	[tilespmem:s9+$0x13C30] =	vst v1  }
0x139: {  	[tilespmem:s13], [sflag:$0x1] =	stream.indirect.gather @!p1 [hbm4b:s4+s12], $0x40, s5, s12, $0xb8;
	[tilespmem:$0x1AC00] =	vst v63  }
0x13a: {  	s5 =	sadd.s32 @!p1 $0x80, s5;
	s12 =	simm.s32 @!p1 $0x48;
	s13 =	simm.s32 @!p1 $0x8400  }
0x13b: {  	[tilespmem:s13], [sflag:$0x1] =	stream.indirect.gather @!p1 [hbm4b:s4+s12], $0x40, s5, s12, $0xb8;
	[tilespmem:$0x1AC00] =	vst v63  }
0x13c: {  	_ =	swait.ge [sflag:s1], $0x2000  }
0x13d: {  	[sflag:s1] =	ssyncset.done $0x0  }
0x13e: {  	[sflag:s1] =	ssyncadd.s32 $0xFFFFE000  }
0x13f: {  	_ =	swait.ge [sflag:s1], $0x1200  }
0x140: {  	[sflag:s1] =	ssyncset.done $0x0  }
0x141: {  	s5 =	simm.s32 $0x0;
	[sflag:s1] =	ssyncadd.s32 $0xFFFFEE00  }
0x142: {  	v0 =	vld [tilespmem:s5+$0x96C0]  }
0x143: {  	v1 =	vld [tilespmem:s5+$0x96D0]  }
0x144: {  	v2 =	vld [tilespmem:s5+$0x9680]  }
0x145: {  	v3 =	vld [tilespmem:s5+$0x9690]  }
0x146: {  	v4 =	vld [tilespmem:s5+$0x9640]  }
0x147: {  	v5 =	vld [tilespmem:s5+$0x9650]  }
0x148: {  	v10 =	vld [tilespmem:s5+$0x9600]  }
0x149: {  	v6 =	vimm.f32 $0.0e+00;
	v12 =	vld [tilespmem:s5+$0x9610]  }
0x14a: {  	v8 =	vimm.f32 $0.0e+00;
	v7 =	vimm.f32 $0.0e+00;
	v9 =	vimm.f32 $0.0e+00;
	s12 =	simm.s32 $0x400;
	v11 =	vld [tilespmem:s5+$0x9620]  }
.LBB2_16:
0x14b: {  	p1 =	sne.s32 s12, $0xC400;
	v13 =	vld [tilespmem:s5+$0x9630]  }
0x14c: {  	v14 =	vld [tilespmem:s5+$0x9660]  }
0x14d: {  	v15 =	vld [tilespmem:s5+$0x9670]  }
0x14e: {  	v16 =	vld [tilespmem:s5+$0x96A0]  }
0x14f: {  	v6 =	vadd.f32 v10, v6;
	v9 =	vadd.f32 v12, v9;
	v10 =	vld [tilespmem:s5+$0x96B0]  }
0x150: {  	v8 =	vadd.f32 v11, v8;
	v7 =	vadd.f32 v13, v7;
	v11 =	vld [tilespmem:s5+$0x96E0]  }
0x151: {  	v4 =	vadd.f32 v4, v6;
	v5 =	vadd.f32 v5, v9;
	v12 =	vld [tilespmem:s5+$0x96F0];
	s5 =	sshra.s32 s12, $0x2  }
0x152: {  	v6 =	vadd.f32 v14, v8;
	v13 =	vld [tilespmem:s5+$0x96C0];
	v7 =	vadd.f32 v15, v7  }
0x153: {  	v4 =	vadd.f32 v2, v4;
	v5 =	vadd.f32 v3, v5;
	v14 =	vld [tilespmem:s5+$0x96D0]  }
0x154: {  	v8 =	vadd.f32 v16, v6;
	v2 =	vld [tilespmem:s5+$0x9680];
	v7 =	vadd.f32 v10, v7  }
0x155: {  	v6 =	vadd.f32 v0, v4;
	v9 =	vadd.f32 v1, v5;
	v3 =	vld [tilespmem:s5+$0x9690]  }
.Ltmp8:
0x156: {  	v8 =	vadd.f32 v11, v8;
	v4 =	vld [tilespmem:s5+$0x9640];
	v7 =	vadd.f32 v12, v7;
	(pc) =	sbr.rel @p1 .LBB2_16-.Ltmp8, $4  }
0x157: {  	v5 =	vld [tilespmem:s5+$0x9650];
	v0 =	vmov v13  }
0x158: {  	v10 =	vld [tilespmem:s5+$0x9600];
	v1 =	vmov v14  }
0x159: {  	v12 =	vld [tilespmem:s5+$0x9610]  }
0x15a: {  	s12 =	sadd.s32 $0x400, s12;
	v11 =	vld [tilespmem:s5+$0x9620]  }
0x15b: {  	v13 =	vld [tilespmem:s5+$0x9630]  }
0x15c: {  	v14 =	vld [tilespmem:s5+$0x9660]  }
0x15d: {  	v15 =	vld [tilespmem:s5+$0x9670];
	v6 =	vadd.f32 v10, v6  }
0x15e: {  	v10 =	vld [tilespmem:s5+$0x96A0];
	v9 =	vadd.f32 v12, v9  }
0x15f: {  	v12 =	vld [tilespmem:s5+$0x96B0];
	v8 =	vadd.f32 v11, v8;
	v4 =	vadd.f32 v4, v6  }
0x160: {  	v6 =	vadd.f32 v13, v7;
	v7 =	vld [tilespmem:s5+$0x96E0];
	v5 =	vadd.f32 v5, v9  }
0x161: {  	v9 =	vld [tilespmem:s5+$0x96F0];
	v8 =	vadd.f32 v14, v8;
	v2 =	vadd.f32 v2, v4  }
0x162: {  	v4 =	vadd.f32 v15, v6;
	v3 =	vadd.f32 v3, v5  }
0x163: {  	v5 =	vadd.f32 v10, v8;
	v0 =	vadd.f32 v0, v2  }
0x164: {  	v2 =	vadd.f32 v12, v4;
	v1 =	vadd.f32 v1, v3  }
0x165: {  	p1 =	sgt.u32 s10, $0x1BA;
	v3 =	vadd.f32 v7, v5;
	v0 =	vmul.f32 $4.999999890e-03, v0  }
0x166: {  	s5 =	sadd.s32 @!p1 $0x45, s6;
	v2 =	vadd.f32 v9, v2;
	v1 =	vmul.f32 $4.999999890e-03, v1  }
0x167: {  	s5 =	sand.u32 @!p1 $0x7D, s5;
	[tilespmem:s9+$0x13C40] =	vst v0;
	v0 =	vmul.f32 $4.999999890e-03, v3  }
0x168: {  	s5 =	smul.u32 @!p1 $0x320, s5;
	[tilespmem:s9+$0x13C50] =	vst v1;
	v1 =	vmul.f32 $4.999999890e-03, v2  }
0x169: {  	[tilespmem:s9+$0x13C60] =	vst v0  }
0x16a: {  	s12 =	simm.s32 @!p1 $0x80;
	s13 =	simm.s32 @!p1 $0x9600;
	s5 =	sshrl.u32 @!p1 s5, $0x2;
	[tilespmem:s9+$0x13C70] =	vst v1  }
0x16b: {  	[tilespmem:s13], [sflag:$0x2] =	stream.indirect.gather @!p1 [hbm4b:s4+s12], $0x40, s5, s12, $0xb8;
	[tilespmem:$0x1AC00] =	vst v63  }
0x16c: {  	s5 =	sadd.s32 @!p1 $0x80, s5;
	s12 =	simm.s32 @!p1 $0x48;
	s13 =	simm.s32 @!p1 $0xB600  }
0x16d: {  	[tilespmem:s13], [sflag:$0x2] =	stream.indirect.gather @!p1 [hbm4b:s4+s12], $0x40, s5, s12, $0xb8;
	[tilespmem:$0x1AC00] =	vst v63  }
0x16e: {  	_ =	swait.ge [sflag:s0], $0x2000  }
0x16f: {  	[sflag:s0] =	ssyncset.done $0x0  }
0x170: {  	[sflag:s0] =	ssyncadd.s32 $0xFFFFE000  }
0x171: {  	_ =	swait.ge [sflag:s0], $0x1200  }
0x172: {  	[sflag:s0] =	ssyncset.done $0x0  }
0x173: {  	s5 =	simm.s32 $0x0;
	[sflag:s0] =	ssyncadd.s32 $0xFFFFEE00  }
0x174: {  	v0 =	vld [tilespmem:s5+$0xC8C0]  }
0x175: {  	v1 =	vld [tilespmem:s5+$0xC8D0]  }
0x176: {  	v2 =	vld [tilespmem:s5+$0xC880]  }
0x177: {  	v3 =	vld [tilespmem:s5+$0xC890]  }
0x178: {  	v4 =	vld [tilespmem:s5+$0xC840]  }
0x179: {  	v5 =	vld [tilespmem:s5+$0xC850]  }
0x17a: {  	v10 =	vld [tilespmem:s5+$0xC800]  }
0x17b: {  	v6 =	vimm.f32 $0.0e+00;
	v12 =	vld [tilespmem:s5+$0xC810]  }
0x17c: {  	v8 =	vimm.f32 $0.0e+00;
	v7 =	vimm.f32 $0.0e+00;
	v9 =	vimm.f32 $0.0e+00;
	s12 =	simm.s32 $0x400;
	v11 =	vld [tilespmem:s5+$0xC820]  }
.LBB2_18:
0x17d: {  	p1 =	sne.s32 s12, $0xC400;
	v13 =	vld [tilespmem:s5+$0xC830]  }
0x17e: {  	v14 =	vld [tilespmem:s5+$0xC860]  }
0x17f: {  	v15 =	vld [tilespmem:s5+$0xC870]  }
0x180: {  	v16 =	vld [tilespmem:s5+$0xC8A0]  }
0x181: {  	v6 =	vadd.f32 v10, v6;
	v9 =	vadd.f32 v12, v9;
	v10 =	vld [tilespmem:s5+$0xC8B0]  }
0x182: {  	v8 =	vadd.f32 v11, v8;
	v7 =	vadd.f32 v13, v7;
	v11 =	vld [tilespmem:s5+$0xC8E0]  }
0x183: {  	v4 =	vadd.f32 v4, v6;
	v5 =	vadd.f32 v5, v9;
	v12 =	vld [tilespmem:s5+$0xC8F0];
	s5 =	sshra.s32 s12, $0x2  }
0x184: {  	v6 =	vadd.f32 v14, v8;
	v13 =	vld [tilespmem:s5+$0xC8C0];
	v7 =	vadd.f32 v15, v7  }
0x185: {  	v4 =	vadd.f32 v2, v4;
	v5 =	vadd.f32 v3, v5;
	v14 =	vld [tilespmem:s5+$0xC8D0]  }
0x186: {  	v8 =	vadd.f32 v16, v6;
	v2 =	vld [tilespmem:s5+$0xC880];
	v7 =	vadd.f32 v10, v7  }
0x187: {  	v6 =	vadd.f32 v0, v4;
	v9 =	vadd.f32 v1, v5;
	v3 =	vld [tilespmem:s5+$0xC890]  }
.Ltmp9:
0x188: {  	v8 =	vadd.f32 v11, v8;
	v4 =	vld [tilespmem:s5+$0xC840];
	v7 =	vadd.f32 v12, v7;
	(pc) =	sbr.rel @p1 .LBB2_18-.Ltmp9, $4  }
0x189: {  	v5 =	vld [tilespmem:s5+$0xC850];
	v0 =	vmov v13  }
0x18a: {  	v10 =	vld [tilespmem:s5+$0xC800];
	v1 =	vmov v14  }
0x18b: {  	v12 =	vld [tilespmem:s5+$0xC810]  }
0x18c: {  	s12 =	sadd.s32 $0x400, s12;
	v11 =	vld [tilespmem:s5+$0xC820]  }
0x18d: {  	v13 =	vld [tilespmem:s5+$0xC830]  }
0x18e: {  	v14 =	vld [tilespmem:s5+$0xC860]  }
0x18f: {  	v15 =	vld [tilespmem:s5+$0xC870];
	v6 =	vadd.f32 v10, v6  }
0x190: {  	v10 =	vld [tilespmem:s5+$0xC8A0];
	v9 =	vadd.f32 v12, v9  }
0x191: {  	v12 =	vld [tilespmem:s5+$0xC8B0];
	v8 =	vadd.f32 v11, v8;
	v4 =	vadd.f32 v4, v6  }
0x192: {  	v6 =	vadd.f32 v13, v7;
	v7 =	vld [tilespmem:s5+$0xC8E0];
	v5 =	vadd.f32 v5, v9  }
0x193: {  	v9 =	vld [tilespmem:s5+$0xC8F0];
	v8 =	vadd.f32 v14, v8;
	v2 =	vadd.f32 v2, v4  }
0x194: {  	v4 =	vadd.f32 v15, v6;
	v3 =	vadd.f32 v3, v5  }
0x195: {  	v5 =	vadd.f32 v10, v8;
	v0 =	vadd.f32 v0, v2  }
0x196: {  	v2 =	vadd.f32 v12, v4;
	v1 =	vadd.f32 v1, v3  }
0x197: {  	p1 =	sgt.u32 s10, $0x1B9;
	v3 =	vadd.f32 v7, v5;
	v0 =	vmul.f32 $4.999999890e-03, v0  }
0x198: {  	s5 =	sadd.s32 @!p1 $0x46, s6;
	v2 =	vadd.f32 v9, v2;
	v1 =	vmul.f32 $4.999999890e-03, v1  }
0x199: {  	s5 =	sand.u32 @!p1 $0x7E, s5;
	[tilespmem:s9+$0x13C80] =	vst v0;
	v0 =	vmul.f32 $4.999999890e-03, v3  }
0x19a: {  	s5 =	smul.u32 @!p1 $0x320, s5;
	[tilespmem:s9+$0x13C90] =	vst v1;
	v1 =	vmul.f32 $4.999999890e-03, v2  }
0x19b: {  	[tilespmem:s9+$0x13CA0] =	vst v0  }
0x19c: {  	s12 =	simm.s32 @!p1 $0x80;
	s13 =	simm.s32 @!p1 $0xC800;
	s5 =	sshrl.u32 @!p1 s5, $0x2;
	[tilespmem:s9+$0x13CB0] =	vst v1  }
0x19d: {  	[tilespmem:s13], [sflag:$0x3] =	stream.indirect.gather @!p1 [hbm4b:s4+s12], $0x40, s5, s12, $0xb8;
	[tilespmem:$0x1AC00] =	vst v63  }
0x19e: {  	s5 =	sadd.s32 @!p1 $0x80, s5;
	s12 =	simm.s32 @!p1 $0x48;
	s13 =	simm.s32 @!p1 $0xE800  }
0x19f: {  	[tilespmem:s13], [sflag:$0x3] =	stream.indirect.gather @!p1 [hbm4b:s4+s12], $0x40, s5, s12, $0xb8;
	[tilespmem:$0x1AC00] =	vst v63  }
0x1a0: {  	_ =	swait.ge [sflag:s18], $0x2000  }
0x1a1: {  	[sflag:s18] =	ssyncset.done $0x0  }
0x1a2: {  	[sflag:s18] =	ssyncadd.s32 $0xFFFFE000  }
0x1a3: {  	_ =	swait.ge [sflag:s18], $0x1200  }
0x1a4: {  	[sflag:s18] =	ssyncset.done $0x0  }
0x1a5: {  	s5 =	simm.s32 $0x0;
	[sflag:s18] =	ssyncadd.s32 $0xFFFFEE00  }
0x1a6: {  	v0 =	vld [tilespmem:s5+$0xFAC0]  }
0x1a7: {  	v1 =	vld [tilespmem:s5+$0xFAD0]  }
0x1a8: {  	v2 =	vld [tilespmem:s5+$0xFA80]  }
0x1a9: {  	v3 =	vld [tilespmem:s5+$0xFA90]  }
0x1aa: {  	v4 =	vld [tilespmem:s5+$0xFA40]  }
0x1ab: {  	v5 =	vld [tilespmem:s5+$0xFA50]  }
0x1ac: {  	v10 =	vld [tilespmem:s5+$0xFA00]  }
0x1ad: {  	v6 =	vimm.f32 $0.0e+00;
	v12 =	vld [tilespmem:s5+$0xFA10]  }
0x1ae: {  	v8 =	vimm.f32 $0.0e+00;
	v7 =	vimm.f32 $0.0e+00;
	v9 =	vimm.f32 $0.0e+00;
	s12 =	simm.s32 $0x400;
	v11 =	vld [tilespmem:s5+$0xFA20]  }
.LBB2_20:
0x1af: {  	p1 =	sne.s32 s12, $0xC400;
	v13 =	vld [tilespmem:s5+$0xFA30]  }
0x1b0: {  	v14 =	vld [tilespmem:s5+$0xFA60]  }
0x1b1: {  	v15 =	vld [tilespmem:s5+$0xFA70]  }
0x1b2: {  	v16 =	vld [tilespmem:s5+$0xFAA0]  }
0x1b3: {  	v6 =	vadd.f32 v10, v6;
	v9 =	vadd.f32 v12, v9;
	v10 =	vld [tilespmem:s5+$0xFAB0]  }
0x1b4: {  	v8 =	vadd.f32 v11, v8;
	v7 =	vadd.f32 v13, v7;
	v11 =	vld [tilespmem:s5+$0xFAE0]  }
0x1b5: {  	v4 =	vadd.f32 v4, v6;
	v5 =	vadd.f32 v5, v9;
	v12 =	vld [tilespmem:s5+$0xFAF0];
	s5 =	sshra.s32 s12, $0x2  }
0x1b6: {  	v6 =	vadd.f32 v14, v8;
	v13 =	vld [tilespmem:s5+$0xFAC0];
	v7 =	vadd.f32 v15, v7  }
0x1b7: {  	v4 =	vadd.f32 v2, v4;
	v5 =	vadd.f32 v3, v5;
	v14 =	vld [tilespmem:s5+$0xFAD0]  }
0x1b8: {  	v8 =	vadd.f32 v16, v6;
	v2 =	vld [tilespmem:s5+$0xFA80];
	v7 =	vadd.f32 v10, v7  }
0x1b9: {  	v6 =	vadd.f32 v0, v4;
	v9 =	vadd.f32 v1, v5;
	v3 =	vld [tilespmem:s5+$0xFA90]  }
.Ltmp10:
0x1ba: {  	v8 =	vadd.f32 v11, v8;
	v4 =	vld [tilespmem:s5+$0xFA40];
	v7 =	vadd.f32 v12, v7;
	(pc) =	sbr.rel @p1 .LBB2_20-.Ltmp10, $4  }
0x1bb: {  	v5 =	vld [tilespmem:s5+$0xFA50];
	v0 =	vmov v13  }
0x1bc: {  	v10 =	vld [tilespmem:s5+$0xFA00];
	v1 =	vmov v14  }
0x1bd: {  	v12 =	vld [tilespmem:s5+$0xFA10]  }
0x1be: {  	s12 =	sadd.s32 $0x400, s12;
	v11 =	vld [tilespmem:s5+$0xFA20]  }
0x1bf: {  	v13 =	vld [tilespmem:s5+$0xFA30]  }
0x1c0: {  	v14 =	vld [tilespmem:s5+$0xFA60]  }
0x1c1: {  	v15 =	vld [tilespmem:s5+$0xFA70];
	v6 =	vadd.f32 v10, v6  }
0x1c2: {  	v53 =	vld [tilespmem:s5+$0xFAA0];
	v9 =	vadd.f32 v12, v9  }
0x1c3: {  	v54 =	vld [tilespmem:s5+$0xFAB0];
	v8 =	vadd.f32 v11, v8;
	v4 =	vadd.f32 v4, v6  }
0x1c4: {  	v56 =	vld [tilespmem:s5+$0xFAE0];
	v55 =	vadd.f32 v13, v7;
	v5 =	vadd.f32 v5, v9  }
0x1c5: {  	v57 =	vld [tilespmem:s5+$0xFAF0];
	v8 =	vadd.f32 v14, v8;
	v2 =	vadd.f32 v2, v4  }
0x1c6: {  	v58 =	vadd.f32 v15, v55;
	v3 =	vadd.f32 v3, v5  }
0x1c7: {  	v59 =	vadd.f32 v53, v8;
	v0 =	vadd.f32 v0, v2  }
0x1c8: {  	v60 =	vadd.f32 v54, v58;
	v1 =	vadd.f32 v1, v3  }
0x1c9: {  	p1 =	sgt.u32 s10, $0x1B8;
	v61 =	vadd.f32 v56, v59;
	v0 =	vmul.f32 $4.999999890e-03, v0  }
0x1ca: {  	s5 =	sadd.s32 @!p1 $0x47, s6;
	v2 =	vadd.f32 v57, v60;
	v1 =	vmul.f32 $4.999999890e-03, v1  }
0x1cb: {  	s5 =	sand.u32 @!p1 $0x7F, s5;
	[tilespmem:s9+$0x13CC0] =	vst v0;
	v62 =	vmul.f32 $4.999999890e-03, v61  }
0x1cc: {  	s5 =	smul.u32 @!p1 $0x320, s5;
	[tilespmem:s9+$0x13CD0] =	vst v1;
	v63 =	vmul.f32 $4.999999890e-03, v2  }
0x1cd: {  	s20 =	sadd.s32 $0x1, s20;
	[tilespmem:s9+$0x13CE0] =	vst v62  }
0x1ce: {  	s6 =	simm.s32 @!p1 $0x80;
	s5 =	sshrl.u32 @!p1 s5, $0x2;
	[tilespmem:s9+$0x13CF0] =	vst v63;
	s9 =	simm.s32 @!p1 $0xFA00  }
0x1cf: {  	[tilespmem:s9], [sflag:$0x4] =	stream.indirect.gather @!p1 [hbm4b:s4+s6], $0x40, s5, s6, $0xb8;
	[tilespmem:$0x1AC00] =	vst v63  }
0x1d0: {  	s5 =	sadd.s32 @!p1 $0x80, s5;
	s6 =	simm.s32 @!p1 $0x48;
	s9 =	simm.s32 @!p1 $0x11A00  }
0x1d1: {  	[tilespmem:s9], [sflag:$0x4] =	stream.indirect.gather @!p1 [hbm4b:s4+s6], $0x40, s5, s6, $0xb8;
	[tilespmem:$0x1AC00] =	vst v63  }
0x1d2: {  	p1 =	sne.s32 s20, $0x10  }
.Ltmp11:
0x1d3: {  	_ = 	snop;
	(pc) =	sbr.rel @p1 .LBB2_13-.Ltmp11, $1  }
0x1d4: {  	_ =	sdelay $0x3  }
.Ltmp12:
0x1d5: {  	(pc) =	sbr.rel @p0 .LBB2_24-.Ltmp12, $1  }
0x1d6: {  	_ =	sdelay $0x3  }
0x1d7: {  	s5 =	smul.u32 $0x6400, s26  }
.Ltmp13:
0x1d8: {  	_ = 	snop;
	(pc) =	sbr.rel .LBB2_2-.Ltmp13, $4  }
0x1d9: {  	s5 =	sadd.s32 s5, s8  }
0x1da: {  	s5 =	sshrl.u32 s5, $0x3  }
0x1db: {  	s26 =	sadd.s32 $0x1, s26;
	s5 =	sadd.s32 s3, s5  }
0x1dc: {  	[tilespmem:s11], [sflag:$0x6] =	stream.linear.gather [hbm4b:s5+s2], $0x3200, $0x38;
	[tilespmem:$0x1AC00] =	vst v63  }
.LBB2_25:
0x1dd: {  	_ =	sfence.sel $0x180000  }
0x1de: {  	[bflag:$0x0] =	sbarrier.arrive $0xFFFF  }
0x1df: {  	_ =	strace $0x90000047  }
0x1e0: {  	s0 =	stileid.u32;
	[bflag:$0x2] =	sbarrier.arrive $0xFFFF  }
0x1e1: {  	p0 =	sne.s32 s0, $0x0;
	s0 =	rddreg [dreg:$0x2]  }
0x1e2: {  	s0 =	sadd.s32 @!p0 $0x100000, s0  }
0x1e3: {  	[sflag:s0] =	ssyncadd.tile.s32 @!p0 $0x1;
	_ =	shalt  }
.Lfunc_end2:
_tile_overlayer_lowered:
.L_overlay_start_2:
0x1e4: {  	(tag) =	ssettag $0x2  }
0x1e5: {  	s0 =	rddreg [dreg:$0x0];
	s2 =	stileid.u32  }
0x1e6: {  	s1 =	rddreg [dreg:$0x1];
	p0 =	sne.s32 s2, $0x0  }
0x1e7: {  	s3 =	rddreg [dreg:$0x2];
	[bflag:$0x3] =	sbarrier.arrive $0xFFFF;
	s2 =	simm.s32 @!p0 $0x1C07  }
0x1e8: {  	[timem:s3], [sflag:s2] =	dma.local @!p0 [hbm:s0], s1  }
0x1e9: {  	s0 =	simm.s32 @!p0 $0x7  }
0x1ea: {  	_ =	swait.ge @!p0 [sflag:s0], s1  }
0x1eb: {  	s1 =	ssub.s32 @!p0 $0x0, s1;
	[sflag:s0] =	ssyncset.done @!p0 $0x0  }
0x1ec: {  	[sflag:s0] =	ssyncadd.s32 @!p0 s1  }
0x1ed: {  	[bflag:$0x3] =	sbarrier.arrive $0xFFFF  }
0x1ee: {  	_ =	shalt  }

</sc_bundles>
